<compile_context>
chip_gen: v7x
topology: tpu7x:2x2x1
jax: 0.10.2.dev20260603
libtpu: 0.0.44.dev20260713+nightly
codegen_flags: <defaults>
</compile_context>

<pallas_src>
import functools

import jax
import jax.numpy as jnp
from jax import lax
from jax.experimental import pallas as pl
from jax.experimental.pallas import tpu as pltpu
from jax.experimental.pallas import tpu_sc as plsc

VOCAB = 1000000
D = 64
DP = 128
BATCH = 16384
HIST = 50
ACC_H = 56

NC = 2
NS = 16
NW = NC * NS

GRAN = 128
TOTAL = BATCH * HIST
ROWS = TOTAL // GRAN
ROWS_PER_W = ROWS // NW


def _sc_partials(xt, tabp, zeros):
  mesh = plsc.VectorSubcoreMesh(core_axis_name="c", subcore_axis_name="s")

  @functools.partial(
      pl.kernel,
      out_type=jax.ShapeDtypeStruct((NW, ACC_H, D), jnp.float32),
      mesh=mesh,
      compiler_params=pltpu.CompilerParams(use_tc_tiling_on_sc=True),
      scratch_types=[
          pltpu.VMEM((ROWS_PER_W, GRAN), jnp.int32),
          pltpu.VMEM((GRAN, DP), jnp.float32),
          pltpu.VMEM((GRAN, DP), jnp.float32),
          pltpu.VMEM((GRAN, DP), jnp.float32),
          pltpu.VMEM((GRAN, DP), jnp.float32),
          pltpu.VMEM((GRAN, DP), jnp.float32),
          pltpu.VMEM((ACC_H, D), jnp.float32),
          pltpu.SemaphoreType.DMA,
          pltpu.SemaphoreType.DMA,
          pltpu.SemaphoreType.DMA,
          pltpu.SemaphoreType.DMA,
          pltpu.SemaphoreType.DMA,
      ],
  )
  def k(x_hbm, tab_hbm, zeros_hbm, out_hbm,
        idx_v, r0, r1, r2, r3, r4, acc_v, g0, g1, g2, g3, g4):
    cid = lax.axis_index("c")
    sid = lax.axis_index("s")
    wid = sid * NC + cid
    row_base = wid * ROWS_PER_W
    rbufs = [r0, r1, r2, r3, r4]
    gsems = [g0, g1, g2, g3, g4]

    pltpu.sync_copy(zeros_hbm, acc_v)
    pltpu.sync_copy(x_hbm.at[pl.ds(row_base, ROWS_PER_W)], idx_v)

    def gather_desc(blk, b):
      return pltpu.make_async_copy(
          tab_hbm.at[idx_v.at[blk]], rbufs[b], gsems[b])

    gather_desc(0, 0).start()
    gather_desc(1, 1).start()
    gather_desc(2, 2).start()
    gather_desc(3, 3).start()

    @pl.loop(0, ROWS_PER_W, step=5)
    def _(c):
      for p in range(5):
        blk = c + p

        @pl.when(blk + 4 < ROWS_PER_W)
        def _():
          gather_desc(blk + 4, (p + 4) % 5).start()

        gather_desc(blk, p).wait()

        h = (row_base + blk) // (BATCH // GRAN)
        rbuf = rbufs[p]
        zero = jnp.zeros((16,), jnp.float32)

        def step(it, carry, rbuf=rbuf):
          s0, s1, s2, s3 = carry
          j = it * 16
          for jj in range(16):
            s0 = s0 + rbuf[j + jj, pl.ds(0, 16)]
            s1 = s1 + rbuf[j + jj, pl.ds(16, 16)]
            s2 = s2 + rbuf[j + jj, pl.ds(32, 16)]
            s3 = s3 + rbuf[j + jj, pl.ds(48, 16)]
          return (s0, s1, s2, s3)

        sums = lax.fori_loop(0, GRAN // 16, step, (zero, zero, zero, zero))
        for kk in range(4):
          sl = pl.ds(kk * 16, 16)
          acc_v[h, sl] = acc_v[h, sl] + sums[kk]

    pltpu.sync_copy(acc_v, out_hbm.at[wid])

  return k(xt, tabp, zeros)


def _combine(partials):
  def body(p_ref, o_ref):
    o_ref[...] = jnp.sum(p_ref[:, :HIST, :], axis=0) * (1.0 / BATCH)

  return pl.pallas_call(
      body,
      out_shape=jax.ShapeDtypeStruct((HIST, D), jnp.float32),
  )(partials)


@jax.jit
def kernel(x, table):
  eye = jnp.eye(D, DP, dtype=jnp.float32)
  tabp = jnp.dot(table, eye, precision=jax.lax.Precision.DEFAULT)
  xt = x.T.astype(jnp.int32).reshape(ROWS, GRAN)
  zeros = jnp.zeros((ACC_H, D), jnp.float32)
  partials = _sc_partials(xt, tabp, zeros)
  return _combine(partials)

# --- scband reference (transcript-rebuilt; emitter-appended) ---
"""Pipeline reference for scband-emb-aggregation-13752485282529 (READ-ONLY COPY).

The authoritative reference and input builder live on the scoring server;
editing this copy changes nothing except your own understanding.
"""

import jax, jax.numpy as jnp
import numpy as np

VOCAB = 1000000
EMBED_DIM = 64
BATCH = 16384
HIST = 50

def setup_inputs(seed: int = 0) -> dict:
    key = jax.random.key(seed)
    k_table, k_idx = jax.random.split(key)
    # pretrained embedding table materialized per init_kwargs [1000000, 64]
    table = jax.random.normal(k_table, (VOCAB, EMBED_DIM), dtype=jnp.float32)
    x = jax.random.randint(k_idx, (BATCH, HIST), 0, VOCAB, dtype=jnp.int64)
    return {"x": x, "table": table}

def reference(x, table):
    # embedding lookup (gather) followed by mean aggregation over dim 0,
    # faithful to EmbAggregation.forward + dummy_aggreggation
    sentence_embs = jnp.take(table, x, axis=0)  # [BATCH, HIST, EMBED_DIM]
    aggregated = jnp.mean(sentence_embs, axis=0).astype(jnp.float32)  # [HIST, EMBED_DIM]
    return aggregated

if __name__ == "__main__":
    import jax
    _d = setup_inputs()
    print(jax.jit(kernel)(*tuple(_d.values())))

</pallas_src>

<mosaic_0001>
#map = affine_map<(d0, d1) -> (0, 0)>
#map1 = affine_map<(d0, d1) -> (0, 0, 0)>
module attributes {stable_mosaic.version = 14 : i64} {
  func.func @k(%arg0: i32, %arg1: i32, %arg2: memref<6400x128xi32, #tpu.memory_space<hbm>>, %arg3: memref<1000000x128xf32, #tpu.memory_space<hbm>>, %arg4: memref<56x64xf32, #tpu.memory_space<hbm>>, %arg5: memref<32x56x64xf32, #tpu.memory_space<hbm>>, %arg6: memref<200x128xi32, #tpu.memory_space<vmem>>, %arg7: memref<128x128xf32, #tpu.memory_space<vmem>>, %arg8: memref<128x128xf32, #tpu.memory_space<vmem>>, %arg9: memref<128x128xf32, #tpu.memory_space<vmem>>, %arg10: memref<128x128xf32, #tpu.memory_space<vmem>>, %arg11: memref<128x128xf32, #tpu.memory_space<vmem>>, %arg12: memref<56x64xf32, #tpu.memory_space<vmem>>, %arg13: memref<!tpu.dma_semaphore, #tpu.memory_space<semaphore_mem>>, %arg14: memref<!tpu.dma_semaphore, #tpu.memory_space<semaphore_mem>>, %arg15: memref<!tpu.dma_semaphore, #tpu.memory_space<semaphore_mem>>, %arg16: memref<!tpu.dma_semaphore, #tpu.memory_space<semaphore_mem>>, %arg17: memref<!tpu.dma_semaphore, #tpu.memory_space<semaphore_mem>>) attributes {dimension_semantics = [#tpu.dimension_semantics<core_parallel>, #tpu.dimension_semantics<subcore_parallel>], iteration_bounds = array<i64: 2, 16>, scalar_prefetch = 0 : i64, scratch_operands = 12 : i64, tpu.core_type = #tpu.core_type<sc_vector_subcore>, window_params = [{transform_indices = #map}, {transform_indices = #map}, {transform_indices = #map}, {transform_indices = #map1}]} {
    %mul3A = arith.constant 2 : i32
    %mul3A_0 = arith.muli %arg1, %mul3A : i32
    %add3A = arith.addi %mul3A_0, %arg0 : i32
    %mul3A_1 = arith.constant 200 : i32
    %mul3A_2 = arith.muli %add3A, %mul3A_1 : i32
    "tpu.region"() ({
      %run_scoped3A = tpu.sem_alloc : memref<!tpu.dma_semaphore, #tpu.memory_space<semaphore_mem>>
      tpu.enqueue_dma source(%arg4 : memref<56x64xf32, #tpu.memory_space<hbm>>) target(%arg12 : memref<56x64xf32, #tpu.memory_space<vmem>>) target_semaphore(%run_scoped3A : memref<!tpu.dma_semaphore, #tpu.memory_space<semaphore_mem>>)
      tpu.wait_dma2 semaphore(%run_scoped3A : memref<!tpu.dma_semaphore, #tpu.memory_space<semaphore_mem>>) src(%arg4 : memref<56x64xf32, #tpu.memory_space<hbm>>) dst(%arg12 : memref<56x64xf32, #tpu.memory_space<vmem>>)
      tpu.yield
    }) : () -> ()
    "tpu.region"() ({
      %run_scoped3A = tpu.sem_alloc : memref<!tpu.dma_semaphore, #tpu.memory_space<semaphore_mem>>
      %dma_start3A_34 = arith.constant 0 : i32
      %dma_start3A_35 = tpu.memref_slice %arg2[%mul3A_2, %dma_start3A_34] : memref<6400x128xi32, #tpu.memory_space<hbm>> -> memref<200x128xi32, #tpu.memory_space<hbm>>
      %dma_start3A_36 = arith.constant 0 : i32
      %dma_start3A_37 = tpu.memref_slice %arg2[%mul3A_2, %dma_start3A_36] : memref<6400x128xi32, #tpu.memory_space<hbm>> -> memref<200x128xi32, #tpu.memory_space<hbm>>
      tpu.enqueue_dma source(%dma_start3A_37 : memref<200x128xi32, #tpu.memory_space<hbm>>) target(%arg6 : memref<200x128xi32, #tpu.memory_space<vmem>>) target_semaphore(%run_scoped3A : memref<!tpu.dma_semaphore, #tpu.memory_space<semaphore_mem>>)
      %dma_wait3A = arith.constant 0 : i32
      %dma_wait3A_38 = tpu.memref_slice %arg2[%mul3A_2, %dma_wait3A] : memref<6400x128xi32, #tpu.memory_space<hbm>> -> memref<200x128xi32, #tpu.memory_space<hbm>>
      %dma_wait3A_39 = arith.constant 0 : i32
      %dma_wait3A_40 = tpu.memref_slice %arg2[%mul3A_2, %dma_wait3A_39] : memref<6400x128xi32, #tpu.memory_space<hbm>> -> memref<200x128xi32, #tpu.memory_space<hbm>>
      tpu.wait_dma2 semaphore(%run_scoped3A : memref<!tpu.dma_semaphore, #tpu.memory_space<semaphore_mem>>) src(%dma_wait3A_40 : memref<200x128xi32, #tpu.memory_space<hbm>>) dst(%arg6 : memref<200x128xi32, #tpu.memory_space<vmem>>)
      tpu.yield
    }) : () -> ()
    %dma_start3A = arith.constant 0 : i32
    %dma_start3A_3 = arith.constant 0 : i32
    %dma_start3A_4 = tpu.memref_slice %arg6[%dma_start3A, %dma_start3A_3] : memref<200x128xi32, #tpu.memory_space<vmem>> -> memref<1x128xi32, #tpu.memory_space<vmem>>
    %dma_start3A_5 = tpu.memref_squeeze %dma_start3A_4 : memref<1x128xi32, #tpu.memory_space<vmem>> -> memref<128xi32, #tpu.memory_space<vmem>>
    %dma_start3A_6 = arith.constant 0 : i32
    %dma_start3A_7 = arith.constant 0 : i32
    %dma_start3A_8 = tpu.memref_slice %arg3[%dma_start3A_6, %dma_start3A_7] : memref<1000000x128xf32, #tpu.memory_space<hbm>> -> memref<1000000x128xf32, #tpu.memory_space<hbm>>
    tpu.enqueue_indirect_dma source(%dma_start3A_8 : memref<1000000x128xf32, #tpu.memory_space<hbm>>) target(%arg7 : memref<128x128xf32, #tpu.memory_space<vmem>>) offsets(%dma_start3A_5 : memref<128xi32, #tpu.memory_space<vmem>>) semaphore(%arg13 : memref<!tpu.dma_semaphore, #tpu.memory_space<semaphore_mem>>)
    %dma_start3A_9 = arith.constant 1 : i32
    %dma_start3A_10 = arith.constant 0 : i32
    %dma_start3A_11 = tpu.memref_slice %arg6[%dma_start3A_9, %dma_start3A_10] : memref<200x128xi32, #tpu.memory_space<vmem>> -> memref<1x128xi32, #tpu.memory_space<vmem>>
    %dma_start3A_12 = tpu.memref_squeeze %dma_start3A_11 : memref<1x128xi32, #tpu.memory_space<vmem>> -> memref<128xi32, #tpu.memory_space<vmem>>
    %dma_start3A_13 = arith.constant 0 : i32
    %dma_start3A_14 = arith.constant 0 : i32
    %dma_start3A_15 = tpu.memref_slice %arg3[%dma_start3A_13, %dma_start3A_14] : memref<1000000x128xf32, #tpu.memory_space<hbm>> -> memref<1000000x128xf32, #tpu.memory_space<hbm>>
    tpu.enqueue_indirect_dma source(%dma_start3A_15 : memref<1000000x128xf32, #tpu.memory_space<hbm>>) target(%arg8 : memref<128x128xf32, #tpu.memory_space<vmem>>) offsets(%dma_start3A_12 : memref<128xi32, #tpu.memory_space<vmem>>) semaphore(%arg14 : memref<!tpu.dma_semaphore, #tpu.memory_space<semaphore_mem>>)
    %dma_start3A_16 = arith.constant 2 : i32
    %dma_start3A_17 = arith.constant 0 : i32
    %dma_start3A_18 = tpu.memref_slice %arg6[%dma_start3A_16, %dma_start3A_17] : memref<200x128xi32, #tpu.memory_space<vmem>> -> memref<1x128xi32, #tpu.memory_space<vmem>>
    %dma_start3A_19 = tpu.memref_squeeze %dma_start3A_18 : memref<1x128xi32, #tpu.memory_space<vmem>> -> memref<128xi32, #tpu.memory_space<vmem>>
    %dma_start3A_20 = arith.constant 0 : i32
    %dma_start3A_21 = arith.constant 0 : i32
    %dma_start3A_22 = tpu.memref_slice %arg3[%dma_start3A_20, %dma_start3A_21] : memref<1000000x128xf32, #tpu.memory_space<hbm>> -> memref<1000000x128xf32, #tpu.memory_space<hbm>>
    tpu.enqueue_indirect_dma source(%dma_start3A_22 : memref<1000000x128xf32, #tpu.memory_space<hbm>>) target(%arg9 : memref<128x128xf32, #tpu.memory_space<vmem>>) offsets(%dma_start3A_19 : memref<128xi32, #tpu.memory_space<vmem>>) semaphore(%arg15 : memref<!tpu.dma_semaphore, #tpu.memory_space<semaphore_mem>>)
    %dma_start3A_23 = arith.constant 3 : i32
    %dma_start3A_24 = arith.constant 0 : i32
    %dma_start3A_25 = tpu.memref_slice %arg6[%dma_start3A_23, %dma_start3A_24] : memref<200x128xi32, #tpu.memory_space<vmem>> -> memref<1x128xi32, #tpu.memory_space<vmem>>
    %dma_start3A_26 = tpu.memref_squeeze %dma_start3A_25 : memref<1x128xi32, #tpu.memory_space<vmem>> -> memref<128xi32, #tpu.memory_space<vmem>>
    %dma_start3A_27 = arith.constant 0 : i32
    %dma_start3A_28 = arith.constant 0 : i32
    %dma_start3A_29 = tpu.memref_slice %arg3[%dma_start3A_27, %dma_start3A_28] : memref<1000000x128xf32, #tpu.memory_space<hbm>> -> memref<1000000x128xf32, #tpu.memory_space<hbm>>
    tpu.enqueue_indirect_dma source(%dma_start3A_29 : memref<1000000x128xf32, #tpu.memory_space<hbm>>) target(%arg10 : memref<128x128xf32, #tpu.memory_space<vmem>>) offsets(%dma_start3A_26 : memref<128xi32, #tpu.memory_space<vmem>>) semaphore(%arg16 : memref<!tpu.dma_semaphore, #tpu.memory_space<semaphore_mem>>)
    %scan3A = arith.constant 0 : i32
    %scan3A_30 = arith.constant 40 : i32
    %scan3A_31 = arith.addi %scan3A, %scan3A_30 : i32
    %scan3A_32 = arith.constant 1 : i32
    scf.for %scan3A_34 = %scan3A to %scan3A_31 step %scan3A_32  : i32 {
      %mul3A_35 = arith.constant 5 : i32
      %mul3A_36 = arith.muli %scan3A_34, %mul3A_35 : i32
      %add3A_37 = arith.constant 0 : i32
      %add3A_38 = arith.addi %add3A_37, %mul3A_36 : i32
      %add3A_39 = arith.constant 0 : i32
      %add3A_40 = arith.addi %add3A_38, %add3A_39 : i32
      %add3A_41 = arith.constant 4 : i32
      %add3A_42 = arith.addi %add3A_40, %add3A_41 : i32
      %lt3A = arith.constant 200 : i32
      %lt3A_43 = arith.cmpi slt, %add3A_42, %lt3A : i32
      %convert_element_type3A = arith.extui %lt3A_43 : i1 to i32
      %cond3A = arith.constant 0 : i32
      %cond3A_44 = arith.cmpi ne, %convert_element_type3A, %cond3A : i32
      scf.if %cond3A_44 {
        %add3A_464 = arith.constant 4 : i32
        %add3A_465 = arith.addi %add3A_40, %add3A_464 : i32
        %dma_start3A_466 = arith.constant 0 : i32
        %dma_start3A_467 = tpu.memref_slice %arg6[%add3A_465, %dma_start3A_466] : memref<200x128xi32, #tpu.memory_space<vmem>> -> memref<1x128xi32, #tpu.memory_space<vmem>>
        %dma_start3A_468 = tpu.memref_squeeze %dma_start3A_467 : memref<1x128xi32, #tpu.memory_space<vmem>> -> memref<128xi32, #tpu.memory_space<vmem>>
        %dma_start3A_469 = arith.constant 0 : i32
        %dma_start3A_470 = arith.constant 0 : i32
        %dma_start3A_471 = tpu.memref_slice %arg3[%dma_start3A_469, %dma_start3A_470] : memref<1000000x128xf32, #tpu.memory_space<hbm>> -> memref<1000000x128xf32, #tpu.memory_space<hbm>>
        tpu.enqueue_indirect_dma source(%dma_start3A_471 : memref<1000000x128xf32, #tpu.memory_space<hbm>>) target(%arg11 : memref<128x128xf32, #tpu.memory_space<vmem>>) offsets(%dma_start3A_468 : memref<128xi32, #tpu.memory_space<vmem>>) semaphore(%arg17 : memref<!tpu.dma_semaphore, #tpu.memory_space<semaphore_mem>>)
      } else {
      }
      %dma_wait3A = arith.constant 0 : i32
      %dma_wait3A_45 = tpu.memref_slice %arg6[%add3A_40, %dma_wait3A] : memref<200x128xi32, #tpu.memory_space<vmem>> -> memref<1x128xi32, #tpu.memory_space<vmem>>
      %dma_wait3A_46 = tpu.memref_squeeze %dma_wait3A_45 : memref<1x128xi32, #tpu.memory_space<vmem>> -> memref<128xi32, #tpu.memory_space<vmem>>
      %dma_wait3A_47 = arith.constant 0 : i32
      %dma_wait3A_48 = arith.constant 0 : i32
      %dma_wait3A_49 = tpu.memref_slice %arg3[%dma_wait3A_47, %dma_wait3A_48] : memref<1000000x128xf32, #tpu.memory_space<hbm>> -> memref<1000000x128xf32, #tpu.memory_space<hbm>>
      tpu.wait_indirect_dma semaphore(%arg13 : memref<!tpu.dma_semaphore, #tpu.memory_space<semaphore_mem>>) src(%dma_wait3A_49 : memref<1000000x128xf32, #tpu.memory_space<hbm>>) dst(%arg7 : memref<128x128xf32, #tpu.memory_space<vmem>>)
      %add3A_50 = arith.addi %mul3A_2, %add3A_40 : i32
      %jit3A = arith.constant 128 : i32
      %div3A = arith.divsi %add3A_50, %jit3A : i32
      %sign3A = arith.constant 0 : i32
      %sign3A_51 = arith.cmpi sgt, %add3A_50, %sign3A : i32
      %sign3A_52 = arith.extui %sign3A_51 : i1 to i32
      %sign3A_53 = arith.constant 0 : i32
      %sign3A_54 = arith.cmpi slt, %add3A_50, %sign3A_53 : i32
      %sign3A_55 = arith.extui %sign3A_54 : i1 to i32
      %sign3A_56 = arith.subi %sign3A_52, %sign3A_55 : i32
      %sign3A_57 = arith.constant 0 : i32
      %sign3A_58 = arith.cmpi sgt, %jit3A, %sign3A_57 : i32
      %sign3A_59 = arith.extui %sign3A_58 : i1 to i32
      %sign3A_60 = arith.constant 0 : i32
      %sign3A_61 = arith.cmpi slt, %jit3A, %sign3A_60 : i32
      %sign3A_62 = arith.extui %sign3A_61 : i1 to i32
      %sign3A_63 = arith.subi %sign3A_59, %sign3A_62 : i32
      %ne3A = arith.cmpi ne, %sign3A_56, %sign3A_63 : i32
      %rem3A = arith.remsi %add3A_50, %jit3A : i32
      %ne3A_64 = arith.constant 0 : i32
      %ne3A_65 = arith.cmpi ne, %rem3A, %ne3A_64 : i32
      %and3A = arith.andi %ne3A, %ne3A_65 : i1
      %sub3A = arith.constant 1 : i32
      %sub3A_66 = arith.subi %div3A, %sub3A : i32
      %select_n3A = arith.select %and3A, %sub3A_66, %div3A : i32
      %broadcast_in_dim3A = arith.constant 0.000000e+00 : f32
      %broadcast_in_dim3A_67 = vector.broadcast %broadcast_in_dim3A : f32 to vector<16xf32>
      %scan3A_68 = arith.constant 0 : i32
      %scan3A_69 = arith.constant 8 : i32
      %scan3A_70 = arith.addi %scan3A_68, %scan3A_69 : i32
      %scan3A_71 = arith.constant 1 : i32
      %scan3A_72:4 = scf.for %scan3A_464 = %scan3A_68 to %scan3A_70 step %scan3A_71 iter_args(%scan3A_465 = %broadcast_in_dim3A_67, %scan3A_466 = %broadcast_in_dim3A_67, %scan3A_467 = %broadcast_in_dim3A_67, %scan3A_468 = %broadcast_in_dim3A_67) -> (vector<16xf32>, vector<16xf32>, vector<16xf32>, vector<16xf32>)  : i32 {
        %mul3A_469 = arith.constant 16 : i32
        %mul3A_470 = arith.muli %scan3A_464, %mul3A_469 : i32
        %add3A_471 = arith.constant 0 : i32
        %add3A_472 = arith.addi %mul3A_470, %add3A_471 : i32
        %get3A_473 = arith.index_cast %add3A_472 : i32 to index
        %get3A_474 = arith.constant 0 : index
        %get3A_475 = tpu.vector_load %arg7[%get3A_473, %get3A_474] {strides = array<i32>} : memref<128x128xf32, #tpu.memory_space<vmem>>, vector<1x16xf32>,
        %get3A_476 = vector.shape_cast %get3A_475 : vector<1x16xf32> to vector<16xf32>
        %add3A_477 = arith.addf %scan3A_465, %get3A_476 : vector<16xf32>
        %add3A_478 = arith.constant 0 : i32
        %add3A_479 = arith.addi %mul3A_470, %add3A_478 : i32
        %get3A_480 = arith.index_cast %add3A_479 : i32 to index
        %get3A_481 = arith.constant 16 : index
        %get3A_482 = tpu.vector_load %arg7[%get3A_480, %get3A_481] {strides = array<i32>} : memref<128x128xf32, #tpu.memory_space<vmem>>, vector<1x16xf32>,
        %get3A_483 = vector.shape_cast %get3A_482 : vector<1x16xf32> to vector<16xf32>
        %add3A_484 = arith.addf %scan3A_466, %get3A_483 : vector<16xf32>
        %add3A_485 = arith.constant 0 : i32
        %add3A_486 = arith.addi %mul3A_470, %add3A_485 : i32
        %get3A_487 = arith.index_cast %add3A_486 : i32 to index
        %get3A_488 = arith.constant 32 : index
        %get3A_489 = tpu.vector_load %arg7[%get3A_487, %get3A_488] {strides = array<i32>} : memref<128x128xf32, #tpu.memory_space<vmem>>, vector<1x16xf32>,
        %get3A_490 = vector.shape_cast %get3A_489 : vector<1x16xf32> to vector<16xf32>
        %add3A_491 = arith.addf %scan3A_467, %get3A_490 : vector<16xf32>
        %add3A_492 = arith.constant 0 : i32
        %add3A_493 = arith.addi %mul3A_470, %add3A_492 : i32
        %get3A_494 = arith.index_cast %add3A_493 : i32 to index
        %get3A_495 = arith.constant 48 : index
        %get3A_496 = tpu.vector_load %arg7[%get3A_494, %get3A_495] {strides = array<i32>} : memref<128x128xf32, #tpu.memory_space<vmem>>, vector<1x16xf32>,
        %get3A_497 = vector.shape_cast %get3A_496 : vector<1x16xf32> to vector<16xf32>
        %add3A_498 = arith.addf %scan3A_468, %get3A_497 : vector<16xf32>
        %add3A_499 = arith.constant 1 : i32
        %add3A_500 = arith.addi %mul3A_470, %add3A_499 : i32
        %get3A_501 = arith.index_cast %add3A_500 : i32 to index
        %get3A_502 = arith.constant 0 : index
        %get3A_503 = tpu.vector_load %arg7[%get3A_501, %get3A_502] {strides = array<i32>} : memref<128x128xf32, #tpu.memory_space<vmem>>, vector<1x16xf32>,
        %get3A_504 = vector.shape_cast %get3A_503 : vector<1x16xf32> to vector<16xf32>
        %add3A_505 = arith.addf %add3A_477, %get3A_504 : vector<16xf32>
        %add3A_506 = arith.constant 1 : i32
        %add3A_507 = arith.addi %mul3A_470, %add3A_506 : i32
        %get3A_508 = arith.index_cast %add3A_507 : i32 to index
        %get3A_509 = arith.constant 16 : index
        %get3A_510 = tpu.vector_load %arg7[%get3A_508, %get3A_509] {strides = array<i32>} : memref<128x128xf32, #tpu.memory_space<vmem>>, vector<1x16xf32>,
        %get3A_511 = vector.shape_cast %get3A_510 : vector<1x16xf32> to vector<16xf32>
        %add3A_512 = arith.addf %add3A_484, %get3A_511 : vector<16xf32>
        %add3A_513 = arith.constant 1 : i32
        %add3A_514 = arith.addi %mul3A_470, %add3A_513 : i32
        %get3A_515 = arith.index_cast %add3A_514 : i32 to index
        %get3A_516 = arith.constant 32 : index
        %get3A_517 = tpu.vector_load %arg7[%get3A_515, %get3A_516] {strides = array<i32>} : memref<128x128xf32, #tpu.memory_space<vmem>>, vector<1x16xf32>,
        %get3A_518 = vector.shape_cast %get3A_517 : vector<1x16xf32> to vector<16xf32>
        %add3A_519 = arith.addf %add3A_491, %get3A_518 : vector<16xf32>
        %add3A_520 = arith.constant 1 : i32
        %add3A_521 = arith.addi %mul3A_470, %add3A_520 : i32
        %get3A_522 = arith.index_cast %add3A_521 : i32 to index
        %get3A_523 = arith.constant 48 : index
        %get3A_524 = tpu.vector_load %arg7[%get3A_522, %get3A_523] {strides = array<i32>} : memref<128x128xf32, #tpu.memory_space<vmem>>, vector<1x16xf32>,
        %get3A_525 = vector.shape_cast %get3A_524 : vector<1x16xf32> to vector<16xf32>
        %add3A_526 = arith.addf %add3A_498, %get3A_525 : vector<16xf32>
        %add3A_527 = arith.constant 2 : i32
        %add3A_528 = arith.addi %mul3A_470, %add3A_527 : i32
        %get3A_529 = arith.index_cast %add3A_528 : i32 to index
        %get3A_530 = arith.constant 0 : index
        %get3A_531 = tpu.vector_load %arg7[%get3A_529, %get3A_530] {strides = array<i32>} : memref<128x128xf32, #tpu.memory_space<vmem>>, vector<1x16xf32>,
        %get3A_532 = vector.shape_cast %get3A_531 : vector<1x16xf32> to vector<16xf32>
        %add3A_533 = arith.addf %add3A_505, %get3A_532 : vector<16xf32>
        %add3A_534 = arith.constant 2 : i32
        %add3A_535 = arith.addi %mul3A_470, %add3A_534 : i32
        %get3A_536 = arith.index_cast %add3A_535 : i32 to index
        %get3A_537 = arith.constant 16 : index
        %get3A_538 = tpu.vector_load %arg7[%get3A_536, %get3A_537] {strides = array<i32>} : memref<128x128xf32, #tpu.memory_space<vmem>>, vector<1x16xf32>,
        %get3A_539 = vector.shape_cast %get3A_538 : vector<1x16xf32> to vector<16xf32>
        %add3A_540 = arith.addf %add3A_512, %get3A_539 : vector<16xf32>
        %add3A_541 = arith.constant 2 : i32
        %add3A_542 = arith.addi %mul3A_470, %add3A_541 : i32
        %get3A_543 = arith.index_cast %add3A_542 : i32 to index
        %get3A_544 = arith.constant 32 : index
        %get3A_545 = tpu.vector_load %arg7[%get3A_543, %get3A_544] {strides = array<i32>} : memref<128x128xf32, #tpu.memory_space<vmem>>, vector<1x16xf32>,
        %get3A_546 = vector.shape_cast %get3A_545 : vector<1x16xf32> to vector<16xf32>
        %add3A_547 = arith.addf %add3A_519, %get3A_546 : vector<16xf32>
        %add3A_548 = arith.constant 2 : i32
        %add3A_549 = arith.addi %mul3A_470, %add3A_548 : i32
        %get3A_550 = arith.index_cast %add3A_549 : i32 to index
        %get3A_551 = arith.constant 48 : index
        %get3A_552 = tpu.vector_load %arg7[%get3A_550, %get3A_551] {strides = array<i32>} : memref<128x128xf32, #tpu.memory_space<vmem>>, vector<1x16xf32>,
        %get3A_553 = vector.shape_cast %get3A_552 : vector<1x16xf32> to vector<16xf32>
        %add3A_554 = arith.addf %add3A_526, %get3A_553 : vector<16xf32>
        %add3A_555 = arith.constant 3 : i32
        %add3A_556 = arith.addi %mul3A_470, %add3A_555 : i32
        %get3A_557 = arith.index_cast %add3A_556 : i32 to index
        %get3A_558 = arith.constant 0 : index
        %get3A_559 = tpu.vector_load %arg7[%get3A_557, %get3A_558] {strides = array<i32>} : memref<128x128xf32, #tpu.memory_space<vmem>>, vector<1x16xf32>,
        %get3A_560 = vector.shape_cast %get3A_559 : vector<1x16xf32> to vector<16xf32>
        %add3A_561 = arith.addf %add3A_533, %get3A_560 : vector<16xf32>
        %add3A_562 = arith.constant 3 : i32
        %add3A_563 = arith.addi %mul3A_470, %add3A_562 : i32
        %get3A_564 = arith.index_cast %add3A_563 : i32 to index
        %get3A_565 = arith.constant 16 : index
        %get3A_566 = tpu.vector_load %arg7[%get3A_564, %get3A_565] {strides = array<i32>} : memref<128x128xf32, #tpu.memory_space<vmem>>, vector<1x16xf32>,
        %get3A_567 = vector.shape_cast %get3A_566 : vector<1x16xf32> to vector<16xf32>
        %add3A_568 = arith.addf %add3A_540, %get3A_567 : vector<16xf32>
        %add3A_569 = arith.constant 3 : i32
        %add3A_570 = arith.addi %mul3A_470, %add3A_569 : i32
        %get3A_571 = arith.index_cast %add3A_570 : i32 to index
        %get3A_572 = arith.constant 32 : index
        %get3A_573 = tpu.vector_load %arg7[%get3A_571, %get3A_572] {strides = array<i32>} : memref<128x128xf32, #tpu.memory_space<vmem>>, vector<1x16xf32>,
        %get3A_574 = vector.shape_cast %get3A_573 : vector<1x16xf32> to vector<16xf32>
        %add3A_575 = arith.addf %add3A_547, %get3A_574 : vector<16xf32>
        %add3A_576 = arith.constant 3 : i32
        %add3A_577 = arith.addi %mul3A_470, %add3A_576 : i32
        %get3A_578 = arith.index_cast %add3A_577 : i32 to index
        %get3A_579 = arith.constant 48 : index
        %get3A_580 = tpu.vector_load %arg7[%get3A_578, %get3A_579] {strides = array<i32>} : memref<128x128xf32, #tpu.memory_space<vmem>>, vector<1x16xf32>,
        %get3A_581 = vector.shape_cast %get3A_580 : vector<1x16xf32> to vector<16xf32>
        %add3A_582 = arith.addf %add3A_554, %get3A_581 : vector<16xf32>
        %add3A_583 = arith.constant 4 : i32
        %add3A_584 = arith.addi %mul3A_470, %add3A_583 : i32
        %get3A_585 = arith.index_cast %add3A_584 : i32 to index
        %get3A_586 = arith.constant 0 : index
        %get3A_587 = tpu.vector_load %arg7[%get3A_585, %get3A_586] {strides = array<i32>} : memref<128x128xf32, #tpu.memory_space<vmem>>, vector<1x16xf32>,
        %get3A_588 = vector.shape_cast %get3A_587 : vector<1x16xf32> to vector<16xf32>
        %add3A_589 = arith.addf %add3A_561, %get3A_588 : vector<16xf32>
        %add3A_590 = arith.constant 4 : i32
        %add3A_591 = arith.addi %mul3A_470, %add3A_590 : i32
        %get3A_592 = arith.index_cast %add3A_591 : i32 to index
        %get3A_593 = arith.constant 16 : index
        %get3A_594 = tpu.vector_load %arg7[%get3A_592, %get3A_593] {strides = array<i32>} : memref<128x128xf32, #tpu.memory_space<vmem>>, vector<1x16xf32>,
        %get3A_595 = vector.shape_cast %get3A_594 : vector<1x16xf32> to vector<16xf32>
        %add3A_596 = arith.addf %add3A_568, %get3A_595 : vector<16xf32>
        %add3A_597 = arith.constant 4 : i32
        %add3A_598 = arith.addi %mul3A_470, %add3A_597 : i32
        %get3A_599 = arith.index_cast %add3A_598 : i32 to index
        %get3A_600 = arith.constant 32 : index
        %get3A_601 = tpu.vector_load %arg7[%get3A_599, %get3A_600] {strides = array<i32>} : memref<128x128xf32, #tpu.memory_space<vmem>>, vector<1x16xf32>,
        %get3A_602 = vector.shape_cast %get3A_601 : vector<1x16xf32> to vector<16xf32>
        %add3A_603 = arith.addf %add3A_575, %get3A_602 : vector<16xf32>
        %add3A_604 = arith.constant 4 : i32
        %add3A_605 = arith.addi %mul3A_470, %add3A_604 : i32
        %get3A_606 = arith.index_cast %add3A_605 : i32 to index
        %get3A_607 = arith.constant 48 : index
        %get3A_608 = tpu.vector_load %arg7[%get3A_606, %get3A_607] {strides = array<i32>} : memref<128x128xf32, #tpu.memory_space<vmem>>, vector<1x16xf32>,
        %get3A_609 = vector.shape_cast %get3A_608 : vector<1x16xf32> to vector<16xf32>
        %add3A_610 = arith.addf %add3A_582, %get3A_609 : vector<16xf32>
        %add3A_611 = arith.constant 5 : i32
        %add3A_612 = arith.addi %mul3A_470, %add3A_611 : i32
        %get3A_613 = arith.index_cast %add3A_612 : i32 to index
        %get3A_614 = arith.constant 0 : index
        %get3A_615 = tpu.vector_load %arg7[%get3A_613, %get3A_614] {strides = array<i32>} : memref<128x128xf32, #tpu.memory_space<vmem>>, vector<1x16xf32>,
        %get3A_616 = vector.shape_cast %get3A_615 : vector<1x16xf32> to vector<16xf32>
        %add3A_617 = arith.addf %add3A_589, %get3A_616 : vector<16xf32>
        %add3A_618 = arith.constant 5 : i32
        %add3A_619 = arith.addi %mul3A_470, %add3A_618 : i32
        %get3A_620 = arith.index_cast %add3A_619 : i32 to index
        %get3A_621 = arith.constant 16 : index
        %get3A_622 = tpu.vector_load %arg7[%get3A_620, %get3A_621] {strides = array<i32>} : memref<128x128xf32, #tpu.memory_space<vmem>>, vector<1x16xf32>,
        %get3A_623 = vector.shape_cast %get3A_622 : vector<1x16xf32> to vector<16xf32>
        %add3A_624 = arith.addf %add3A_596, %get3A_623 : vector<16xf32>
        %add3A_625 = arith.constant 5 : i32
        %add3A_626 = arith.addi %mul3A_470, %add3A_625 : i32
        %get3A_627 = arith.index_cast %add3A_626 : i32 to index
        %get3A_628 = arith.constant 32 : index
        %get3A_629 = tpu.vector_load %arg7[%get3A_627, %get3A_628] {strides = array<i32>} : memref<128x128xf32, #tpu.memory_space<vmem>>, vector<1x16xf32>,
        %get3A_630 = vector.shape_cast %get3A_629 : vector<1x16xf32> to vector<16xf32>
        %add3A_631 = arith.addf %add3A_603, %get3A_630 : vector<16xf32>
        %add3A_632 = arith.constant 5 : i32
        %add3A_633 = arith.addi %mul3A_470, %add3A_632 : i32
        %get3A_634 = arith.index_cast %add3A_633 : i32 to index
        %get3A_635 = arith.constant 48 : index
        %get3A_636 = tpu.vector_load %arg7[%get3A_634, %get3A_635] {strides = array<i32>} : memref<128x128xf32, #tpu.memory_space<vmem>>, vector<1x16xf32>,
        %get3A_637 = vector.shape_cast %get3A_636 : vector<1x16xf32> to vector<16xf32>
        %add3A_638 = arith.addf %add3A_610, %get3A_637 : vector<16xf32>
        %add3A_639 = arith.constant 6 : i32
        %add3A_640 = arith.addi %mul3A_470, %add3A_639 : i32
        %get3A_641 = arith.index_cast %add3A_640 : i32 to index
        %get3A_642 = arith.constant 0 : index
        %get3A_643 = tpu.vector_load %arg7[%get3A_641, %get3A_642] {strides = array<i32>} : memref<128x128xf32, #tpu.memory_space<vmem>>, vector<1x16xf32>,
        %get3A_644 = vector.shape_cast %get3A_643 : vector<1x16xf32> to vector<16xf32>
        %add3A_645 = arith.addf %add3A_617, %get3A_644 : vector<16xf32>
        %add3A_646 = arith.constant 6 : i32
        %add3A_647 = arith.addi %mul3A_470, %add3A_646 : i32
        %get3A_648 = arith.index_cast %add3A_647 : i32 to index
        %get3A_649 = arith.constant 16 : index
        %get3A_650 = tpu.vector_load %arg7[%get3A_648, %get3A_649] {strides = array<i32>} : memref<128x128xf32, #tpu.memory_space<vmem>>, vector<1x16xf32>,
        %get3A_651 = vector.shape_cast %get3A_650 : vector<1x16xf32> to vector<16xf32>
        %add3A_652 = arith.addf %add3A_624, %get3A_651 : vector<16xf32>
        %add3A_653 = arith.constant 6 : i32
        %add3A_654 = arith.addi %mul3A_470, %add3A_653 : i32
        %get3A_655 = arith.index_cast %add3A_654 : i32 to index
        %get3A_656 = arith.constant 32 : index
        %get3A_657 = tpu.vector_load %arg7[%get3A_655, %get3A_656] {strides = array<i32>} : memref<128x128xf32, #tpu.memory_space<vmem>>, vector<1x16xf32>,
        %get3A_658 = vector.shape_cast %get3A_657 : vector<1x16xf32> to vector<16xf32>
        %add3A_659 = arith.addf %add3A_631, %get3A_658 : vector<16xf32>
        %add3A_660 = arith.constant 6 : i32
        %add3A_661 = arith.addi %mul3A_470, %add3A_660 : i32
        %get3A_662 = arith.index_cast %add3A_661 : i32 to index
        %get3A_663 = arith.constant 48 : index
        %get3A_664 = tpu.vector_load %arg7[%get3A_662, %get3A_663] {strides = array<i32>} : memref<128x128xf32, #tpu.memory_space<vmem>>, vector<1x16xf32>,
        %get3A_665 = vector.shape_cast %get3A_664 : vector<1x16xf32> to vector<16xf32>
        %add3A_666 = arith.addf %add3A_638, %get3A_665 : vector<16xf32>
        %add3A_667 = arith.constant 7 : i32
        %add3A_668 = arith.addi %mul3A_470, %add3A_667 : i32
        %get3A_669 = arith.index_cast %add3A_668 : i32 to index
        %get3A_670 = arith.constant 0 : index
        %get3A_671 = tpu.vector_load %arg7[%get3A_669, %get3A_670] {strides = array<i32>} : memref<128x128xf32, #tpu.memory_space<vmem>>, vector<1x16xf32>,
        %get3A_672 = vector.shape_cast %get3A_671 : vector<1x16xf32> to vector<16xf32>
        %add3A_673 = arith.addf %add3A_645, %get3A_672 : vector<16xf32>
        %add3A_674 = arith.constant 7 : i32
        %add3A_675 = arith.addi %mul3A_470, %add3A_674 : i32
        %get3A_676 = arith.index_cast %add3A_675 : i32 to index
        %get3A_677 = arith.constant 16 : index
        %get3A_678 = tpu.vector_load %arg7[%get3A_676, %get3A_677] {strides = array<i32>} : memref<128x128xf32, #tpu.memory_space<vmem>>, vector<1x16xf32>,
        %get3A_679 = vector.shape_cast %get3A_678 : vector<1x16xf32> to vector<16xf32>
        %add3A_680 = arith.addf %add3A_652, %get3A_679 : vector<16xf32>
        %add3A_681 = arith.constant 7 : i32
        %add3A_682 = arith.addi %mul3A_470, %add3A_681 : i32
        %get3A_683 = arith.index_cast %add3A_682 : i32 to index
        %get3A_684 = arith.constant 32 : index
        %get3A_685 = tpu.vector_load %arg7[%get3A_683, %get3A_684] {strides = array<i32>} : memref<128x128xf32, #tpu.memory_space<vmem>>, vector<1x16xf32>,
        %get3A_686 = vector.shape_cast %get3A_685 : vector<1x16xf32> to vector<16xf32>
        %add3A_687 = arith.addf %add3A_659, %get3A_686 : vector<16xf32>
        %add3A_688 = arith.constant 7 : i32
        %add3A_689 = arith.addi %mul3A_470, %add3A_688 : i32
        %get3A_690 = arith.index_cast %add3A_689 : i32 to index
        %get3A_691 = arith.constant 48 : index
        %get3A_692 = tpu.vector_load %arg7[%get3A_690, %get3A_691] {strides = array<i32>} : memref<128x128xf32, #tpu.memory_space<vmem>>, vector<1x16xf32>,
        %get3A_693 = vector.shape_cast %get3A_692 : vector<1x16xf32> to vector<16xf32>
        %add3A_694 = arith.addf %add3A_666, %get3A_693 : vector<16xf32>
        %add3A_695 = arith.constant 8 : i32
        %add3A_696 = arith.addi %mul3A_470, %add3A_695 : i32
        %get3A_697 = arith.index_cast %add3A_696 : i32 to index
        %get3A_698 = arith.constant 0 : index
        %get3A_699 = tpu.vector_load %arg7[%get3A_697, %get3A_698] {strides = array<i32>} : memref<128x128xf32, #tpu.memory_space<vmem>>, vector<1x16xf32>,
        %get3A_700 = vector.shape_cast %get3A_699 : vector<1x16xf32> to vector<16xf32>
        %add3A_701 = arith.addf %add3A_673, %get3A_700 : vector<16xf32>
        %add3A_702 = arith.constant 8 : i32
        %add3A_703 = arith.addi %mul3A_470, %add3A_702 : i32
        %get3A_704 = arith.index_cast %add3A_703 : i32 to index
        %get3A_705 = arith.constant 16 : index
        %get3A_706 = tpu.vector_load %arg7[%get3A_704, %get3A_705] {strides = array<i32>} : memref<128x128xf32, #tpu.memory_space<vmem>>, vector<1x16xf32>,
        %get3A_707 = vector.shape_cast %get3A_706 : vector<1x16xf32> to vector<16xf32>
        %add3A_708 = arith.addf %add3A_680, %get3A_707 : vector<16xf32>
        %add3A_709 = arith.constant 8 : i32
        %add3A_710 = arith.addi %mul3A_470, %add3A_709 : i32
        %get3A_711 = arith.index_cast %add3A_710 : i32 to index
        %get3A_712 = arith.constant 32 : index
        %get3A_713 = tpu.vector_load %arg7[%get3A_711, %get3A_712] {strides = array<i32>} : memref<128x128xf32, #tpu.memory_space<vmem>>, vector<1x16xf32>,
        %get3A_714 = vector.shape_cast %get3A_713 : vector<1x16xf32> to vector<16xf32>
        %add3A_715 = arith.addf %add3A_687, %get3A_714 : vector<16xf32>
        %add3A_716 = arith.constant 8 : i32
        %add3A_717 = arith.addi %mul3A_470, %add3A_716 : i32
        %get3A_718 = arith.index_cast %add3A_717 : i32 to index
        %get3A_719 = arith.constant 48 : index
        %get3A_720 = tpu.vector_load %arg7[%get3A_718, %get3A_719] {strides = array<i32>} : memref<128x128xf32, #tpu.memory_space<vmem>>, vector<1x16xf32>,
        %get3A_721 = vector.shape_cast %get3A_720 : vector<1x16xf32> to vector<16xf32>
        %add3A_722 = arith.addf %add3A_694, %get3A_721 : vector<16xf32>
        %add3A_723 = arith.constant 9 : i32
        %add3A_724 = arith.addi %mul3A_470, %add3A_723 : i32
        %get3A_725 = arith.index_cast %add3A_724 : i32 to index
        %get3A_726 = arith.constant 0 : index
        %get3A_727 = tpu.vector_load %arg7[%get3A_725, %get3A_726] {strides = array<i32>} : memref<128x128xf32, #tpu.memory_space<vmem>>, vector<1x16xf32>,
        %get3A_728 = vector.shape_cast %get3A_727 : vector<1x16xf32> to vector<16xf32>
        %add3A_729 = arith.addf %add3A_701, %get3A_728 : vector<16xf32>
        %add3A_730 = arith.constant 9 : i32
        %add3A_731 = arith.addi %mul3A_470, %add3A_730 : i32
        %get3A_732 = arith.index_cast %add3A_731 : i32 to index
        %get3A_733 = arith.constant 16 : index
        %get3A_734 = tpu.vector_load %arg7[%get3A_732, %get3A_733] {strides = array<i32>} : memref<128x128xf32, #tpu.memory_space<vmem>>, vector<1x16xf32>,
        %get3A_735 = vector.shape_cast %get3A_734 : vector<1x16xf32> to vector<16xf32>
        %add3A_736 = arith.addf %add3A_708, %get3A_735 : vector<16xf32>
        %add3A_737 = arith.constant 9 : i32
        %add3A_738 = arith.addi %mul3A_470, %add3A_737 : i32
        %get3A_739 = arith.index_cast %add3A_738 : i32 to index
        %get3A_740 = arith.constant 32 : index
        %get3A_741 = tpu.vector_load %arg7[%get3A_739, %get3A_740] {strides = array<i32>} : memref<128x128xf32, #tpu.memory_space<vmem>>, vector<1x16xf32>,
        %get3A_742 = vector.shape_cast %get3A_741 : vector<1x16xf32> to vector<16xf32>
        %add3A_743 = arith.addf %add3A_715, %get3A_742 : vector<16xf32>
        %add3A_744 = arith.constant 9 : i32
        %add3A_745 = arith.addi %mul3A_470, %add3A_744 : i32
        %get3A_746 = arith.index_cast %add3A_745 : i32 to index
        %get3A_747 = arith.constant 48 : index
        %get3A_748 = tpu.vector_load %arg7[%get3A_746, %get3A_747] {strides = array<i32>} : memref<128x128xf32, #tpu.memory_space<vmem>>, vector<1x16xf32>,
        %get3A_749 = vector.shape_cast %get3A_748 : vector<1x16xf32> to vector<16xf32>
        %add3A_750 = arith.addf %add3A_722, %get3A_749 : vector<16xf32>
        %add3A_751 = arith.constant 10 : i32
        %add3A_752 = arith.addi %mul3A_470, %add3A_751 : i32
        %get3A_753 = arith.index_cast %add3A_752 : i32 to index
        %get3A_754 = arith.constant 0 : index
        %get3A_755 = tpu.vector_load %arg7[%get3A_753, %get3A_754] {strides = array<i32>} : memref<128x128xf32, #tpu.memory_space<vmem>>, vector<1x16xf32>,
        %get3A_756 = vector.shape_cast %get3A_755 : vector<1x16xf32> to vector<16xf32>
        %add3A_757 = arith.addf %add3A_729, %get3A_756 : vector<16xf32>
        %add3A_758 = arith.constant 10 : i32
        %add3A_759 = arith.addi %mul3A_470, %add3A_758 : i32
        %get3A_760 = arith.index_cast %add3A_759 : i32 to index
        %get3A_761 = arith.constant 16 : index
        %get3A_762 = tpu.vector_load %arg7[%get3A_760, %get3A_761] {strides = array<i32>} : memref<128x128xf32, #tpu.memory_space<vmem>>, vector<1x16xf32>,
        %get3A_763 = vector.shape_cast %get3A_762 : vector<1x16xf32> to vector<16xf32>
        %add3A_764 = arith.addf %add3A_736, %get3A_763 : vector<16xf32>
        %add3A_765 = arith.constant 10 : i32
        %add3A_766 = arith.addi %mul3A_470, %add3A_765 : i32
        %get3A_767 = arith.index_cast %add3A_766 : i32 to index
        %get3A_768 = arith.constant 32 : index
        %get3A_769 = tpu.vector_load %arg7[%get3A_767, %get3A_768] {strides = array<i32>} : memref<128x128xf32, #tpu.memory_space<vmem>>, vector<1x16xf32>,
        %get3A_770 = vector.shape_cast %get3A_769 : vector<1x16xf32> to vector<16xf32>
        %add3A_771 = arith.addf %add3A_743, %get3A_770 : vector<16xf32>
        %add3A_772 = arith.constant 10 : i32
        %add3A_773 = arith.addi %mul3A_470, %add3A_772 : i32
        %get3A_774 = arith.index_cast %add3A_773 : i32 to index
        %get3A_775 = arith.constant 48 : index
        %get3A_776 = tpu.vector_load %arg7[%get3A_774, %get3A_775] {strides = array<i32>} : memref<128x128xf32, #tpu.memory_space<vmem>>, vector<1x16xf32>,
        %get3A_777 = vector.shape_cast %get3A_776 : vector<1x16xf32> to vector<16xf32>
        %add3A_778 = arith.addf %add3A_750, %get3A_777 : vector<16xf32>
        %add3A_779 = arith.constant 11 : i32
        %add3A_780 = arith.addi %mul3A_470, %add3A_779 : i32
        %get3A_781 = arith.index_cast %add3A_780 : i32 to index
        %get3A_782 = arith.constant 0 : index
        %get3A_783 = tpu.vector_load %arg7[%get3A_781, %get3A_782] {strides = array<i32>} : memref<128x128xf32, #tpu.memory_space<vmem>>, vector<1x16xf32>,
        %get3A_784 = vector.shape_cast %get3A_783 : vector<1x16xf32> to vector<16xf32>
        %add3A_785 = arith.addf %add3A_757, %get3A_784 : vector<16xf32>
        %add3A_786 = arith.constant 11 : i32
        %add3A_787 = arith.addi %mul3A_470, %add3A_786 : i32
        %get3A_788 = arith.index_cast %add3A_787 : i32 to index
        %get3A_789 = arith.constant 16 : index
        %get3A_790 = tpu.vector_load %arg7[%get3A_788, %get3A_789] {strides = array<i32>} : memref<128x128xf32, #tpu.memory_space<vmem>>, vector<1x16xf32>,
        %get3A_791 = vector.shape_cast %get3A_790 : vector<1x16xf32> to vector<16xf32>
        %add3A_792 = arith.addf %add3A_764, %get3A_791 : vector<16xf32>
        %add3A_793 = arith.constant 11 : i32
        %add3A_794 = arith.addi %mul3A_470, %add3A_793 : i32
        %get3A_795 = arith.index_cast %add3A_794 : i32 to index
        %get3A_796 = arith.constant 32 : index
        %get3A_797 = tpu.vector_load %arg7[%get3A_795, %get3A_796] {strides = array<i32>} : memref<128x128xf32, #tpu.memory_space<vmem>>, vector<1x16xf32>,
        %get3A_798 = vector.shape_cast %get3A_797 : vector<1x16xf32> to vector<16xf32>
        %add3A_799 = arith.addf %add3A_771, %get3A_798 : vector<16xf32>
        %add3A_800 = arith.constant 11 : i32
        %add3A_801 = arith.addi %mul3A_470, %add3A_800 : i32
        %get3A_802 = arith.index_cast %add3A_801 : i32 to index
        %get3A_803 = arith.constant 48 : index
        %get3A_804 = tpu.vector_load %arg7[%get3A_802, %get3A_803] {strides = array<i32>} : memref<128x128xf32, #tpu.memory_space<vmem>>, vector<1x16xf32>,
        %get3A_805 = vector.shape_cast %get3A_804 : vector<1x16xf32> to vector<16xf32>
        %add3A_806 = arith.addf %add3A_778, %get3A_805 : vector<16xf32>
        %add3A_807 = arith.constant 12 : i32
        %add3A_808 = arith.addi %mul3A_470, %add3A_807 : i32
        %get3A_809 = arith.index_cast %add3A_808 : i32 to index
        %get3A_810 = arith.constant 0 : index
        %get3A_811 = tpu.vector_load %arg7[%get3A_809, %get3A_810] {strides = array<i32>} : memref<128x128xf32, #tpu.memory_space<vmem>>, vector<1x16xf32>,
        %get3A_812 = vector.shape_cast %get3A_811 : vector<1x16xf32> to vector<16xf32>
        %add3A_813 = arith.addf %add3A_785, %get3A_812 : vector<16xf32>
        %add3A_814 = arith.constant 12 : i32
        %add3A_815 = arith.addi %mul3A_470, %add3A_814 : i32
        %get3A_816 = arith.index_cast %add3A_815 : i32 to index
        %get3A_817 = arith.constant 16 : index
        %get3A_818 = tpu.vector_load %arg7[%get3A_816, %get3A_817] {strides = array<i32>} : memref<128x128xf32, #tpu.memory_space<vmem>>, vector<1x16xf32>,
        %get3A_819 = vector.shape_cast %get3A_818 : vector<1x16xf32> to vector<16xf32>
        %add3A_820 = arith.addf %add3A_792, %get3A_819 : vector<16xf32>
        %add3A_821 = arith.constant 12 : i32
        %add3A_822 = arith.addi %mul3A_470, %add3A_821 : i32
        %get3A_823 = arith.index_cast %add3A_822 : i32 to index
        %get3A_824 = arith.constant 32 : index
        %get3A_825 = tpu.vector_load %arg7[%get3A_823, %get3A_824] {strides = array<i32>} : memref<128x128xf32, #tpu.memory_space<vmem>>, vector<1x16xf32>,
        %get3A_826 = vector.shape_cast %get3A_825 : vector<1x16xf32> to vector<16xf32>
        %add3A_827 = arith.addf %add3A_799, %get3A_826 : vector<16xf32>
        %add3A_828 = arith.constant 12 : i32
        %add3A_829 = arith.addi %mul3A_470, %add3A_828 : i32
        %get3A_830 = arith.index_cast %add3A_829 : i32 to index
        %get3A_831 = arith.constant 48 : index
        %get3A_832 = tpu.vector_load %arg7[%get3A_830, %get3A_831] {strides = array<i32>} : memref<128x128xf32, #tpu.memory_space<vmem>>, vector<1x16xf32>,
        %get3A_833 = vector.shape_cast %get3A_832 : vector<1x16xf32> to vector<16xf32>
        %add3A_834 = arith.addf %add3A_806, %get3A_833 : vector<16xf32>
        %add3A_835 = arith.constant 13 : i32
        %add3A_836 = arith.addi %mul3A_470, %add3A_835 : i32
        %get3A_837 = arith.index_cast %add3A_836 : i32 to index
        %get3A_838 = arith.constant 0 : index
        %get3A_839 = tpu.vector_load %arg7[%get3A_837, %get3A_838] {strides = array<i32>} : memref<128x128xf32, #tpu.memory_space<vmem>>, vector<1x16xf32>,
        %get3A_840 = vector.shape_cast %get3A_839 : vector<1x16xf32> to vector<16xf32>
        %add3A_841 = arith.addf %add3A_813, %get3A_840 : vector<16xf32>
        %add3A_842 = arith.constant 13 : i32
        %add3A_843 = arith.addi %mul3A_470, %add3A_842 : i32
        %get3A_844 = arith.index_cast %add3A_843 : i32 to index
        %get3A_845 = arith.constant 16 : index
        %get3A_846 = tpu.vector_load %arg7[%get3A_844, %get3A_845] {strides = array<i32>} : memref<128x128xf32, #tpu.memory_space<vmem>>, vector<1x16xf32>,
        %get3A_847 = vector.shape_cast %get3A_846 : vector<1x16xf32> to vector<16xf32>
        %add3A_848 = arith.addf %add3A_820, %get3A_847 : vector<16xf32>
        %add3A_849 = arith.constant 13 : i32
        %add3A_850 = arith.addi %mul3A_470, %add3A_849 : i32
        %get3A_851 = arith.index_cast %add3A_850 : i32 to index
        %get3A_852 = arith.constant 32 : index
        %get3A_853 = tpu.vector_load %arg7[%get3A_851, %get3A_852] {strides = array<i32>} : memref<128x128xf32, #tpu.memory_space<vmem>>, vector<1x16xf32>,
        %get3A_854 = vector.shape_cast %get3A_853 : vector<1x16xf32> to vector<16xf32>
        %add3A_855 = arith.addf %add3A_827, %get3A_854 : vector<16xf32>
        %add3A_856 = arith.constant 13 : i32
        %add3A_857 = arith.addi %mul3A_470, %add3A_856 : i32
        %get3A_858 = arith.index_cast %add3A_857 : i32 to index
        %get3A_859 = arith.constant 48 : index
        %get3A_860 = tpu.vector_load %arg7[%get3A_858, %get3A_859] {strides = array<i32>} : memref<128x128xf32, #tpu.memory_space<vmem>>, vector<1x16xf32>,
        %get3A_861 = vector.shape_cast %get3A_860 : vector<1x16xf32> to vector<16xf32>
        %add3A_862 = arith.addf %add3A_834, %get3A_861 : vector<16xf32>
        %add3A_863 = arith.constant 14 : i32
        %add3A_864 = arith.addi %mul3A_470, %add3A_863 : i32
        %get3A_865 = arith.index_cast %add3A_864 : i32 to index
        %get3A_866 = arith.constant 0 : index
        %get3A_867 = tpu.vector_load %arg7[%get3A_865, %get3A_866] {strides = array<i32>} : memref<128x128xf32, #tpu.memory_space<vmem>>, vector<1x16xf32>,
        %get3A_868 = vector.shape_cast %get3A_867 : vector<1x16xf32> to vector<16xf32>
        %add3A_869 = arith.addf %add3A_841, %get3A_868 : vector<16xf32>
        %add3A_870 = arith.constant 14 : i32
        %add3A_871 = arith.addi %mul3A_470, %add3A_870 : i32
        %get3A_872 = arith.index_cast %add3A_871 : i32 to index
        %get3A_873 = arith.constant 16 : index
        %get3A_874 = tpu.vector_load %arg7[%get3A_872, %get3A_873] {strides = array<i32>} : memref<128x128xf32, #tpu.memory_space<vmem>>, vector<1x16xf32>,
        %get3A_875 = vector.shape_cast %get3A_874 : vector<1x16xf32> to vector<16xf32>
        %add3A_876 = arith.addf %add3A_848, %get3A_875 : vector<16xf32>
        %add3A_877 = arith.constant 14 : i32
        %add3A_878 = arith.addi %mul3A_470, %add3A_877 : i32
        %get3A_879 = arith.index_cast %add3A_878 : i32 to index
        %get3A_880 = arith.constant 32 : index
        %get3A_881 = tpu.vector_load %arg7[%get3A_879, %get3A_880] {strides = array<i32>} : memref<128x128xf32, #tpu.memory_space<vmem>>, vector<1x16xf32>,
        %get3A_882 = vector.shape_cast %get3A_881 : vector<1x16xf32> to vector<16xf32>
        %add3A_883 = arith.addf %add3A_855, %get3A_882 : vector<16xf32>
        %add3A_884 = arith.constant 14 : i32
        %add3A_885 = arith.addi %mul3A_470, %add3A_884 : i32
        %get3A_886 = arith.index_cast %add3A_885 : i32 to index
        %get3A_887 = arith.constant 48 : index
        %get3A_888 = tpu.vector_load %arg7[%get3A_886, %get3A_887] {strides = array<i32>} : memref<128x128xf32, #tpu.memory_space<vmem>>, vector<1x16xf32>,
        %get3A_889 = vector.shape_cast %get3A_888 : vector<1x16xf32> to vector<16xf32>
        %add3A_890 = arith.addf %add3A_862, %get3A_889 : vector<16xf32>
        %add3A_891 = arith.constant 15 : i32
        %add3A_892 = arith.addi %mul3A_470, %add3A_891 : i32
        %get3A_893 = arith.index_cast %add3A_892 : i32 to index
        %get3A_894 = arith.constant 0 : index
        %get3A_895 = tpu.vector_load %arg7[%get3A_893, %get3A_894] {strides = array<i32>} : memref<128x128xf32, #tpu.memory_space<vmem>>, vector<1x16xf32>,
        %get3A_896 = vector.shape_cast %get3A_895 : vector<1x16xf32> to vector<16xf32>
        %add3A_897 = arith.addf %add3A_869, %get3A_896 : vector<16xf32>
        %add3A_898 = arith.constant 15 : i32
        %add3A_899 = arith.addi %mul3A_470, %add3A_898 : i32
        %get3A_900 = arith.index_cast %add3A_899 : i32 to index
        %get3A_901 = arith.constant 16 : index
        %get3A_902 = tpu.vector_load %arg7[%get3A_900, %get3A_901] {strides = array<i32>} : memref<128x128xf32, #tpu.memory_space<vmem>>, vector<1x16xf32>,
        %get3A_903 = vector.shape_cast %get3A_902 : vector<1x16xf32> to vector<16xf32>
        %add3A_904 = arith.addf %add3A_876, %get3A_903 : vector<16xf32>
        %add3A_905 = arith.constant 15 : i32
        %add3A_906 = arith.addi %mul3A_470, %add3A_905 : i32
        %get3A_907 = arith.index_cast %add3A_906 : i32 to index
        %get3A_908 = arith.constant 32 : index
        %get3A_909 = tpu.vector_load %arg7[%get3A_907, %get3A_908] {strides = array<i32>} : memref<128x128xf32, #tpu.memory_space<vmem>>, vector<1x16xf32>,
        %get3A_910 = vector.shape_cast %get3A_909 : vector<1x16xf32> to vector<16xf32>
        %add3A_911 = arith.addf %add3A_883, %get3A_910 : vector<16xf32>
        %add3A_912 = arith.constant 15 : i32
        %add3A_913 = arith.addi %mul3A_470, %add3A_912 : i32
        %get3A_914 = arith.index_cast %add3A_913 : i32 to index
        %get3A_915 = arith.constant 48 : index
        %get3A_916 = tpu.vector_load %arg7[%get3A_914, %get3A_915] {strides = array<i32>} : memref<128x128xf32, #tpu.memory_space<vmem>>, vector<1x16xf32>,
        %get3A_917 = vector.shape_cast %get3A_916 : vector<1x16xf32> to vector<16xf32>
        %add3A_918 = arith.addf %add3A_890, %get3A_917 : vector<16xf32>
        scf.yield %add3A_897, %add3A_904, %add3A_911, %add3A_918 : vector<16xf32>, vector<16xf32>, vector<16xf32>, vector<16xf32>
      }
      %scan3A_73 = arith.constant 8 : i32
      %get3A = arith.index_cast %select_n3A : i32 to index
      %get3A_74 = arith.constant 0 : index
      %get3A_75 = tpu.vector_load %arg12[%get3A, %get3A_74] {strides = array<i32>} : memref<56x64xf32, #tpu.memory_space<vmem>>, vector<1x16xf32>,
      %get3A_76 = vector.shape_cast %get3A_75 : vector<1x16xf32> to vector<16xf32>
      %add3A_77 = arith.addf %get3A_76, %scan3A_72#0 : vector<16xf32>
      %swap3A = arith.index_cast %select_n3A : i32 to index
      %swap3A_78 = arith.constant 0 : index
      %swap3A_79 = tpu.vector_load %arg12[%swap3A, %swap3A_78] {strides = array<i32>} : memref<56x64xf32, #tpu.memory_space<vmem>>, vector<1x16xf32>,
      %swap3A_80 = vector.shape_cast %swap3A_79 : vector<1x16xf32> to vector<16xf32>
      %swap3A_81 = vector.shape_cast %add3A_77 : vector<16xf32> to vector<1x16xf32>
      tpu.vector_store %arg12[%swap3A, %swap3A_78], %swap3A_81 {strides = array<i32>} : memref<56x64xf32, #tpu.memory_space<vmem>>, vector<1x16xf32>,
      %get3A_82 = arith.index_cast %select_n3A : i32 to index
      %get3A_83 = arith.constant 16 : index
      %get3A_84 = tpu.vector_load %arg12[%get3A_82, %get3A_83] {strides = array<i32>} : memref<56x64xf32, #tpu.memory_space<vmem>>, vector<1x16xf32>,
      %get3A_85 = vector.shape_cast %get3A_84 : vector<1x16xf32> to vector<16xf32>
      %add3A_86 = arith.addf %get3A_85, %scan3A_72#1 : vector<16xf32>
      %swap3A_87 = arith.index_cast %select_n3A : i32 to index
      %swap3A_88 = arith.constant 16 : index
      %swap3A_89 = tpu.vector_load %arg12[%swap3A_87, %swap3A_88] {strides = array<i32>} : memref<56x64xf32, #tpu.memory_space<vmem>>, vector<1x16xf32>,
      %swap3A_90 = vector.shape_cast %swap3A_89 : vector<1x16xf32> to vector<16xf32>
      %swap3A_91 = vector.shape_cast %add3A_86 : vector<16xf32> to vector<1x16xf32>
      tpu.vector_store %arg12[%swap3A_87, %swap3A_88], %swap3A_91 {strides = array<i32>} : memref<56x64xf32, #tpu.memory_space<vmem>>, vector<1x16xf32>,
      %get3A_92 = arith.index_cast %select_n3A : i32 to index
      %get3A_93 = arith.constant 32 : index
      %get3A_94 = tpu.vector_load %arg12[%get3A_92, %get3A_93] {strides = array<i32>} : memref<56x64xf32, #tpu.memory_space<vmem>>, vector<1x16xf32>,
      %get3A_95 = vector.shape_cast %get3A_94 : vector<1x16xf32> to vector<16xf32>
      %add3A_96 = arith.addf %get3A_95, %scan3A_72#2 : vector<16xf32>
      %swap3A_97 = arith.index_cast %select_n3A : i32 to index
      %swap3A_98 = arith.constant 32 : index
      %swap3A_99 = tpu.vector_load %arg12[%swap3A_97, %swap3A_98] {strides = array<i32>} : memref<56x64xf32, #tpu.memory_space<vmem>>, vector<1x16xf32>,
      %swap3A_100 = vector.shape_cast %swap3A_99 : vector<1x16xf32> to vector<16xf32>
      %swap3A_101 = vector.shape_cast %add3A_96 : vector<16xf32> to vector<1x16xf32>
      tpu.vector_store %arg12[%swap3A_97, %swap3A_98], %swap3A_101 {strides = array<i32>} : memref<56x64xf32, #tpu.memory_space<vmem>>, vector<1x16xf32>,
      %get3A_102 = arith.index_cast %select_n3A : i32 to index
      %get3A_103 = arith.constant 48 : index
      %get3A_104 = tpu.vector_load %arg12[%get3A_102, %get3A_103] {strides = array<i32>} : memref<56x64xf32, #tpu.memory_space<vmem>>, vector<1x16xf32>,
      %get3A_105 = vector.shape_cast %get3A_104 : vector<1x16xf32> to vector<16xf32>
      %add3A_106 = arith.addf %get3A_105, %scan3A_72#3 : vector<16xf32>
      %swap3A_107 = arith.index_cast %select_n3A : i32 to index
      %swap3A_108 = arith.constant 48 : index
      %swap3A_109 = tpu.vector_load %arg12[%swap3A_107, %swap3A_108] {strides = array<i32>} : memref<56x64xf32, #tpu.memory_space<vmem>>, vector<1x16xf32>,
      %swap3A_110 = vector.shape_cast %swap3A_109 : vector<1x16xf32> to vector<16xf32>
      %swap3A_111 = vector.shape_cast %add3A_106 : vector<16xf32> to vector<1x16xf32>
      tpu.vector_store %arg12[%swap3A_107, %swap3A_108], %swap3A_111 {strides = array<i32>} : memref<56x64xf32, #tpu.memory_space<vmem>>, vector<1x16xf32>,
      %add3A_112 = arith.constant 1 : i32
      %add3A_113 = arith.addi %add3A_38, %add3A_112 : i32
      %add3A_114 = arith.constant 4 : i32
      %add3A_115 = arith.addi %add3A_113, %add3A_114 : i32
      %lt3A_116 = arith.constant 200 : i32
      %lt3A_117 = arith.cmpi slt, %add3A_115, %lt3A_116 : i32
      %convert_element_type3A_118 = arith.extui %lt3A_117 : i1 to i32
      %cond3A_119 = arith.constant 0 : i32
      %cond3A_120 = arith.cmpi ne, %convert_element_type3A_118, %cond3A_119 : i32
      scf.if %cond3A_120 {
        %add3A_464 = arith.constant 4 : i32
        %add3A_465 = arith.addi %add3A_113, %add3A_464 : i32
        %dma_start3A_466 = arith.constant 0 : i32
        %dma_start3A_467 = tpu.memref_slice %arg6[%add3A_465, %dma_start3A_466] : memref<200x128xi32, #tpu.memory_space<vmem>> -> memref<1x128xi32, #tpu.memory_space<vmem>>
        %dma_start3A_468 = tpu.memref_squeeze %dma_start3A_467 : memref<1x128xi32, #tpu.memory_space<vmem>> -> memref<128xi32, #tpu.memory_space<vmem>>
        %dma_start3A_469 = arith.constant 0 : i32
        %dma_start3A_470 = arith.constant 0 : i32
        %dma_start3A_471 = tpu.memref_slice %arg3[%dma_start3A_469, %dma_start3A_470] : memref<1000000x128xf32, #tpu.memory_space<hbm>> -> memref<1000000x128xf32, #tpu.memory_space<hbm>>
        tpu.enqueue_indirect_dma source(%dma_start3A_471 : memref<1000000x128xf32, #tpu.memory_space<hbm>>) target(%arg7 : memref<128x128xf32, #tpu.memory_space<vmem>>) offsets(%dma_start3A_468 : memref<128xi32, #tpu.memory_space<vmem>>) semaphore(%arg13 : memref<!tpu.dma_semaphore, #tpu.memory_space<semaphore_mem>>)
      } else {
      }
      %dma_wait3A_121 = arith.constant 0 : i32
      %dma_wait3A_122 = tpu.memref_slice %arg6[%add3A_113, %dma_wait3A_121] : memref<200x128xi32, #tpu.memory_space<vmem>> -> memref<1x128xi32, #tpu.memory_space<vmem>>
      %dma_wait3A_123 = tpu.memref_squeeze %dma_wait3A_122 : memref<1x128xi32, #tpu.memory_space<vmem>> -> memref<128xi32, #tpu.memory_space<vmem>>
      %dma_wait3A_124 = arith.constant 0 : i32
      %dma_wait3A_125 = arith.constant 0 : i32
      %dma_wait3A_126 = tpu.memref_slice %arg3[%dma_wait3A_124, %dma_wait3A_125] : memref<1000000x128xf32, #tpu.memory_space<hbm>> -> memref<1000000x128xf32, #tpu.memory_space<hbm>>
      tpu.wait_indirect_dma semaphore(%arg14 : memref<!tpu.dma_semaphore, #tpu.memory_space<semaphore_mem>>) src(%dma_wait3A_126 : memref<1000000x128xf32, #tpu.memory_space<hbm>>) dst(%arg8 : memref<128x128xf32, #tpu.memory_space<vmem>>)
      %add3A_127 = arith.addi %mul3A_2, %add3A_113 : i32
      %jit3A_128 = arith.constant 128 : i32
      %div3A_129 = arith.divsi %add3A_127, %jit3A_128 : i32
      %sign3A_130 = arith.constant 0 : i32
      %sign3A_131 = arith.cmpi sgt, %add3A_127, %sign3A_130 : i32
      %sign3A_132 = arith.extui %sign3A_131 : i1 to i32
      %sign3A_133 = arith.constant 0 : i32
      %sign3A_134 = arith.cmpi slt, %add3A_127, %sign3A_133 : i32
      %sign3A_135 = arith.extui %sign3A_134 : i1 to i32
      %sign3A_136 = arith.subi %sign3A_132, %sign3A_135 : i32
      %sign3A_137 = arith.constant 0 : i32
      %sign3A_138 = arith.cmpi sgt, %jit3A_128, %sign3A_137 : i32
      %sign3A_139 = arith.extui %sign3A_138 : i1 to i32
      %sign3A_140 = arith.constant 0 : i32
      %sign3A_141 = arith.cmpi slt, %jit3A_128, %sign3A_140 : i32
      %sign3A_142 = arith.extui %sign3A_141 : i1 to i32
      %sign3A_143 = arith.subi %sign3A_139, %sign3A_142 : i32
      %ne3A_144 = arith.cmpi ne, %sign3A_136, %sign3A_143 : i32
      %rem3A_145 = arith.remsi %add3A_127, %jit3A_128 : i32
      %ne3A_146 = arith.constant 0 : i32
      %ne3A_147 = arith.cmpi ne, %rem3A_145, %ne3A_146 : i32
      %and3A_148 = arith.andi %ne3A_144, %ne3A_147 : i1
      %sub3A_149 = arith.constant 1 : i32
      %sub3A_150 = arith.subi %div3A_129, %sub3A_149 : i32
      %select_n3A_151 = arith.select %and3A_148, %sub3A_150, %div3A_129 : i32
      %broadcast_in_dim3A_152 = arith.constant 0.000000e+00 : f32
      %broadcast_in_dim3A_153 = vector.broadcast %broadcast_in_dim3A_152 : f32 to vector<16xf32>
      %scan3A_154 = arith.constant 0 : i32
      %scan3A_155 = arith.constant 8 : i32
      %scan3A_156 = arith.addi %scan3A_154, %scan3A_155 : i32
      %scan3A_157 = arith.constant 1 : i32
      %scan3A_158:4 = scf.for %scan3A_464 = %scan3A_154 to %scan3A_156 step %scan3A_157 iter_args(%scan3A_465 = %broadcast_in_dim3A_153, %scan3A_466 = %broadcast_in_dim3A_153, %scan3A_467 = %broadcast_in_dim3A_153, %scan3A_468 = %broadcast_in_dim3A_153) -> (vector<16xf32>, vector<16xf32>, vector<16xf32>, vector<16xf32>)  : i32 {
        %mul3A_469 = arith.constant 16 : i32
        %mul3A_470 = arith.muli %scan3A_464, %mul3A_469 : i32
        %add3A_471 = arith.constant 0 : i32
        %add3A_472 = arith.addi %mul3A_470, %add3A_471 : i32
        %get3A_473 = arith.index_cast %add3A_472 : i32 to index
        %get3A_474 = arith.constant 0 : index
        %get3A_475 = tpu.vector_load %arg8[%get3A_473, %get3A_474] {strides = array<i32>} : memref<128x128xf32, #tpu.memory_space<vmem>>, vector<1x16xf32>,
        %get3A_476 = vector.shape_cast %get3A_475 : vector<1x16xf32> to vector<16xf32>
        %add3A_477 = arith.addf %scan3A_465, %get3A_476 : vector<16xf32>
        %add3A_478 = arith.constant 0 : i32
        %add3A_479 = arith.addi %mul3A_470, %add3A_478 : i32
        %get3A_480 = arith.index_cast %add3A_479 : i32 to index
        %get3A_481 = arith.constant 16 : index
        %get3A_482 = tpu.vector_load %arg8[%get3A_480, %get3A_481] {strides = array<i32>} : memref<128x128xf32, #tpu.memory_space<vmem>>, vector<1x16xf32>,
        %get3A_483 = vector.shape_cast %get3A_482 : vector<1x16xf32> to vector<16xf32>
        %add3A_484 = arith.addf %scan3A_466, %get3A_483 : vector<16xf32>
        %add3A_485 = arith.constant 0 : i32
        %add3A_486 = arith.addi %mul3A_470, %add3A_485 : i32
        %get3A_487 = arith.index_cast %add3A_486 : i32 to index
        %get3A_488 = arith.constant 32 : index
        %get3A_489 = tpu.vector_load %arg8[%get3A_487, %get3A_488] {strides = array<i32>} : memref<128x128xf32, #tpu.memory_space<vmem>>, vector<1x16xf32>,
        %get3A_490 = vector.shape_cast %get3A_489 : vector<1x16xf32> to vector<16xf32>
        %add3A_491 = arith.addf %scan3A_467, %get3A_490 : vector<16xf32>
        %add3A_492 = arith.constant 0 : i32
        %add3A_493 = arith.addi %mul3A_470, %add3A_492 : i32
        %get3A_494 = arith.index_cast %add3A_493 : i32 to index
        %get3A_495 = arith.constant 48 : index
        %get3A_496 = tpu.vector_load %arg8[%get3A_494, %get3A_495] {strides = array<i32>} : memref<128x128xf32, #tpu.memory_space<vmem>>, vector<1x16xf32>,
        %get3A_497 = vector.shape_cast %get3A_496 : vector<1x16xf32> to vector<16xf32>
        %add3A_498 = arith.addf %scan3A_468, %get3A_497 : vector<16xf32>
        %add3A_499 = arith.constant 1 : i32
        %add3A_500 = arith.addi %mul3A_470, %add3A_499 : i32
        %get3A_501 = arith.index_cast %add3A_500 : i32 to index
        %get3A_502 = arith.constant 0 : index
        %get3A_503 = tpu.vector_load %arg8[%get3A_501, %get3A_502] {strides = array<i32>} : memref<128x128xf32, #tpu.memory_space<vmem>>, vector<1x16xf32>,
        %get3A_504 = vector.shape_cast %get3A_503 : vector<1x16xf32> to vector<16xf32>
        %add3A_505 = arith.addf %add3A_477, %get3A_504 : vector<16xf32>
        %add3A_506 = arith.constant 1 : i32
        %add3A_507 = arith.addi %mul3A_470, %add3A_506 : i32
        %get3A_508 = arith.index_cast %add3A_507 : i32 to index
        %get3A_509 = arith.constant 16 : index
        %get3A_510 = tpu.vector_load %arg8[%get3A_508, %get3A_509] {strides = array<i32>} : memref<128x128xf32, #tpu.memory_space<vmem>>, vector<1x16xf32>,
        %get3A_511 = vector.shape_cast %get3A_510 : vector<1x16xf32> to vector<16xf32>
        %add3A_512 = arith.addf %add3A_484, %get3A_511 : vector<16xf32>
        %add3A_513 = arith.constant 1 : i32
        %add3A_514 = arith.addi %mul3A_470, %add3A_513 : i32
        %get3A_515 = arith.index_cast %add3A_514 : i32 to index
        %get3A_516 = arith.constant 32 : index
        %get3A_517 = tpu.vector_load %arg8[%get3A_515, %get3A_516] {strides = array<i32>} : memref<128x128xf32, #tpu.memory_space<vmem>>, vector<1x16xf32>,
        %get3A_518 = vector.shape_cast %get3A_517 : vector<1x16xf32> to vector<16xf32>
        %add3A_519 = arith.addf %add3A_491, %get3A_518 : vector<16xf32>
        %add3A_520 = arith.constant 1 : i32
        %add3A_521 = arith.addi %mul3A_470, %add3A_520 : i32
        %get3A_522 = arith.index_cast %add3A_521 : i32 to index
        %get3A_523 = arith.constant 48 : index
        %get3A_524 = tpu.vector_load %arg8[%get3A_522, %get3A_523] {strides = array<i32>} : memref<128x128xf32, #tpu.memory_space<vmem>>, vector<1x16xf32>,
        %get3A_525 = vector.shape_cast %get3A_524 : vector<1x16xf32> to vector<16xf32>
        %add3A_526 = arith.addf %add3A_498, %get3A_525 : vector<16xf32>
        %add3A_527 = arith.constant 2 : i32
        %add3A_528 = arith.addi %mul3A_470, %add3A_527 : i32
        %get3A_529 = arith.index_cast %add3A_528 : i32 to index
        %get3A_530 = arith.constant 0 : index
        %get3A_531 = tpu.vector_load %arg8[%get3A_529, %get3A_530] {strides = array<i32>} : memref<128x128xf32, #tpu.memory_space<vmem>>, vector<1x16xf32>,
        %get3A_532 = vector.shape_cast %get3A_531 : vector<1x16xf32> to vector<16xf32>
        %add3A_533 = arith.addf %add3A_505, %get3A_532 : vector<16xf32>
        %add3A_534 = arith.constant 2 : i32
        %add3A_535 = arith.addi %mul3A_470, %add3A_534 : i32
        %get3A_536 = arith.index_cast %add3A_535 : i32 to index
        %get3A_537 = arith.constant 16 : index
        %get3A_538 = tpu.vector_load %arg8[%get3A_536, %get3A_537] {strides = array<i32>} : memref<128x128xf32, #tpu.memory_space<vmem>>, vector<1x16xf32>,
        %get3A_539 = vector.shape_cast %get3A_538 : vector<1x16xf32> to vector<16xf32>
        %add3A_540 = arith.addf %add3A_512, %get3A_539 : vector<16xf32>
        %add3A_541 = arith.constant 2 : i32
        %add3A_542 = arith.addi %mul3A_470, %add3A_541 : i32
        %get3A_543 = arith.index_cast %add3A_542 : i32 to index
        %get3A_544 = arith.constant 32 : index
        %get3A_545 = tpu.vector_load %arg8[%get3A_543, %get3A_544] {strides = array<i32>} : memref<128x128xf32, #tpu.memory_space<vmem>>, vector<1x16xf32>,
        %get3A_546 = vector.shape_cast %get3A_545 : vector<1x16xf32> to vector<16xf32>
        %add3A_547 = arith.addf %add3A_519, %get3A_546 : vector<16xf32>
        %add3A_548 = arith.constant 2 : i32
        %add3A_549 = arith.addi %mul3A_470, %add3A_548 : i32
        %get3A_550 = arith.index_cast %add3A_549 : i32 to index
        %get3A_551 = arith.constant 48 : index
        %get3A_552 = tpu.vector_load %arg8[%get3A_550, %get3A_551] {strides = array<i32>} : memref<128x128xf32, #tpu.memory_space<vmem>>, vector<1x16xf32>,
        %get3A_553 = vector.shape_cast %get3A_552 : vector<1x16xf32> to vector<16xf32>
        %add3A_554 = arith.addf %add3A_526, %get3A_553 : vector<16xf32>
        %add3A_555 = arith.constant 3 : i32
        %add3A_556 = arith.addi %mul3A_470, %add3A_555 : i32
        %get3A_557 = arith.index_cast %add3A_556 : i32 to index
        %get3A_558 = arith.constant 0 : index
        %get3A_559 = tpu.vector_load %arg8[%get3A_557, %get3A_558] {strides = array<i32>} : memref<128x128xf32, #tpu.memory_space<vmem>>, vector<1x16xf32>,
        %get3A_560 = vector.shape_cast %get3A_559 : vector<1x16xf32> to vector<16xf32>
        %add3A_561 = arith.addf %add3A_533, %get3A_560 : vector<16xf32>
        %add3A_562 = arith.constant 3 : i32
        %add3A_563 = arith.addi %mul3A_470, %add3A_562 : i32
        %get3A_564 = arith.index_cast %add3A_563 : i32 to index
        %get3A_565 = arith.constant 16 : index
        %get3A_566 = tpu.vector_load %arg8[%get3A_564, %get3A_565] {strides = array<i32>} : memref<128x128xf32, #tpu.memory_space<vmem>>, vector<1x16xf32>,
        %get3A_567 = vector.shape_cast %get3A_566 : vector<1x16xf32> to vector<16xf32>
        %add3A_568 = arith.addf %add3A_540, %get3A_567 : vector<16xf32>
        %add3A_569 = arith.constant 3 : i32
        %add3A_570 = arith.addi %mul3A_470, %add3A_569 : i32
        %get3A_571 = arith.index_cast %add3A_570 : i32 to index
        %get3A_572 = arith.constant 32 : index
        %get3A_573 = tpu.vector_load %arg8[%get3A_571, %get3A_572] {strides = array<i32>} : memref<128x128xf32, #tpu.memory_space<vmem>>, vector<1x16xf32>,
        %get3A_574 = vector.shape_cast %get3A_573 : vector<1x16xf32> to vector<16xf32>
        %add3A_575 = arith.addf %add3A_547, %get3A_574 : vector<16xf32>
        %add3A_576 = arith.constant 3 : i32
        %add3A_577 = arith.addi %mul3A_470, %add3A_576 : i32
        %get3A_578 = arith.index_cast %add3A_577 : i32 to index
        %get3A_579 = arith.constant 48 : index
        %get3A_580 = tpu.vector_load %arg8[%get3A_578, %get3A_579] {strides = array<i32>} : memref<128x128xf32, #tpu.memory_space<vmem>>, vector<1x16xf32>,
        %get3A_581 = vector.shape_cast %get3A_580 : vector<1x16xf32> to vector<16xf32>
        %add3A_582 = arith.addf %add3A_554, %get3A_581 : vector<16xf32>
        %add3A_583 = arith.constant 4 : i32
        %add3A_584 = arith.addi %mul3A_470, %add3A_583 : i32
        %get3A_585 = arith.index_cast %add3A_584 : i32 to index
        %get3A_586 = arith.constant 0 : index
        %get3A_587 = tpu.vector_load %arg8[%get3A_585, %get3A_586] {strides = array<i32>} : memref<128x128xf32, #tpu.memory_space<vmem>>, vector<1x16xf32>,
        %get3A_588 = vector.shape_cast %get3A_587 : vector<1x16xf32> to vector<16xf32>
        %add3A_589 = arith.addf %add3A_561, %get3A_588 : vector<16xf32>
        %add3A_590 = arith.constant 4 : i32
        %add3A_591 = arith.addi %mul3A_470, %add3A_590 : i32
        %get3A_592 = arith.index_cast %add3A_591 : i32 to index
        %get3A_593 = arith.constant 16 : index
        %get3A_594 = tpu.vector_load %arg8[%get3A_592, %get3A_593] {strides = array<i32>} : memref<128x128xf32, #tpu.memory_space<vmem>>, vector<1x16xf32>,
        %get3A_595 = vector.shape_cast %get3A_594 : vector<1x16xf32> to vector<16xf32>
        %add3A_596 = arith.addf %add3A_568, %get3A_595 : vector<16xf32>
        %add3A_597 = arith.constant 4 : i32
        %add3A_598 = arith.addi %mul3A_470, %add3A_597 : i32
        %get3A_599 = arith.index_cast %add3A_598 : i32 to index
        %get3A_600 = arith.constant 32 : index
        %get3A_601 = tpu.vector_load %arg8[%get3A_599, %get3A_600] {strides = array<i32>} : memref<128x128xf32, #tpu.memory_space<vmem>>, vector<1x16xf32>,
        %get3A_602 = vector.shape_cast %get3A_601 : vector<1x16xf32> to vector<16xf32>
        %add3A_603 = arith.addf %add3A_575, %get3A_602 : vector<16xf32>
        %add3A_604 = arith.constant 4 : i32
        %add3A_605 = arith.addi %mul3A_470, %add3A_604 : i32
        %get3A_606 = arith.index_cast %add3A_605 : i32 to index
        %get3A_607 = arith.constant 48 : index
        %get3A_608 = tpu.vector_load %arg8[%get3A_606, %get3A_607] {strides = array<i32>} : memref<128x128xf32, #tpu.memory_space<vmem>>, vector<1x16xf32>,
        %get3A_609 = vector.shape_cast %get3A_608 : vector<1x16xf32> to vector<16xf32>
        %add3A_610 = arith.addf %add3A_582, %get3A_609 : vector<16xf32>
        %add3A_611 = arith.constant 5 : i32
        %add3A_612 = arith.addi %mul3A_470, %add3A_611 : i32
        %get3A_613 = arith.index_cast %add3A_612 : i32 to index
        %get3A_614 = arith.constant 0 : index
        %get3A_615 = tpu.vector_load %arg8[%get3A_613, %get3A_614] {strides = array<i32>} : memref<128x128xf32, #tpu.memory_space<vmem>>, vector<1x16xf32>,
        %get3A_616 = vector.shape_cast %get3A_615 : vector<1x16xf32> to vector<16xf32>
        %add3A_617 = arith.addf %add3A_589, %get3A_616 : vector<16xf32>
        %add3A_618 = arith.constant 5 : i32
        %add3A_619 = arith.addi %mul3A_470, %add3A_618 : i32
        %get3A_620 = arith.index_cast %add3A_619 : i32 to index
        %get3A_621 = arith.constant 16 : index
        %get3A_622 = tpu.vector_load %arg8[%get3A_620, %get3A_621] {strides = array<i32>} : memref<128x128xf32, #tpu.memory_space<vmem>>, vector<1x16xf32>,
        %get3A_623 = vector.shape_cast %get3A_622 : vector<1x16xf32> to vector<16xf32>
        %add3A_624 = arith.addf %add3A_596, %get3A_623 : vector<16xf32>
        %add3A_625 = arith.constant 5 : i32
        %add3A_626 = arith.addi %mul3A_470, %add3A_625 : i32
        %get3A_627 = arith.index_cast %add3A_626 : i32 to index
        %get3A_628 = arith.constant 32 : index
        %get3A_629 = tpu.vector_load %arg8[%get3A_627, %get3A_628] {strides = array<i32>} : memref<128x128xf32, #tpu.memory_space<vmem>>, vector<1x16xf32>,
        %get3A_630 = vector.shape_cast %get3A_629 : vector<1x16xf32> to vector<16xf32>
        %add3A_631 = arith.addf %add3A_603, %get3A_630 : vector<16xf32>
        %add3A_632 = arith.constant 5 : i32
        %add3A_633 = arith.addi %mul3A_470, %add3A_632 : i32
        %get3A_634 = arith.index_cast %add3A_633 : i32 to index
        %get3A_635 = arith.constant 48 : index
        %get3A_636 = tpu.vector_load %arg8[%get3A_634, %get3A_635] {strides = array<i32>} : memref<128x128xf32, #tpu.memory_space<vmem>>, vector<1x16xf32>,
        %get3A_637 = vector.shape_cast %get3A_636 : vector<1x16xf32> to vector<16xf32>
        %add3A_638 = arith.addf %add3A_610, %get3A_637 : vector<16xf32>
        %add3A_639 = arith.constant 6 : i32
        %add3A_640 = arith.addi %mul3A_470, %add3A_639 : i32
        %get3A_641 = arith.index_cast %add3A_640 : i32 to index
        %get3A_642 = arith.constant 0 : index
        %get3A_643 = tpu.vector_load %arg8[%get3A_641, %get3A_642] {strides = array<i32>} : memref<128x128xf32, #tpu.memory_space<vmem>>, vector<1x16xf32>,
        %get3A_644 = vector.shape_cast %get3A_643 : vector<1x16xf32> to vector<16xf32>
        %add3A_645 = arith.addf %add3A_617, %get3A_644 : vector<16xf32>
        %add3A_646 = arith.constant 6 : i32
        %add3A_647 = arith.addi %mul3A_470, %add3A_646 : i32
        %get3A_648 = arith.index_cast %add3A_647 : i32 to index
        %get3A_649 = arith.constant 16 : index
        %get3A_650 = tpu.vector_load %arg8[%get3A_648, %get3A_649] {strides = array<i32>} : memref<128x128xf32, #tpu.memory_space<vmem>>, vector<1x16xf32>,
        %get3A_651 = vector.shape_cast %get3A_650 : vector<1x16xf32> to vector<16xf32>
        %add3A_652 = arith.addf %add3A_624, %get3A_651 : vector<16xf32>
        %add3A_653 = arith.constant 6 : i32
        %add3A_654 = arith.addi %mul3A_470, %add3A_653 : i32
        %get3A_655 = arith.index_cast %add3A_654 : i32 to index
        %get3A_656 = arith.constant 32 : index
        %get3A_657 = tpu.vector_load %arg8[%get3A_655, %get3A_656] {strides = array<i32>} : memref<128x128xf32, #tpu.memory_space<vmem>>, vector<1x16xf32>,
        %get3A_658 = vector.shape_cast %get3A_657 : vector<1x16xf32> to vector<16xf32>
        %add3A_659 = arith.addf %add3A_631, %get3A_658 : vector<16xf32>
        %add3A_660 = arith.constant 6 : i32
        %add3A_661 = arith.addi %mul3A_470, %add3A_660 : i32
        %get3A_662 = arith.index_cast %add3A_661 : i32 to index
        %get3A_663 = arith.constant 48 : index
        %get3A_664 = tpu.vector_load %arg8[%get3A_662, %get3A_663] {strides = array<i32>} : memref<128x128xf32, #tpu.memory_space<vmem>>, vector<1x16xf32>,
        %get3A_665 = vector.shape_cast %get3A_664 : vector<1x16xf32> to vector<16xf32>
        %add3A_666 = arith.addf %add3A_638, %get3A_665 : vector<16xf32>
        %add3A_667 = arith.constant 7 : i32
        %add3A_668 = arith.addi %mul3A_470, %add3A_667 : i32
        %get3A_669 = arith.index_cast %add3A_668 : i32 to index
        %get3A_670 = arith.constant 0 : index
        %get3A_671 = tpu.vector_load %arg8[%get3A_669, %get3A_670] {strides = array<i32>} : memref<128x128xf32, #tpu.memory_space<vmem>>, vector<1x16xf32>,
        %get3A_672 = vector.shape_cast %get3A_671 : vector<1x16xf32> to vector<16xf32>
        %add3A_673 = arith.addf %add3A_645, %get3A_672 : vector<16xf32>
        %add3A_674 = arith.constant 7 : i32
        %add3A_675 = arith.addi %mul3A_470, %add3A_674 : i32
        %get3A_676 = arith.index_cast %add3A_675 : i32 to index
        %get3A_677 = arith.constant 16 : index
        %get3A_678 = tpu.vector_load %arg8[%get3A_676, %get3A_677] {strides = array<i32>} : memref<128x128xf32, #tpu.memory_space<vmem>>, vector<1x16xf32>,
        %get3A_679 = vector.shape_cast %get3A_678 : vector<1x16xf32> to vector<16xf32>
        %add3A_680 = arith.addf %add3A_652, %get3A_679 : vector<16xf32>
        %add3A_681 = arith.constant 7 : i32
        %add3A_682 = arith.addi %mul3A_470, %add3A_681 : i32
        %get3A_683 = arith.index_cast %add3A_682 : i32 to index
        %get3A_684 = arith.constant 32 : index
        %get3A_685 = tpu.vector_load %arg8[%get3A_683, %get3A_684] {strides = array<i32>} : memref<128x128xf32, #tpu.memory_space<vmem>>, vector<1x16xf32>,
        %get3A_686 = vector.shape_cast %get3A_685 : vector<1x16xf32> to vector<16xf32>
        %add3A_687 = arith.addf %add3A_659, %get3A_686 : vector<16xf32>
        %add3A_688 = arith.constant 7 : i32
        %add3A_689 = arith.addi %mul3A_470, %add3A_688 : i32
        %get3A_690 = arith.index_cast %add3A_689 : i32 to index
        %get3A_691 = arith.constant 48 : index
        %get3A_692 = tpu.vector_load %arg8[%get3A_690, %get3A_691] {strides = array<i32>} : memref<128x128xf32, #tpu.memory_space<vmem>>, vector<1x16xf32>,
        %get3A_693 = vector.shape_cast %get3A_692 : vector<1x16xf32> to vector<16xf32>
        %add3A_694 = arith.addf %add3A_666, %get3A_693 : vector<16xf32>
        %add3A_695 = arith.constant 8 : i32
        %add3A_696 = arith.addi %mul3A_470, %add3A_695 : i32
        %get3A_697 = arith.index_cast %add3A_696 : i32 to index
        %get3A_698 = arith.constant 0 : index
        %get3A_699 = tpu.vector_load %arg8[%get3A_697, %get3A_698] {strides = array<i32>} : memref<128x128xf32, #tpu.memory_space<vmem>>, vector<1x16xf32>,
        %get3A_700 = vector.shape_cast %get3A_699 : vector<1x16xf32> to vector<16xf32>
        %add3A_701 = arith.addf %add3A_673, %get3A_700 : vector<16xf32>
        %add3A_702 = arith.constant 8 : i32
        %add3A_703 = arith.addi %mul3A_470, %add3A_702 : i32
        %get3A_704 = arith.index_cast %add3A_703 : i32 to index
        %get3A_705 = arith.constant 16 : index
        %get3A_706 = tpu.vector_load %arg8[%get3A_704, %get3A_705] {strides = array<i32>} : memref<128x128xf32, #tpu.memory_space<vmem>>, vector<1x16xf32>,
        %get3A_707 = vector.shape_cast %get3A_706 : vector<1x16xf32> to vector<16xf32>
        %add3A_708 = arith.addf %add3A_680, %get3A_707 : vector<16xf32>
        %add3A_709 = arith.constant 8 : i32
        %add3A_710 = arith.addi %mul3A_470, %add3A_709 : i32
        %get3A_711 = arith.index_cast %add3A_710 : i32 to index
        %get3A_712 = arith.constant 32 : index
        %get3A_713 = tpu.vector_load %arg8[%get3A_711, %get3A_712] {strides = array<i32>} : memref<128x128xf32, #tpu.memory_space<vmem>>, vector<1x16xf32>,
        %get3A_714 = vector.shape_cast %get3A_713 : vector<1x16xf32> to vector<16xf32>
        %add3A_715 = arith.addf %add3A_687, %get3A_714 : vector<16xf32>
        %add3A_716 = arith.constant 8 : i32
        %add3A_717 = arith.addi %mul3A_470, %add3A_716 : i32
        %get3A_718 = arith.index_cast %add3A_717 : i32 to index
        %get3A_719 = arith.constant 48 : index
        %get3A_720 = tpu.vector_load %arg8[%get3A_718, %get3A_719] {strides = array<i32>} : memref<128x128xf32, #tpu.memory_space<vmem>>, vector<1x16xf32>,
        %get3A_721 = vector.shape_cast %get3A_720 : vector<1x16xf32> to vector<16xf32>
        %add3A_722 = arith.addf %add3A_694, %get3A_721 : vector<16xf32>
        %add3A_723 = arith.constant 9 : i32
        %add3A_724 = arith.addi %mul3A_470, %add3A_723 : i32
        %get3A_725 = arith.index_cast %add3A_724 : i32 to index
        %get3A_726 = arith.constant 0 : index
        %get3A_727 = tpu.vector_load %arg8[%get3A_725, %get3A_726] {strides = array<i32>} : memref<128x128xf32, #tpu.memory_space<vmem>>, vector<1x16xf32>,
        %get3A_728 = vector.shape_cast %get3A_727 : vector<1x16xf32> to vector<16xf32>
        %add3A_729 = arith.addf %add3A_701, %get3A_728 : vector<16xf32>
        %add3A_730 = arith.constant 9 : i32
        %add3A_731 = arith.addi %mul3A_470, %add3A_730 : i32
        %get3A_732 = arith.index_cast %add3A_731 : i32 to index
        %get3A_733 = arith.constant 16 : index
        %get3A_734 = tpu.vector_load %arg8[%get3A_732, %get3A_733] {strides = array<i32>} : memref<128x128xf32, #tpu.memory_space<vmem>>, vector<1x16xf32>,
        %get3A_735 = vector.shape_cast %get3A_734 : vector<1x16xf32> to vector<16xf32>
        %add3A_736 = arith.addf %add3A_708, %get3A_735 : vector<16xf32>
        %add3A_737 = arith.constant 9 : i32
        %add3A_738 = arith.addi %mul3A_470, %add3A_737 : i32
        %get3A_739 = arith.index_cast %add3A_738 : i32 to index
        %get3A_740 = arith.constant 32 : index
        %get3A_741 = tpu.vector_load %arg8[%get3A_739, %get3A_740] {strides = array<i32>} : memref<128x128xf32, #tpu.memory_space<vmem>>, vector<1x16xf32>,
        %get3A_742 = vector.shape_cast %get3A_741 : vector<1x16xf32> to vector<16xf32>
        %add3A_743 = arith.addf %add3A_715, %get3A_742 : vector<16xf32>
        %add3A_744 = arith.constant 9 : i32
        %add3A_745 = arith.addi %mul3A_470, %add3A_744 : i32
        %get3A_746 = arith.index_cast %add3A_745 : i32 to index
        %get3A_747 = arith.constant 48 : index
        %get3A_748 = tpu.vector_load %arg8[%get3A_746, %get3A_747] {strides = array<i32>} : memref<128x128xf32, #tpu.memory_space<vmem>>, vector<1x16xf32>,
        %get3A_749 = vector.shape_cast %get3A_748 : vector<1x16xf32> to vector<16xf32>
        %add3A_750 = arith.addf %add3A_722, %get3A_749 : vector<16xf32>
        %add3A_751 = arith.constant 10 : i32
        %add3A_752 = arith.addi %mul3A_470, %add3A_751 : i32
        %get3A_753 = arith.index_cast %add3A_752 : i32 to index
        %get3A_754 = arith.constant 0 : index
        %get3A_755 = tpu.vector_load %arg8[%get3A_753, %get3A_754] {strides = array<i32>} : memref<128x128xf32, #tpu.memory_space<vmem>>, vector<1x16xf32>,
        %get3A_756 = vector.shape_cast %get3A_755 : vector<1x16xf32> to vector<16xf32>
        %add3A_757 = arith.addf %add3A_729, %get3A_756 : vector<16xf32>
        %add3A_758 = arith.constant 10 : i32
        %add3A_759 = arith.addi %mul3A_470, %add3A_758 : i32
        %get3A_760 = arith.index_cast %add3A_759 : i32 to index
        %get3A_761 = arith.constant 16 : index
        %get3A_762 = tpu.vector_load %arg8[%get3A_760, %get3A_761] {strides = array<i32>} : memref<128x128xf32, #tpu.memory_space<vmem>>, vector<1x16xf32>,
        %get3A_763 = vector.shape_cast %get3A_762 : vector<1x16xf32> to vector<16xf32>
        %add3A_764 = arith.addf %add3A_736, %get3A_763 : vector<16xf32>
        %add3A_765 = arith.constant 10 : i32
        %add3A_766 = arith.addi %mul3A_470, %add3A_765 : i32
        %get3A_767 = arith.index_cast %add3A_766 : i32 to index
        %get3A_768 = arith.constant 32 : index
        %get3A_769 = tpu.vector_load %arg8[%get3A_767, %get3A_768] {strides = array<i32>} : memref<128x128xf32, #tpu.memory_space<vmem>>, vector<1x16xf32>,
        %get3A_770 = vector.shape_cast %get3A_769 : vector<1x16xf32> to vector<16xf32>
        %add3A_771 = arith.addf %add3A_743, %get3A_770 : vector<16xf32>
        %add3A_772 = arith.constant 10 : i32
        %add3A_773 = arith.addi %mul3A_470, %add3A_772 : i32
        %get3A_774 = arith.index_cast %add3A_773 : i32 to index
        %get3A_775 = arith.constant 48 : index
        %get3A_776 = tpu.vector_load %arg8[%get3A_774, %get3A_775] {strides = array<i32>} : memref<128x128xf32, #tpu.memory_space<vmem>>, vector<1x16xf32>,
        %get3A_777 = vector.shape_cast %get3A_776 : vector<1x16xf32> to vector<16xf32>
        %add3A_778 = arith.addf %add3A_750, %get3A_777 : vector<16xf32>
        %add3A_779 = arith.constant 11 : i32
        %add3A_780 = arith.addi %mul3A_470, %add3A_779 : i32
        %get3A_781 = arith.index_cast %add3A_780 : i32 to index
        %get3A_782 = arith.constant 0 : index
        %get3A_783 = tpu.vector_load %arg8[%get3A_781, %get3A_782] {strides = array<i32>} : memref<128x128xf32, #tpu.memory_space<vmem>>, vector<1x16xf32>,
        %get3A_784 = vector.shape_cast %get3A_783 : vector<1x16xf32> to vector<16xf32>
        %add3A_785 = arith.addf %add3A_757, %get3A_784 : vector<16xf32>
        %add3A_786 = arith.constant 11 : i32
        %add3A_787 = arith.addi %mul3A_470, %add3A_786 : i32
        %get3A_788 = arith.index_cast %add3A_787 : i32 to index
        %get3A_789 = arith.constant 16 : index
        %get3A_790 = tpu.vector_load %arg8[%get3A_788, %get3A_789] {strides = array<i32>} : memref<128x128xf32, #tpu.memory_space<vmem>>, vector<1x16xf32>,
        %get3A_791 = vector.shape_cast %get3A_790 : vector<1x16xf32> to vector<16xf32>
        %add3A_792 = arith.addf %add3A_764, %get3A_791 : vector<16xf32>
        %add3A_793 = arith.constant 11 : i32
        %add3A_794 = arith.addi %mul3A_470, %add3A_793 : i32
        %get3A_795 = arith.index_cast %add3A_794 : i32 to index
        %get3A_796 = arith.constant 32 : index
        %get3A_797 = tpu.vector_load %arg8[%get3A_795, %get3A_796] {strides = array<i32>} : memref<128x128xf32, #tpu.memory_space<vmem>>, vector<1x16xf32>,
        %get3A_798 = vector.shape_cast %get3A_797 : vector<1x16xf32> to vector<16xf32>
        %add3A_799 = arith.addf %add3A_771, %get3A_798 : vector<16xf32>
        %add3A_800 = arith.constant 11 : i32
        %add3A_801 = arith.addi %mul3A_470, %add3A_800 : i32
        %get3A_802 = arith.index_cast %add3A_801 : i32 to index
        %get3A_803 = arith.constant 48 : index
        %get3A_804 = tpu.vector_load %arg8[%get3A_802, %get3A_803] {strides = array<i32>} : memref<128x128xf32, #tpu.memory_space<vmem>>, vector<1x16xf32>,
        %get3A_805 = vector.shape_cast %get3A_804 : vector<1x16xf32> to vector<16xf32>
        %add3A_806 = arith.addf %add3A_778, %get3A_805 : vector<16xf32>
        %add3A_807 = arith.constant 12 : i32
        %add3A_808 = arith.addi %mul3A_470, %add3A_807 : i32
        %get3A_809 = arith.index_cast %add3A_808 : i32 to index
        %get3A_810 = arith.constant 0 : index
        %get3A_811 = tpu.vector_load %arg8[%get3A_809, %get3A_810] {strides = array<i32>} : memref<128x128xf32, #tpu.memory_space<vmem>>, vector<1x16xf32>,
        %get3A_812 = vector.shape_cast %get3A_811 : vector<1x16xf32> to vector<16xf32>
        %add3A_813 = arith.addf %add3A_785, %get3A_812 : vector<16xf32>
        %add3A_814 = arith.constant 12 : i32
        %add3A_815 = arith.addi %mul3A_470, %add3A_814 : i32
        %get3A_816 = arith.index_cast %add3A_815 : i32 to index
        %get3A_817 = arith.constant 16 : index
        %get3A_818 = tpu.vector_load %arg8[%get3A_816, %get3A_817] {strides = array<i32>} : memref<128x128xf32, #tpu.memory_space<vmem>>, vector<1x16xf32>,
        %get3A_819 = vector.shape_cast %get3A_818 : vector<1x16xf32> to vector<16xf32>
        %add3A_820 = arith.addf %add3A_792, %get3A_819 : vector<16xf32>
        %add3A_821 = arith.constant 12 : i32
        %add3A_822 = arith.addi %mul3A_470, %add3A_821 : i32
        %get3A_823 = arith.index_cast %add3A_822 : i32 to index
        %get3A_824 = arith.constant 32 : index
        %get3A_825 = tpu.vector_load %arg8[%get3A_823, %get3A_824] {strides = array<i32>} : memref<128x128xf32, #tpu.memory_space<vmem>>, vector<1x16xf32>,
        %get3A_826 = vector.shape_cast %get3A_825 : vector<1x16xf32> to vector<16xf32>
        %add3A_827 = arith.addf %add3A_799, %get3A_826 : vector<16xf32>
        %add3A_828 = arith.constant 12 : i32
        %add3A_829 = arith.addi %mul3A_470, %add3A_828 : i32
        %get3A_830 = arith.index_cast %add3A_829 : i32 to index
        %get3A_831 = arith.constant 48 : index
        %get3A_832 = tpu.vector_load %arg8[%get3A_830, %get3A_831] {strides = array<i32>} : memref<128x128xf32, #tpu.memory_space<vmem>>, vector<1x16xf32>,
        %get3A_833 = vector.shape_cast %get3A_832 : vector<1x16xf32> to vector<16xf32>
        %add3A_834 = arith.addf %add3A_806, %get3A_833 : vector<16xf32>
        %add3A_835 = arith.constant 13 : i32
        %add3A_836 = arith.addi %mul3A_470, %add3A_835 : i32
        %get3A_837 = arith.index_cast %add3A_836 : i32 to index
        %get3A_838 = arith.constant 0 : index
        %get3A_839 = tpu.vector_load %arg8[%get3A_837, %get3A_838] {strides = array<i32>} : memref<128x128xf32, #tpu.memory_space<vmem>>, vector<1x16xf32>,
        %get3A_840 = vector.shape_cast %get3A_839 : vector<1x16xf32> to vector<16xf32>
        %add3A_841 = arith.addf %add3A_813, %get3A_840 : vector<16xf32>
        %add3A_842 = arith.constant 13 : i32
        %add3A_843 = arith.addi %mul3A_470, %add3A_842 : i32
        %get3A_844 = arith.index_cast %add3A_843 : i32 to index
        %get3A_845 = arith.constant 16 : index
        %get3A_846 = tpu.vector_load %arg8[%get3A_844, %get3A_845] {strides = array<i32>} : memref<128x128xf32, #tpu.memory_space<vmem>>, vector<1x16xf32>,
        %get3A_847 = vector.shape_cast %get3A_846 : vector<1x16xf32> to vector<16xf32>
        %add3A_848 = arith.addf %add3A_820, %get3A_847 : vector<16xf32>
        %add3A_849 = arith.constant 13 : i32
        %add3A_850 = arith.addi %mul3A_470, %add3A_849 : i32
        %get3A_851 = arith.index_cast %add3A_850 : i32 to index
        %get3A_852 = arith.constant 32 : index
        %get3A_853 = tpu.vector_load %arg8[%get3A_851, %get3A_852] {strides = array<i32>} : memref<128x128xf32, #tpu.memory_space<vmem>>, vector<1x16xf32>,
        %get3A_854 = vector.shape_cast %get3A_853 : vector<1x16xf32> to vector<16xf32>
        %add3A_855 = arith.addf %add3A_827, %get3A_854 : vector<16xf32>
        %add3A_856 = arith.constant 13 : i32
        %add3A_857 = arith.addi %mul3A_470, %add3A_856 : i32
        %get3A_858 = arith.index_cast %add3A_857 : i32 to index
        %get3A_859 = arith.constant 48 : index
        %get3A_860 = tpu.vector_load %arg8[%get3A_858, %get3A_859] {strides = array<i32>} : memref<128x128xf32, #tpu.memory_space<vmem>>, vector<1x16xf32>,
        %get3A_861 = vector.shape_cast %get3A_860 : vector<1x16xf32> to vector<16xf32>
        %add3A_862 = arith.addf %add3A_834, %get3A_861 : vector<16xf32>
        %add3A_863 = arith.constant 14 : i32
        %add3A_864 = arith.addi %mul3A_470, %add3A_863 : i32
        %get3A_865 = arith.index_cast %add3A_864 : i32 to index
        %get3A_866 = arith.constant 0 : index
        %get3A_867 = tpu.vector_load %arg8[%get3A_865, %get3A_866] {strides = array<i32>} : memref<128x128xf32, #tpu.memory_space<vmem>>, vector<1x16xf32>,
        %get3A_868 = vector.shape_cast %get3A_867 : vector<1x16xf32> to vector<16xf32>
        %add3A_869 = arith.addf %add3A_841, %get3A_868 : vector<16xf32>
        %add3A_870 = arith.constant 14 : i32
        %add3A_871 = arith.addi %mul3A_470, %add3A_870 : i32
        %get3A_872 = arith.index_cast %add3A_871 : i32 to index
        %get3A_873 = arith.constant 16 : index
        %get3A_874 = tpu.vector_load %arg8[%get3A_872, %get3A_873] {strides = array<i32>} : memref<128x128xf32, #tpu.memory_space<vmem>>, vector<1x16xf32>,
        %get3A_875 = vector.shape_cast %get3A_874 : vector<1x16xf32> to vector<16xf32>
        %add3A_876 = arith.addf %add3A_848, %get3A_875 : vector<16xf32>
        %add3A_877 = arith.constant 14 : i32
        %add3A_878 = arith.addi %mul3A_470, %add3A_877 : i32
        %get3A_879 = arith.index_cast %add3A_878 : i32 to index
        %get3A_880 = arith.constant 32 : index
        %get3A_881 = tpu.vector_load %arg8[%get3A_879, %get3A_880] {strides = array<i32>} : memref<128x128xf32, #tpu.memory_space<vmem>>, vector<1x16xf32>,
        %get3A_882 = vector.shape_cast %get3A_881 : vector<1x16xf32> to vector<16xf32>
        %add3A_883 = arith.addf %add3A_855, %get3A_882 : vector<16xf32>
        %add3A_884 = arith.constant 14 : i32
        %add3A_885 = arith.addi %mul3A_470, %add3A_884 : i32
        %get3A_886 = arith.index_cast %add3A_885 : i32 to index
        %get3A_887 = arith.constant 48 : index
        %get3A_888 = tpu.vector_load %arg8[%get3A_886, %get3A_887] {strides = array<i32>} : memref<128x128xf32, #tpu.memory_space<vmem>>, vector<1x16xf32>,
        %get3A_889 = vector.shape_cast %get3A_888 : vector<1x16xf32> to vector<16xf32>
        %add3A_890 = arith.addf %add3A_862, %get3A_889 : vector<16xf32>
        %add3A_891 = arith.constant 15 : i32
        %add3A_892 = arith.addi %mul3A_470, %add3A_891 : i32
        %get3A_893 = arith.index_cast %add3A_892 : i32 to index
        %get3A_894 = arith.constant 0 : index
        %get3A_895 = tpu.vector_load %arg8[%get3A_893, %get3A_894] {strides = array<i32>} : memref<128x128xf32, #tpu.memory_space<vmem>>, vector<1x16xf32>,
        %get3A_896 = vector.shape_cast %get3A_895 : vector<1x16xf32> to vector<16xf32>
        %add3A_897 = arith.addf %add3A_869, %get3A_896 : vector<16xf32>
        %add3A_898 = arith.constant 15 : i32
        %add3A_899 = arith.addi %mul3A_470, %add3A_898 : i32
        %get3A_900 = arith.index_cast %add3A_899 : i32 to index
        %get3A_901 = arith.constant 16 : index
        %get3A_902 = tpu.vector_load %arg8[%get3A_900, %get3A_901] {strides = array<i32>} : memref<128x128xf32, #tpu.memory_space<vmem>>, vector<1x16xf32>,
        %get3A_903 = vector.shape_cast %get3A_902 : vector<1x16xf32> to vector<16xf32>
        %add3A_904 = arith.addf %add3A_876, %get3A_903 : vector<16xf32>
        %add3A_905 = arith.constant 15 : i32
        %add3A_906 = arith.addi %mul3A_470, %add3A_905 : i32
        %get3A_907 = arith.index_cast %add3A_906 : i32 to index
        %get3A_908 = arith.constant 32 : index
        %get3A_909 = tpu.vector_load %arg8[%get3A_907, %get3A_908] {strides = array<i32>} : memref<128x128xf32, #tpu.memory_space<vmem>>, vector<1x16xf32>,
        %get3A_910 = vector.shape_cast %get3A_909 : vector<1x16xf32> to vector<16xf32>
        %add3A_911 = arith.addf %add3A_883, %get3A_910 : vector<16xf32>
        %add3A_912 = arith.constant 15 : i32
        %add3A_913 = arith.addi %mul3A_470, %add3A_912 : i32
        %get3A_914 = arith.index_cast %add3A_913 : i32 to index
        %get3A_915 = arith.constant 48 : index
        %get3A_916 = tpu.vector_load %arg8[%get3A_914, %get3A_915] {strides = array<i32>} : memref<128x128xf32, #tpu.memory_space<vmem>>, vector<1x16xf32>,
        %get3A_917 = vector.shape_cast %get3A_916 : vector<1x16xf32> to vector<16xf32>
        %add3A_918 = arith.addf %add3A_890, %get3A_917 : vector<16xf32>
        scf.yield %add3A_897, %add3A_904, %add3A_911, %add3A_918 : vector<16xf32>, vector<16xf32>, vector<16xf32>, vector<16xf32>
      }
      %scan3A_159 = arith.constant 8 : i32
      %get3A_160 = arith.index_cast %select_n3A_151 : i32 to index
      %get3A_161 = arith.constant 0 : index
      %get3A_162 = tpu.vector_load %arg12[%get3A_160, %get3A_161] {strides = array<i32>} : memref<56x64xf32, #tpu.memory_space<vmem>>, vector<1x16xf32>,
      %get3A_163 = vector.shape_cast %get3A_162 : vector<1x16xf32> to vector<16xf32>
      %add3A_164 = arith.addf %get3A_163, %scan3A_158#0 : vector<16xf32>
      %swap3A_165 = arith.index_cast %select_n3A_151 : i32 to index
      %swap3A_166 = arith.constant 0 : index
      %swap3A_167 = tpu.vector_load %arg12[%swap3A_165, %swap3A_166] {strides = array<i32>} : memref<56x64xf32, #tpu.memory_space<vmem>>, vector<1x16xf32>,
      %swap3A_168 = vector.shape_cast %swap3A_167 : vector<1x16xf32> to vector<16xf32>
      %swap3A_169 = vector.shape_cast %add3A_164 : vector<16xf32> to vector<1x16xf32>
      tpu.vector_store %arg12[%swap3A_165, %swap3A_166], %swap3A_169 {strides = array<i32>} : memref<56x64xf32, #tpu.memory_space<vmem>>, vector<1x16xf32>,
      %get3A_170 = arith.index_cast %select_n3A_151 : i32 to index
      %get3A_171 = arith.constant 16 : index
      %get3A_172 = tpu.vector_load %arg12[%get3A_170, %get3A_171] {strides = array<i32>} : memref<56x64xf32, #tpu.memory_space<vmem>>, vector<1x16xf32>,
      %get3A_173 = vector.shape_cast %get3A_172 : vector<1x16xf32> to vector<16xf32>
      %add3A_174 = arith.addf %get3A_173, %scan3A_158#1 : vector<16xf32>
      %swap3A_175 = arith.index_cast %select_n3A_151 : i32 to index
      %swap3A_176 = arith.constant 16 : index
      %swap3A_177 = tpu.vector_load %arg12[%swap3A_175, %swap3A_176] {strides = array<i32>} : memref<56x64xf32, #tpu.memory_space<vmem>>, vector<1x16xf32>,
      %swap3A_178 = vector.shape_cast %swap3A_177 : vector<1x16xf32> to vector<16xf32>
      %swap3A_179 = vector.shape_cast %add3A_174 : vector<16xf32> to vector<1x16xf32>
      tpu.vector_store %arg12[%swap3A_175, %swap3A_176], %swap3A_179 {strides = array<i32>} : memref<56x64xf32, #tpu.memory_space<vmem>>, vector<1x16xf32>,
      %get3A_180 = arith.index_cast %select_n3A_151 : i32 to index
      %get3A_181 = arith.constant 32 : index
      %get3A_182 = tpu.vector_load %arg12[%get3A_180, %get3A_181] {strides = array<i32>} : memref<56x64xf32, #tpu.memory_space<vmem>>, vector<1x16xf32>,
      %get3A_183 = vector.shape_cast %get3A_182 : vector<1x16xf32> to vector<16xf32>
      %add3A_184 = arith.addf %get3A_183, %scan3A_158#2 : vector<16xf32>
      %swap3A_185 = arith.index_cast %select_n3A_151 : i32 to index
      %swap3A_186 = arith.constant 32 : index
      %swap3A_187 = tpu.vector_load %arg12[%swap3A_185, %swap3A_186] {strides = array<i32>} : memref<56x64xf32, #tpu.memory_space<vmem>>, vector<1x16xf32>,
      %swap3A_188 = vector.shape_cast %swap3A_187 : vector<1x16xf32> to vector<16xf32>
      %swap3A_189 = vector.shape_cast %add3A_184 : vector<16xf32> to vector<1x16xf32>
      tpu.vector_store %arg12[%swap3A_185, %swap3A_186], %swap3A_189 {strides = array<i32>} : memref<56x64xf32, #tpu.memory_space<vmem>>, vector<1x16xf32>,
      %get3A_190 = arith.index_cast %select_n3A_151 : i32 to index
      %get3A_191 = arith.constant 48 : index
      %get3A_192 = tpu.vector_load %arg12[%get3A_190, %get3A_191] {strides = array<i32>} : memref<56x64xf32, #tpu.memory_space<vmem>>, vector<1x16xf32>,
      %get3A_193 = vector.shape_cast %get3A_192 : vector<1x16xf32> to vector<16xf32>
      %add3A_194 = arith.addf %get3A_193, %scan3A_158#3 : vector<16xf32>
      %swap3A_195 = arith.index_cast %select_n3A_151 : i32 to index
      %swap3A_196 = arith.constant 48 : index
      %swap3A_197 = tpu.vector_load %arg12[%swap3A_195, %swap3A_196] {strides = array<i32>} : memref<56x64xf32, #tpu.memory_space<vmem>>, vector<1x16xf32>,
      %swap3A_198 = vector.shape_cast %swap3A_197 : vector<1x16xf32> to vector<16xf32>
      %swap3A_199 = vector.shape_cast %add3A_194 : vector<16xf32> to vector<1x16xf32>
      tpu.vector_store %arg12[%swap3A_195, %swap3A_196], %swap3A_199 {strides = array<i32>} : memref<56x64xf32, #tpu.memory_space<vmem>>, vector<1x16xf32>,
      %add3A_200 = arith.constant 2 : i32
      %add3A_201 = arith.addi %add3A_38, %add3A_200 : i32
      %add3A_202 = arith.constant 4 : i32
      %add3A_203 = arith.addi %add3A_201, %add3A_202 : i32
      %lt3A_204 = arith.constant 200 : i32
      %lt3A_205 = arith.cmpi slt, %add3A_203, %lt3A_204 : i32
      %convert_element_type3A_206 = arith.extui %lt3A_205 : i1 to i32
      %cond3A_207 = arith.constant 0 : i32
      %cond3A_208 = arith.cmpi ne, %convert_element_type3A_206, %cond3A_207 : i32
      scf.if %cond3A_208 {
        %add3A_464 = arith.constant 4 : i32
        %add3A_465 = arith.addi %add3A_201, %add3A_464 : i32
        %dma_start3A_466 = arith.constant 0 : i32
        %dma_start3A_467 = tpu.memref_slice %arg6[%add3A_465, %dma_start3A_466] : memref<200x128xi32, #tpu.memory_space<vmem>> -> memref<1x128xi32, #tpu.memory_space<vmem>>
        %dma_start3A_468 = tpu.memref_squeeze %dma_start3A_467 : memref<1x128xi32, #tpu.memory_space<vmem>> -> memref<128xi32, #tpu.memory_space<vmem>>
        %dma_start3A_469 = arith.constant 0 : i32
        %dma_start3A_470 = arith.constant 0 : i32
        %dma_start3A_471 = tpu.memref_slice %arg3[%dma_start3A_469, %dma_start3A_470] : memref<1000000x128xf32, #tpu.memory_space<hbm>> -> memref<1000000x128xf32, #tpu.memory_space<hbm>>
        tpu.enqueue_indirect_dma source(%dma_start3A_471 : memref<1000000x128xf32, #tpu.memory_space<hbm>>) target(%arg8 : memref<128x128xf32, #tpu.memory_space<vmem>>) offsets(%dma_start3A_468 : memref<128xi32, #tpu.memory_space<vmem>>) semaphore(%arg14 : memref<!tpu.dma_semaphore, #tpu.memory_space<semaphore_mem>>)
      } else {
      }
      %dma_wait3A_209 = arith.constant 0 : i32
      %dma_wait3A_210 = tpu.memref_slice %arg6[%add3A_201, %dma_wait3A_209] : memref<200x128xi32, #tpu.memory_space<vmem>> -> memref<1x128xi32, #tpu.memory_space<vmem>>
      %dma_wait3A_211 = tpu.memref_squeeze %dma_wait3A_210 : memref<1x128xi32, #tpu.memory_space<vmem>> -> memref<128xi32, #tpu.memory_space<vmem>>
      %dma_wait3A_212 = arith.constant 0 : i32
      %dma_wait3A_213 = arith.constant 0 : i32
      %dma_wait3A_214 = tpu.memref_slice %arg3[%dma_wait3A_212, %dma_wait3A_213] : memref<1000000x128xf32, #tpu.memory_space<hbm>> -> memref<1000000x128xf32, #tpu.memory_space<hbm>>
      tpu.wait_indirect_dma semaphore(%arg15 : memref<!tpu.dma_semaphore, #tpu.memory_space<semaphore_mem>>) src(%dma_wait3A_214 : memref<1000000x128xf32, #tpu.memory_space<hbm>>) dst(%arg9 : memref<128x128xf32, #tpu.memory_space<vmem>>)
      %add3A_215 = arith.addi %mul3A_2, %add3A_201 : i32
      %jit3A_216 = arith.constant 128 : i32
      %div3A_217 = arith.divsi %add3A_215, %jit3A_216 : i32
      %sign3A_218 = arith.constant 0 : i32
      %sign3A_219 = arith.cmpi sgt, %add3A_215, %sign3A_218 : i32
      %sign3A_220 = arith.extui %sign3A_219 : i1 to i32
      %sign3A_221 = arith.constant 0 : i32
      %sign3A_222 = arith.cmpi slt, %add3A_215, %sign3A_221 : i32
      %sign3A_223 = arith.extui %sign3A_222 : i1 to i32
      %sign3A_224 = arith.subi %sign3A_220, %sign3A_223 : i32
      %sign3A_225 = arith.constant 0 : i32
      %sign3A_226 = arith.cmpi sgt, %jit3A_216, %sign3A_225 : i32
      %sign3A_227 = arith.extui %sign3A_226 : i1 to i32
      %sign3A_228 = arith.constant 0 : i32
      %sign3A_229 = arith.cmpi slt, %jit3A_216, %sign3A_228 : i32
      %sign3A_230 = arith.extui %sign3A_229 : i1 to i32
      %sign3A_231 = arith.subi %sign3A_227, %sign3A_230 : i32
      %ne3A_232 = arith.cmpi ne, %sign3A_224, %sign3A_231 : i32
      %rem3A_233 = arith.remsi %add3A_215, %jit3A_216 : i32
      %ne3A_234 = arith.constant 0 : i32
      %ne3A_235 = arith.cmpi ne, %rem3A_233, %ne3A_234 : i32
      %and3A_236 = arith.andi %ne3A_232, %ne3A_235 : i1
      %sub3A_237 = arith.constant 1 : i32
      %sub3A_238 = arith.subi %div3A_217, %sub3A_237 : i32
      %select_n3A_239 = arith.select %and3A_236, %sub3A_238, %div3A_217 : i32
      %broadcast_in_dim3A_240 = arith.constant 0.000000e+00 : f32
      %broadcast_in_dim3A_241 = vector.broadcast %broadcast_in_dim3A_240 : f32 to vector<16xf32>
      %scan3A_242 = arith.constant 0 : i32
      %scan3A_243 = arith.constant 8 : i32
      %scan3A_244 = arith.addi %scan3A_242, %scan3A_243 : i32
      %scan3A_245 = arith.constant 1 : i32
      %scan3A_246:4 = scf.for %scan3A_464 = %scan3A_242 to %scan3A_244 step %scan3A_245 iter_args(%scan3A_465 = %broadcast_in_dim3A_241, %scan3A_466 = %broadcast_in_dim3A_241, %scan3A_467 = %broadcast_in_dim3A_241, %scan3A_468 = %broadcast_in_dim3A_241) -> (vector<16xf32>, vector<16xf32>, vector<16xf32>, vector<16xf32>)  : i32 {
        %mul3A_469 = arith.constant 16 : i32
        %mul3A_470 = arith.muli %scan3A_464, %mul3A_469 : i32
        %add3A_471 = arith.constant 0 : i32
        %add3A_472 = arith.addi %mul3A_470, %add3A_471 : i32
        %get3A_473 = arith.index_cast %add3A_472 : i32 to index
        %get3A_474 = arith.constant 0 : index
        %get3A_475 = tpu.vector_load %arg9[%get3A_473, %get3A_474] {strides = array<i32>} : memref<128x128xf32, #tpu.memory_space<vmem>>, vector<1x16xf32>,
        %get3A_476 = vector.shape_cast %get3A_475 : vector<1x16xf32> to vector<16xf32>
        %add3A_477 = arith.addf %scan3A_465, %get3A_476 : vector<16xf32>
        %add3A_478 = arith.constant 0 : i32
        %add3A_479 = arith.addi %mul3A_470, %add3A_478 : i32
        %get3A_480 = arith.index_cast %add3A_479 : i32 to index
        %get3A_481 = arith.constant 16 : index
        %get3A_482 = tpu.vector_load %arg9[%get3A_480, %get3A_481] {strides = array<i32>} : memref<128x128xf32, #tpu.memory_space<vmem>>, vector<1x16xf32>,
        %get3A_483 = vector.shape_cast %get3A_482 : vector<1x16xf32> to vector<16xf32>
        %add3A_484 = arith.addf %scan3A_466, %get3A_483 : vector<16xf32>
        %add3A_485 = arith.constant 0 : i32
        %add3A_486 = arith.addi %mul3A_470, %add3A_485 : i32
        %get3A_487 = arith.index_cast %add3A_486 : i32 to index
        %get3A_488 = arith.constant 32 : index
        %get3A_489 = tpu.vector_load %arg9[%get3A_487, %get3A_488] {strides = array<i32>} : memref<128x128xf32, #tpu.memory_space<vmem>>, vector<1x16xf32>,
        %get3A_490 = vector.shape_cast %get3A_489 : vector<1x16xf32> to vector<16xf32>
        %add3A_491 = arith.addf %scan3A_467, %get3A_490 : vector<16xf32>
        %add3A_492 = arith.constant 0 : i32
        %add3A_493 = arith.addi %mul3A_470, %add3A_492 : i32
        %get3A_494 = arith.index_cast %add3A_493 : i32 to index
        %get3A_495 = arith.constant 48 : index
        %get3A_496 = tpu.vector_load %arg9[%get3A_494, %get3A_495] {strides = array<i32>} : memref<128x128xf32, #tpu.memory_space<vmem>>, vector<1x16xf32>,
        %get3A_497 = vector.shape_cast %get3A_496 : vector<1x16xf32> to vector<16xf32>
        %add3A_498 = arith.addf %scan3A_468, %get3A_497 : vector<16xf32>
        %add3A_499 = arith.constant 1 : i32
        %add3A_500 = arith.addi %mul3A_470, %add3A_499 : i32
        %get3A_501 = arith.index_cast %add3A_500 : i32 to index
        %get3A_502 = arith.constant 0 : index
        %get3A_503 = tpu.vector_load %arg9[%get3A_501, %get3A_502] {strides = array<i32>} : memref<128x128xf32, #tpu.memory_space<vmem>>, vector<1x16xf32>,
        %get3A_504 = vector.shape_cast %get3A_503 : vector<1x16xf32> to vector<16xf32>
        %add3A_505 = arith.addf %add3A_477, %get3A_504 : vector<16xf32>
        %add3A_506 = arith.constant 1 : i32
        %add3A_507 = arith.addi %mul3A_470, %add3A_506 : i32
        %get3A_508 = arith.index_cast %add3A_507 : i32 to index
        %get3A_509 = arith.constant 16 : index
        %get3A_510 = tpu.vector_load %arg9[%get3A_508, %get3A_509] {strides = array<i32>} : memref<128x128xf32, #tpu.memory_space<vmem>>, vector<1x16xf32>,
        %get3A_511 = vector.shape_cast %get3A_510 : vector<1x16xf32> to vector<16xf32>
        %add3A_512 = arith.addf %add3A_484, %get3A_511 : vector<16xf32>
        %add3A_513 = arith.constant 1 : i32
        %add3A_514 = arith.addi %mul3A_470, %add3A_513 : i32
        %get3A_515 = arith.index_cast %add3A_514 : i32 to index
        %get3A_516 = arith.constant 32 : index
        %get3A_517 = tpu.vector_load %arg9[%get3A_515, %get3A_516] {strides = array<i32>} : memref<128x128xf32, #tpu.memory_space<vmem>>, vector<1x16xf32>,
        %get3A_518 = vector.shape_cast %get3A_517 : vector<1x16xf32> to vector<16xf32>
        %add3A_519 = arith.addf %add3A_491, %get3A_518 : vector<16xf32>
        %add3A_520 = arith.constant 1 : i32
        %add3A_521 = arith.addi %mul3A_470, %add3A_520 : i32
        %get3A_522 = arith.index_cast %add3A_521 : i32 to index
        %get3A_523 = arith.constant 48 : index
        %get3A_524 = tpu.vector_load %arg9[%get3A_522, %get3A_523] {strides = array<i32>} : memref<128x128xf32, #tpu.memory_space<vmem>>, vector<1x16xf32>,
        %get3A_525 = vector.shape_cast %get3A_524 : vector<1x16xf32> to vector<16xf32>
        %add3A_526 = arith.addf %add3A_498, %get3A_525 : vector<16xf32>
        %add3A_527 = arith.constant 2 : i32
        %add3A_528 = arith.addi %mul3A_470, %add3A_527 : i32
        %get3A_529 = arith.index_cast %add3A_528 : i32 to index
        %get3A_530 = arith.constant 0 : index
        %get3A_531 = tpu.vector_load %arg9[%get3A_529, %get3A_530] {strides = array<i32>} : memref<128x128xf32, #tpu.memory_space<vmem>>, vector<1x16xf32>,
        %get3A_532 = vector.shape_cast %get3A_531 : vector<1x16xf32> to vector<16xf32>
        %add3A_533 = arith.addf %add3A_505, %get3A_532 : vector<16xf32>
        %add3A_534 = arith.constant 2 : i32
        %add3A_535 = arith.addi %mul3A_470, %add3A_534 : i32
        %get3A_536 = arith.index_cast %add3A_535 : i32 to index
        %get3A_537 = arith.constant 16 : index
        %get3A_538 = tpu.vector_load %arg9[%get3A_536, %get3A_537] {strides = array<i32>} : memref<128x128xf32, #tpu.memory_space<vmem>>, vector<1x16xf32>,
        %get3A_539 = vector.shape_cast %get3A_538 : vector<1x16xf32> to vector<16xf32>
        %add3A_540 = arith.addf %add3A_512, %get3A_539 : vector<16xf32>
        %add3A_541 = arith.constant 2 : i32
        %add3A_542 = arith.addi %mul3A_470, %add3A_541 : i32
        %get3A_543 = arith.index_cast %add3A_542 : i32 to index
        %get3A_544 = arith.constant 32 : index
        %get3A_545 = tpu.vector_load %arg9[%get3A_543, %get3A_544] {strides = array<i32>} : memref<128x128xf32, #tpu.memory_space<vmem>>, vector<1x16xf32>,
        %get3A_546 = vector.shape_cast %get3A_545 : vector<1x16xf32> to vector<16xf32>
        %add3A_547 = arith.addf %add3A_519, %get3A_546 : vector<16xf32>
        %add3A_548 = arith.constant 2 : i32
        %add3A_549 = arith.addi %mul3A_470, %add3A_548 : i32
        %get3A_550 = arith.index_cast %add3A_549 : i32 to index
        %get3A_551 = arith.constant 48 : index
        %get3A_552 = tpu.vector_load %arg9[%get3A_550, %get3A_551] {strides = array<i32>} : memref<128x128xf32, #tpu.memory_space<vmem>>, vector<1x16xf32>,
        %get3A_553 = vector.shape_cast %get3A_552 : vector<1x16xf32> to vector<16xf32>
        %add3A_554 = arith.addf %add3A_526, %get3A_553 : vector<16xf32>
        %add3A_555 = arith.constant 3 : i32
        %add3A_556 = arith.addi %mul3A_470, %add3A_555 : i32
        %get3A_557 = arith.index_cast %add3A_556 : i32 to index
        %get3A_558 = arith.constant 0 : index
        %get3A_559 = tpu.vector_load %arg9[%get3A_557, %get3A_558] {strides = array<i32>} : memref<128x128xf32, #tpu.memory_space<vmem>>, vector<1x16xf32>,
        %get3A_560 = vector.shape_cast %get3A_559 : vector<1x16xf32> to vector<16xf32>
        %add3A_561 = arith.addf %add3A_533, %get3A_560 : vector<16xf32>
        %add3A_562 = arith.constant 3 : i32
        %add3A_563 = arith.addi %mul3A_470, %add3A_562 : i32
        %get3A_564 = arith.index_cast %add3A_563 : i32 to index
        %get3A_565 = arith.constant 16 : index
        %get3A_566 = tpu.vector_load %arg9[%get3A_564, %get3A_565] {strides = array<i32>} : memref<128x128xf32, #tpu.memory_space<vmem>>, vector<1x16xf32>,
        %get3A_567 = vector.shape_cast %get3A_566 : vector<1x16xf32> to vector<16xf32>
        %add3A_568 = arith.addf %add3A_540, %get3A_567 : vector<16xf32>
        %add3A_569 = arith.constant 3 : i32
        %add3A_570 = arith.addi %mul3A_470, %add3A_569 : i32
        %get3A_571 = arith.index_cast %add3A_570 : i32 to index
        %get3A_572 = arith.constant 32 : index
        %get3A_573 = tpu.vector_load %arg9[%get3A_571, %get3A_572] {strides = array<i32>} : memref<128x128xf32, #tpu.memory_space<vmem>>, vector<1x16xf32>,
        %get3A_574 = vector.shape_cast %get3A_573 : vector<1x16xf32> to vector<16xf32>
        %add3A_575 = arith.addf %add3A_547, %get3A_574 : vector<16xf32>
        %add3A_576 = arith.constant 3 : i32
        %add3A_577 = arith.addi %mul3A_470, %add3A_576 : i32
        %get3A_578 = arith.index_cast %add3A_577 : i32 to index
        %get3A_579 = arith.constant 48 : index
        %get3A_580 = tpu.vector_load %arg9[%get3A_578, %get3A_579] {strides = array<i32>} : memref<128x128xf32, #tpu.memory_space<vmem>>, vector<1x16xf32>,
        %get3A_581 = vector.shape_cast %get3A_580 : vector<1x16xf32> to vector<16xf32>
        %add3A_582 = arith.addf %add3A_554, %get3A_581 : vector<16xf32>
        %add3A_583 = arith.constant 4 : i32
        %add3A_584 = arith.addi %mul3A_470, %add3A_583 : i32
        %get3A_585 = arith.index_cast %add3A_584 : i32 to index
        %get3A_586 = arith.constant 0 : index
        %get3A_587 = tpu.vector_load %arg9[%get3A_585, %get3A_586] {strides = array<i32>} : memref<128x128xf32, #tpu.memory_space<vmem>>, vector<1x16xf32>,
        %get3A_588 = vector.shape_cast %get3A_587 : vector<1x16xf32> to vector<16xf32>
        %add3A_589 = arith.addf %add3A_561, %get3A_588 : vector<16xf32>
        %add3A_590 = arith.constant 4 : i32
        %add3A_591 = arith.addi %mul3A_470, %add3A_590 : i32
        %get3A_592 = arith.index_cast %add3A_591 : i32 to index
        %get3A_593 = arith.constant 16 : index
        %get3A_594 = tpu.vector_load %arg9[%get3A_592, %get3A_593] {strides = array<i32>} : memref<128x128xf32, #tpu.memory_space<vmem>>, vector<1x16xf32>,
        %get3A_595 = vector.shape_cast %get3A_594 : vector<1x16xf32> to vector<16xf32>
        %add3A_596 = arith.addf %add3A_568, %get3A_595 : vector<16xf32>
        %add3A_597 = arith.constant 4 : i32
        %add3A_598 = arith.addi %mul3A_470, %add3A_597 : i32
        %get3A_599 = arith.index_cast %add3A_598 : i32 to index
        %get3A_600 = arith.constant 32 : index
        %get3A_601 = tpu.vector_load %arg9[%get3A_599, %get3A_600] {strides = array<i32>} : memref<128x128xf32, #tpu.memory_space<vmem>>, vector<1x16xf32>,
        %get3A_602 = vector.shape_cast %get3A_601 : vector<1x16xf32> to vector<16xf32>
        %add3A_603 = arith.addf %add3A_575, %get3A_602 : vector<16xf32>
        %add3A_604 = arith.constant 4 : i32
        %add3A_605 = arith.addi %mul3A_470, %add3A_604 : i32
        %get3A_606 = arith.index_cast %add3A_605 : i32 to index
        %get3A_607 = arith.constant 48 : index
        %get3A_608 = tpu.vector_load %arg9[%get3A_606, %get3A_607] {strides = array<i32>} : memref<128x128xf32, #tpu.memory_space<vmem>>, vector<1x16xf32>,
        %get3A_609 = vector.shape_cast %get3A_608 : vector<1x16xf32> to vector<16xf32>
        %add3A_610 = arith.addf %add3A_582, %get3A_609 : vector<16xf32>
        %add3A_611 = arith.constant 5 : i32
        %add3A_612 = arith.addi %mul3A_470, %add3A_611 : i32
        %get3A_613 = arith.index_cast %add3A_612 : i32 to index
        %get3A_614 = arith.constant 0 : index
        %get3A_615 = tpu.vector_load %arg9[%get3A_613, %get3A_614] {strides = array<i32>} : memref<128x128xf32, #tpu.memory_space<vmem>>, vector<1x16xf32>,
        %get3A_616 = vector.shape_cast %get3A_615 : vector<1x16xf32> to vector<16xf32>
        %add3A_617 = arith.addf %add3A_589, %get3A_616 : vector<16xf32>
        %add3A_618 = arith.constant 5 : i32
        %add3A_619 = arith.addi %mul3A_470, %add3A_618 : i32
        %get3A_620 = arith.index_cast %add3A_619 : i32 to index
        %get3A_621 = arith.constant 16 : index
        %get3A_622 = tpu.vector_load %arg9[%get3A_620, %get3A_621] {strides = array<i32>} : memref<128x128xf32, #tpu.memory_space<vmem>>, vector<1x16xf32>,
        %get3A_623 = vector.shape_cast %get3A_622 : vector<1x16xf32> to vector<16xf32>
        %add3A_624 = arith.addf %add3A_596, %get3A_623 : vector<16xf32>
        %add3A_625 = arith.constant 5 : i32
        %add3A_626 = arith.addi %mul3A_470, %add3A_625 : i32
        %get3A_627 = arith.index_cast %add3A_626 : i32 to index
        %get3A_628 = arith.constant 32 : index
        %get3A_629 = tpu.vector_load %arg9[%get3A_627, %get3A_628] {strides = array<i32>} : memref<128x128xf32, #tpu.memory_space<vmem>>, vector<1x16xf32>,
        %get3A_630 = vector.shape_cast %get3A_629 : vector<1x16xf32> to vector<16xf32>
        %add3A_631 = arith.addf %add3A_603, %get3A_630 : vector<16xf32>
        %add3A_632 = arith.constant 5 : i32
        %add3A_633 = arith.addi %mul3A_470, %add3A_632 : i32
        %get3A_634 = arith.index_cast %add3A_633 : i32 to index
        %get3A_635 = arith.constant 48 : index
        %get3A_636 = tpu.vector_load %arg9[%get3A_634, %get3A_635] {strides = array<i32>} : memref<128x128xf32, #tpu.memory_space<vmem>>, vector<1x16xf32>,
        %get3A_637 = vector.shape_cast %get3A_636 : vector<1x16xf32> to vector<16xf32>
        %add3A_638 = arith.addf %add3A_610, %get3A_637 : vector<16xf32>
        %add3A_639 = arith.constant 6 : i32
        %add3A_640 = arith.addi %mul3A_470, %add3A_639 : i32
        %get3A_641 = arith.index_cast %add3A_640 : i32 to index
        %get3A_642 = arith.constant 0 : index
        %get3A_643 = tpu.vector_load %arg9[%get3A_641, %get3A_642] {strides = array<i32>} : memref<128x128xf32, #tpu.memory_space<vmem>>, vector<1x16xf32>,
        %get3A_644 = vector.shape_cast %get3A_643 : vector<1x16xf32> to vector<16xf32>
        %add3A_645 = arith.addf %add3A_617, %get3A_644 : vector<16xf32>
        %add3A_646 = arith.constant 6 : i32
        %add3A_647 = arith.addi %mul3A_470, %add3A_646 : i32
        %get3A_648 = arith.index_cast %add3A_647 : i32 to index
        %get3A_649 = arith.constant 16 : index
        %get3A_650 = tpu.vector_load %arg9[%get3A_648, %get3A_649] {strides = array<i32>} : memref<128x128xf32, #tpu.memory_space<vmem>>, vector<1x16xf32>,
        %get3A_651 = vector.shape_cast %get3A_650 : vector<1x16xf32> to vector<16xf32>
        %add3A_652 = arith.addf %add3A_624, %get3A_651 : vector<16xf32>
        %add3A_653 = arith.constant 6 : i32
        %add3A_654 = arith.addi %mul3A_470, %add3A_653 : i32
        %get3A_655 = arith.index_cast %add3A_654 : i32 to index
        %get3A_656 = arith.constant 32 : index
        %get3A_657 = tpu.vector_load %arg9[%get3A_655, %get3A_656] {strides = array<i32>} : memref<128x128xf32, #tpu.memory_space<vmem>>, vector<1x16xf32>,
        %get3A_658 = vector.shape_cast %get3A_657 : vector<1x16xf32> to vector<16xf32>
        %add3A_659 = arith.addf %add3A_631, %get3A_658 : vector<16xf32>
        %add3A_660 = arith.constant 6 : i32
        %add3A_661 = arith.addi %mul3A_470, %add3A_660 : i32
        %get3A_662 = arith.index_cast %add3A_661 : i32 to index
        %get3A_663 = arith.constant 48 : index
        %get3A_664 = tpu.vector_load %arg9[%get3A_662, %get3A_663] {strides = array<i32>} : memref<128x128xf32, #tpu.memory_space<vmem>>, vector<1x16xf32>,
        %get3A_665 = vector.shape_cast %get3A_664 : vector<1x16xf32> to vector<16xf32>
        %add3A_666 = arith.addf %add3A_638, %get3A_665 : vector<16xf32>
        %add3A_667 = arith.constant 7 : i32
        %add3A_668 = arith.addi %mul3A_470, %add3A_667 : i32
        %get3A_669 = arith.index_cast %add3A_668 : i32 to index
        %get3A_670 = arith.constant 0 : index
        %get3A_671 = tpu.vector_load %arg9[%get3A_669, %get3A_670] {strides = array<i32>} : memref<128x128xf32, #tpu.memory_space<vmem>>, vector<1x16xf32>,
        %get3A_672 = vector.shape_cast %get3A_671 : vector<1x16xf32> to vector<16xf32>
        %add3A_673 = arith.addf %add3A_645, %get3A_672 : vector<16xf32>
        %add3A_674 = arith.constant 7 : i32
        %add3A_675 = arith.addi %mul3A_470, %add3A_674 : i32
        %get3A_676 = arith.index_cast %add3A_675 : i32 to index
        %get3A_677 = arith.constant 16 : index
        %get3A_678 = tpu.vector_load %arg9[%get3A_676, %get3A_677] {strides = array<i32>} : memref<128x128xf32, #tpu.memory_space<vmem>>, vector<1x16xf32>,
        %get3A_679 = vector.shape_cast %get3A_678 : vector<1x16xf32> to vector<16xf32>
        %add3A_680 = arith.addf %add3A_652, %get3A_679 : vector<16xf32>
        %add3A_681 = arith.constant 7 : i32
        %add3A_682 = arith.addi %mul3A_470, %add3A_681 : i32
        %get3A_683 = arith.index_cast %add3A_682 : i32 to index
        %get3A_684 = arith.constant 32 : index
        %get3A_685 = tpu.vector_load %arg9[%get3A_683, %get3A_684] {strides = array<i32>} : memref<128x128xf32, #tpu.memory_space<vmem>>, vector<1x16xf32>,
        %get3A_686 = vector.shape_cast %get3A_685 : vector<1x16xf32> to vector<16xf32>
        %add3A_687 = arith.addf %add3A_659, %get3A_686 : vector<16xf32>
        %add3A_688 = arith.constant 7 : i32
        %add3A_689 = arith.addi %mul3A_470, %add3A_688 : i32
        %get3A_690 = arith.index_cast %add3A_689 : i32 to index
        %get3A_691 = arith.constant 48 : index
        %get3A_692 = tpu.vector_load %arg9[%get3A_690, %get3A_691] {strides = array<i32>} : memref<128x128xf32, #tpu.memory_space<vmem>>, vector<1x16xf32>,
        %get3A_693 = vector.shape_cast %get3A_692 : vector<1x16xf32> to vector<16xf32>
        %add3A_694 = arith.addf %add3A_666, %get3A_693 : vector<16xf32>
        %add3A_695 = arith.constant 8 : i32
        %add3A_696 = arith.addi %mul3A_470, %add3A_695 : i32
        %get3A_697 = arith.index_cast %add3A_696 : i32 to index
        %get3A_698 = arith.constant 0 : index
        %get3A_699 = tpu.vector_load %arg9[%get3A_697, %get3A_698] {strides = array<i32>} : memref<128x128xf32, #tpu.memory_space<vmem>>, vector<1x16xf32>,
        %get3A_700 = vector.shape_cast %get3A_699 : vector<1x16xf32> to vector<16xf32>
        %add3A_701 = arith.addf %add3A_673, %get3A_700 : vector<16xf32>
        %add3A_702 = arith.constant 8 : i32
        %add3A_703 = arith.addi %mul3A_470, %add3A_702 : i32
        %get3A_704 = arith.index_cast %add3A_703 : i32 to index
        %get3A_705 = arith.constant 16 : index
        %get3A_706 = tpu.vector_load %arg9[%get3A_704, %get3A_705] {strides = array<i32>} : memref<128x128xf32, #tpu.memory_space<vmem>>, vector<1x16xf32>,
        %get3A_707 = vector.shape_cast %get3A_706 : vector<1x16xf32> to vector<16xf32>
        %add3A_708 = arith.addf %add3A_680, %get3A_707 : vector<16xf32>
        %add3A_709 = arith.constant 8 : i32
        %add3A_710 = arith.addi %mul3A_470, %add3A_709 : i32
        %get3A_711 = arith.index_cast %add3A_710 : i32 to index
        %get3A_712 = arith.constant 32 : index
        %get3A_713 = tpu.vector_load %arg9[%get3A_711, %get3A_712] {strides = array<i32>} : memref<128x128xf32, #tpu.memory_space<vmem>>, vector<1x16xf32>,
        %get3A_714 = vector.shape_cast %get3A_713 : vector<1x16xf32> to vector<16xf32>
        %add3A_715 = arith.addf %add3A_687, %get3A_714 : vector<16xf32>
        %add3A_716 = arith.constant 8 : i32
        %add3A_717 = arith.addi %mul3A_470, %add3A_716 : i32
        %get3A_718 = arith.index_cast %add3A_717 : i32 to index
        %get3A_719 = arith.constant 48 : index
        %get3A_720 = tpu.vector_load %arg9[%get3A_718, %get3A_719] {strides = array<i32>} : memref<128x128xf32, #tpu.memory_space<vmem>>, vector<1x16xf32>,
        %get3A_721 = vector.shape_cast %get3A_720 : vector<1x16xf32> to vector<16xf32>
        %add3A_722 = arith.addf %add3A_694, %get3A_721 : vector<16xf32>
        %add3A_723 = arith.constant 9 : i32
        %add3A_724 = arith.addi %mul3A_470, %add3A_723 : i32
        %get3A_725 = arith.index_cast %add3A_724 : i32 to index
        %get3A_726 = arith.constant 0 : index
        %get3A_727 = tpu.vector_load %arg9[%get3A_725, %get3A_726] {strides = array<i32>} : memref<128x128xf32, #tpu.memory_space<vmem>>, vector<1x16xf32>,
        %get3A_728 = vector.shape_cast %get3A_727 : vector<1x16xf32> to vector<16xf32>
        %add3A_729 = arith.addf %add3A_701, %get3A_728 : vector<16xf32>
        %add3A_730 = arith.constant 9 : i32
        %add3A_731 = arith.addi %mul3A_470, %add3A_730 : i32
        %get3A_732 = arith.index_cast %add3A_731 : i32 to index
        %get3A_733 = arith.constant 16 : index
        %get3A_734 = tpu.vector_load %arg9[%get3A_732, %get3A_733] {strides = array<i32>} : memref<128x128xf32, #tpu.memory_space<vmem>>, vector<1x16xf32>,
        %get3A_735 = vector.shape_cast %get3A_734 : vector<1x16xf32> to vector<16xf32>
        %add3A_736 = arith.addf %add3A_708, %get3A_735 : vector<16xf32>
        %add3A_737 = arith.constant 9 : i32
        %add3A_738 = arith.addi %mul3A_470, %add3A_737 : i32
        %get3A_739 = arith.index_cast %add3A_738 : i32 to index
        %get3A_740 = arith.constant 32 : index
        %get3A_741 = tpu.vector_load %arg9[%get3A_739, %get3A_740] {strides = array<i32>} : memref<128x128xf32, #tpu.memory_space<vmem>>, vector<1x16xf32>,
        %get3A_742 = vector.shape_cast %get3A_741 : vector<1x16xf32> to vector<16xf32>
        %add3A_743 = arith.addf %add3A_715, %get3A_742 : vector<16xf32>
        %add3A_744 = arith.constant 9 : i32
        %add3A_745 = arith.addi %mul3A_470, %add3A_744 : i32
        %get3A_746 = arith.index_cast %add3A_745 : i32 to index
        %get3A_747 = arith.constant 48 : index
        %get3A_748 = tpu.vector_load %arg9[%get3A_746, %get3A_747] {strides = array<i32>} : memref<128x128xf32, #tpu.memory_space<vmem>>, vector<1x16xf32>,
        %get3A_749 = vector.shape_cast %get3A_748 : vector<1x16xf32> to vector<16xf32>
        %add3A_750 = arith.addf %add3A_722, %get3A_749 : vector<16xf32>
        %add3A_751 = arith.constant 10 : i32
        %add3A_752 = arith.addi %mul3A_470, %add3A_751 : i32
        %get3A_753 = arith.index_cast %add3A_752 : i32 to index
        %get3A_754 = arith.constant 0 : index
        %get3A_755 = tpu.vector_load %arg9[%get3A_753, %get3A_754] {strides = array<i32>} : memref<128x128xf32, #tpu.memory_space<vmem>>, vector<1x16xf32>,
        %get3A_756 = vector.shape_cast %get3A_755 : vector<1x16xf32> to vector<16xf32>
        %add3A_757 = arith.addf %add3A_729, %get3A_756 : vector<16xf32>
        %add3A_758 = arith.constant 10 : i32
        %add3A_759 = arith.addi %mul3A_470, %add3A_758 : i32
        %get3A_760 = arith.index_cast %add3A_759 : i32 to index
        %get3A_761 = arith.constant 16 : index
        %get3A_762 = tpu.vector_load %arg9[%get3A_760, %get3A_761] {strides = array<i32>} : memref<128x128xf32, #tpu.memory_space<vmem>>, vector<1x16xf32>,
        %get3A_763 = vector.shape_cast %get3A_762 : vector<1x16xf32> to vector<16xf32>
        %add3A_764 = arith.addf %add3A_736, %get3A_763 : vector<16xf32>
        %add3A_765 = arith.constant 10 : i32
        %add3A_766 = arith.addi %mul3A_470, %add3A_765 : i32
        %get3A_767 = arith.index_cast %add3A_766 : i32 to index
        %get3A_768 = arith.constant 32 : index
        %get3A_769 = tpu.vector_load %arg9[%get3A_767, %get3A_768] {strides = array<i32>} : memref<128x128xf32, #tpu.memory_space<vmem>>, vector<1x16xf32>,
        %get3A_770 = vector.shape_cast %get3A_769 : vector<1x16xf32> to vector<16xf32>
        %add3A_771 = arith.addf %add3A_743, %get3A_770 : vector<16xf32>
        %add3A_772 = arith.constant 10 : i32
        %add3A_773 = arith.addi %mul3A_470, %add3A_772 : i32
        %get3A_774 = arith.index_cast %add3A_773 : i32 to index
        %get3A_775 = arith.constant 48 : index
        %get3A_776 = tpu.vector_load %arg9[%get3A_774, %get3A_775] {strides = array<i32>} : memref<128x128xf32, #tpu.memory_space<vmem>>, vector<1x16xf32>,
        %get3A_777 = vector.shape_cast %get3A_776 : vector<1x16xf32> to vector<16xf32>
        %add3A_778 = arith.addf %add3A_750, %get3A_777 : vector<16xf32>
        %add3A_779 = arith.constant 11 : i32
        %add3A_780 = arith.addi %mul3A_470, %add3A_779 : i32
        %get3A_781 = arith.index_cast %add3A_780 : i32 to index
        %get3A_782 = arith.constant 0 : index
        %get3A_783 = tpu.vector_load %arg9[%get3A_781, %get3A_782] {strides = array<i32>} : memref<128x128xf32, #tpu.memory_space<vmem>>, vector<1x16xf32>,
        %get3A_784 = vector.shape_cast %get3A_783 : vector<1x16xf32> to vector<16xf32>
        %add3A_785 = arith.addf %add3A_757, %get3A_784 : vector<16xf32>
        %add3A_786 = arith.constant 11 : i32
        %add3A_787 = arith.addi %mul3A_470, %add3A_786 : i32
        %get3A_788 = arith.index_cast %add3A_787 : i32 to index
        %get3A_789 = arith.constant 16 : index
        %get3A_790 = tpu.vector_load %arg9[%get3A_788, %get3A_789] {strides = array<i32>} : memref<128x128xf32, #tpu.memory_space<vmem>>, vector<1x16xf32>,
        %get3A_791 = vector.shape_cast %get3A_790 : vector<1x16xf32> to vector<16xf32>
        %add3A_792 = arith.addf %add3A_764, %get3A_791 : vector<16xf32>
        %add3A_793 = arith.constant 11 : i32
        %add3A_794 = arith.addi %mul3A_470, %add3A_793 : i32
        %get3A_795 = arith.index_cast %add3A_794 : i32 to index
        %get3A_796 = arith.constant 32 : index
        %get3A_797 = tpu.vector_load %arg9[%get3A_795, %get3A_796] {strides = array<i32>} : memref<128x128xf32, #tpu.memory_space<vmem>>, vector<1x16xf32>,
        %get3A_798 = vector.shape_cast %get3A_797 : vector<1x16xf32> to vector<16xf32>
        %add3A_799 = arith.addf %add3A_771, %get3A_798 : vector<16xf32>
        %add3A_800 = arith.constant 11 : i32
        %add3A_801 = arith.addi %mul3A_470, %add3A_800 : i32
        %get3A_802 = arith.index_cast %add3A_801 : i32 to index
        %get3A_803 = arith.constant 48 : index
        %get3A_804 = tpu.vector_load %arg9[%get3A_802, %get3A_803] {strides = array<i32>} : memref<128x128xf32, #tpu.memory_space<vmem>>, vector<1x16xf32>,
        %get3A_805 = vector.shape_cast %get3A_804 : vector<1x16xf32> to vector<16xf32>
        %add3A_806 = arith.addf %add3A_778, %get3A_805 : vector<16xf32>
        %add3A_807 = arith.constant 12 : i32
        %add3A_808 = arith.addi %mul3A_470, %add3A_807 : i32
        %get3A_809 = arith.index_cast %add3A_808 : i32 to index
        %get3A_810 = arith.constant 0 : index
        %get3A_811 = tpu.vector_load %arg9[%get3A_809, %get3A_810] {strides = array<i32>} : memref<128x128xf32, #tpu.memory_space<vmem>>, vector<1x16xf32>,
        %get3A_812 = vector.shape_cast %get3A_811 : vector<1x16xf32> to vector<16xf32>
        %add3A_813 = arith.addf %add3A_785, %get3A_812 : vector<16xf32>
        %add3A_814 = arith.constant 12 : i32
        %add3A_815 = arith.addi %mul3A_470, %add3A_814 : i32
        %get3A_816 = arith.index_cast %add3A_815 : i32 to index
        %get3A_817 = arith.constant 16 : index
        %get3A_818 = tpu.vector_load %arg9[%get3A_816, %get3A_817] {strides = array<i32>} : memref<128x128xf32, #tpu.memory_space<vmem>>, vector<1x16xf32>,
        %get3A_819 = vector.shape_cast %get3A_818 : vector<1x16xf32> to vector<16xf32>
        %add3A_820 = arith.addf %add3A_792, %get3A_819 : vector<16xf32>
        %add3A_821 = arith.constant 12 : i32
        %add3A_822 = arith.addi %mul3A_470, %add3A_821 : i32
        %get3A_823 = arith.index_cast %add3A_822 : i32 to index
        %get3A_824 = arith.constant 32 : index
        %get3A_825 = tpu.vector_load %arg9[%get3A_823, %get3A_824] {strides = array<i32>} : memref<128x128xf32, #tpu.memory_space<vmem>>, vector<1x16xf32>,
        %get3A_826 = vector.shape_cast %get3A_825 : vector<1x16xf32> to vector<16xf32>
        %add3A_827 = arith.addf %add3A_799, %get3A_826 : vector<16xf32>
        %add3A_828 = arith.constant 12 : i32
        %add3A_829 = arith.addi %mul3A_470, %add3A_828 : i32
        %get3A_830 = arith.index_cast %add3A_829 : i32 to index
        %get3A_831 = arith.constant 48 : index
        %get3A_832 = tpu.vector_load %arg9[%get3A_830, %get3A_831] {strides = array<i32>} : memref<128x128xf32, #tpu.memory_space<vmem>>, vector<1x16xf32>,
        %get3A_833 = vector.shape_cast %get3A_832 : vector<1x16xf32> to vector<16xf32>
        %add3A_834 = arith.addf %add3A_806, %get3A_833 : vector<16xf32>
        %add3A_835 = arith.constant 13 : i32
        %add3A_836 = arith.addi %mul3A_470, %add3A_835 : i32
        %get3A_837 = arith.index_cast %add3A_836 : i32 to index
        %get3A_838 = arith.constant 0 : index
        %get3A_839 = tpu.vector_load %arg9[%get3A_837, %get3A_838] {strides = array<i32>} : memref<128x128xf32, #tpu.memory_space<vmem>>, vector<1x16xf32>,
        %get3A_840 = vector.shape_cast %get3A_839 : vector<1x16xf32> to vector<16xf32>
        %add3A_841 = arith.addf %add3A_813, %get3A_840 : vector<16xf32>
        %add3A_842 = arith.constant 13 : i32
        %add3A_843 = arith.addi %mul3A_470, %add3A_842 : i32
        %get3A_844 = arith.index_cast %add3A_843 : i32 to index
        %get3A_845 = arith.constant 16 : index
        %get3A_846 = tpu.vector_load %arg9[%get3A_844, %get3A_845] {strides = array<i32>} : memref<128x128xf32, #tpu.memory_space<vmem>>, vector<1x16xf32>,
        %get3A_847 = vector.shape_cast %get3A_846 : vector<1x16xf32> to vector<16xf32>
        %add3A_848 = arith.addf %add3A_820, %get3A_847 : vector<16xf32>
        %add3A_849 = arith.constant 13 : i32
        %add3A_850 = arith.addi %mul3A_470, %add3A_849 : i32
        %get3A_851 = arith.index_cast %add3A_850 : i32 to index
        %get3A_852 = arith.constant 32 : index
        %get3A_853 = tpu.vector_load %arg9[%get3A_851, %get3A_852] {strides = array<i32>} : memref<128x128xf32, #tpu.memory_space<vmem>>, vector<1x16xf32>,
        %get3A_854 = vector.shape_cast %get3A_853 : vector<1x16xf32> to vector<16xf32>
        %add3A_855 = arith.addf %add3A_827, %get3A_854 : vector<16xf32>
        %add3A_856 = arith.constant 13 : i32
        %add3A_857 = arith.addi %mul3A_470, %add3A_856 : i32
        %get3A_858 = arith.index_cast %add3A_857 : i32 to index
        %get3A_859 = arith.constant 48 : index
        %get3A_860 = tpu.vector_load %arg9[%get3A_858, %get3A_859] {strides = array<i32>} : memref<128x128xf32, #tpu.memory_space<vmem>>, vector<1x16xf32>,
        %get3A_861 = vector.shape_cast %get3A_860 : vector<1x16xf32> to vector<16xf32>
        %add3A_862 = arith.addf %add3A_834, %get3A_861 : vector<16xf32>
        %add3A_863 = arith.constant 14 : i32
        %add3A_864 = arith.addi %mul3A_470, %add3A_863 : i32
        %get3A_865 = arith.index_cast %add3A_864 : i32 to index
        %get3A_866 = arith.constant 0 : index
        %get3A_867 = tpu.vector_load %arg9[%get3A_865, %get3A_866] {strides = array<i32>} : memref<128x128xf32, #tpu.memory_space<vmem>>, vector<1x16xf32>,
        %get3A_868 = vector.shape_cast %get3A_867 : vector<1x16xf32> to vector<16xf32>
        %add3A_869 = arith.addf %add3A_841, %get3A_868 : vector<16xf32>
        %add3A_870 = arith.constant 14 : i32
        %add3A_871 = arith.addi %mul3A_470, %add3A_870 : i32
        %get3A_872 = arith.index_cast %add3A_871 : i32 to index
        %get3A_873 = arith.constant 16 : index
        %get3A_874 = tpu.vector_load %arg9[%get3A_872, %get3A_873] {strides = array<i32>} : memref<128x128xf32, #tpu.memory_space<vmem>>, vector<1x16xf32>,
        %get3A_875 = vector.shape_cast %get3A_874 : vector<1x16xf32> to vector<16xf32>
        %add3A_876 = arith.addf %add3A_848, %get3A_875 : vector<16xf32>
        %add3A_877 = arith.constant 14 : i32
        %add3A_878 = arith.addi %mul3A_470, %add3A_877 : i32
        %get3A_879 = arith.index_cast %add3A_878 : i32 to index
        %get3A_880 = arith.constant 32 : index
        %get3A_881 = tpu.vector_load %arg9[%get3A_879, %get3A_880] {strides = array<i32>} : memref<128x128xf32, #tpu.memory_space<vmem>>, vector<1x16xf32>,
        %get3A_882 = vector.shape_cast %get3A_881 : vector<1x16xf32> to vector<16xf32>
        %add3A_883 = arith.addf %add3A_855, %get3A_882 : vector<16xf32>
        %add3A_884 = arith.constant 14 : i32
        %add3A_885 = arith.addi %mul3A_470, %add3A_884 : i32
        %get3A_886 = arith.index_cast %add3A_885 : i32 to index
        %get3A_887 = arith.constant 48 : index
        %get3A_888 = tpu.vector_load %arg9[%get3A_886, %get3A_887] {strides = array<i32>} : memref<128x128xf32, #tpu.memory_space<vmem>>, vector<1x16xf32>,
        %get3A_889 = vector.shape_cast %get3A_888 : vector<1x16xf32> to vector<16xf32>
        %add3A_890 = arith.addf %add3A_862, %get3A_889 : vector<16xf32>
        %add3A_891 = arith.constant 15 : i32
        %add3A_892 = arith.addi %mul3A_470, %add3A_891 : i32
        %get3A_893 = arith.index_cast %add3A_892 : i32 to index
        %get3A_894 = arith.constant 0 : index
        %get3A_895 = tpu.vector_load %arg9[%get3A_893, %get3A_894] {strides = array<i32>} : memref<128x128xf32, #tpu.memory_space<vmem>>, vector<1x16xf32>,
        %get3A_896 = vector.shape_cast %get3A_895 : vector<1x16xf32> to vector<16xf32>
        %add3A_897 = arith.addf %add3A_869, %get3A_896 : vector<16xf32>
        %add3A_898 = arith.constant 15 : i32
        %add3A_899 = arith.addi %mul3A_470, %add3A_898 : i32
        %get3A_900 = arith.index_cast %add3A_899 : i32 to index
        %get3A_901 = arith.constant 16 : index
        %get3A_902 = tpu.vector_load %arg9[%get3A_900, %get3A_901] {strides = array<i32>} : memref<128x128xf32, #tpu.memory_space<vmem>>, vector<1x16xf32>,
        %get3A_903 = vector.shape_cast %get3A_902 : vector<1x16xf32> to vector<16xf32>
        %add3A_904 = arith.addf %add3A_876, %get3A_903 : vector<16xf32>
        %add3A_905 = arith.constant 15 : i32
        %add3A_906 = arith.addi %mul3A_470, %add3A_905 : i32
        %get3A_907 = arith.index_cast %add3A_906 : i32 to index
        %get3A_908 = arith.constant 32 : index
        %get3A_909 = tpu.vector_load %arg9[%get3A_907, %get3A_908] {strides = array<i32>} : memref<128x128xf32, #tpu.memory_space<vmem>>, vector<1x16xf32>,
        %get3A_910 = vector.shape_cast %get3A_909 : vector<1x16xf32> to vector<16xf32>
        %add3A_911 = arith.addf %add3A_883, %get3A_910 : vector<16xf32>
        %add3A_912 = arith.constant 15 : i32
        %add3A_913 = arith.addi %mul3A_470, %add3A_912 : i32
        %get3A_914 = arith.index_cast %add3A_913 : i32 to index
        %get3A_915 = arith.constant 48 : index
        %get3A_916 = tpu.vector_load %arg9[%get3A_914, %get3A_915] {strides = array<i32>} : memref<128x128xf32, #tpu.memory_space<vmem>>, vector<1x16xf32>,
        %get3A_917 = vector.shape_cast %get3A_916 : vector<1x16xf32> to vector<16xf32>
        %add3A_918 = arith.addf %add3A_890, %get3A_917 : vector<16xf32>
        scf.yield %add3A_897, %add3A_904, %add3A_911, %add3A_918 : vector<16xf32>, vector<16xf32>, vector<16xf32>, vector<16xf32>
      }
      %scan3A_247 = arith.constant 8 : i32
      %get3A_248 = arith.index_cast %select_n3A_239 : i32 to index
      %get3A_249 = arith.constant 0 : index
      %get3A_250 = tpu.vector_load %arg12[%get3A_248, %get3A_249] {strides = array<i32>} : memref<56x64xf32, #tpu.memory_space<vmem>>, vector<1x16xf32>,
      %get3A_251 = vector.shape_cast %get3A_250 : vector<1x16xf32> to vector<16xf32>
      %add3A_252 = arith.addf %get3A_251, %scan3A_246#0 : vector<16xf32>
      %swap3A_253 = arith.index_cast %select_n3A_239 : i32 to index
      %swap3A_254 = arith.constant 0 : index
      %swap3A_255 = tpu.vector_load %arg12[%swap3A_253, %swap3A_254] {strides = array<i32>} : memref<56x64xf32, #tpu.memory_space<vmem>>, vector<1x16xf32>,
      %swap3A_256 = vector.shape_cast %swap3A_255 : vector<1x16xf32> to vector<16xf32>
      %swap3A_257 = vector.shape_cast %add3A_252 : vector<16xf32> to vector<1x16xf32>
      tpu.vector_store %arg12[%swap3A_253, %swap3A_254], %swap3A_257 {strides = array<i32>} : memref<56x64xf32, #tpu.memory_space<vmem>>, vector<1x16xf32>,
      %get3A_258 = arith.index_cast %select_n3A_239 : i32 to index
      %get3A_259 = arith.constant 16 : index
      %get3A_260 = tpu.vector_load %arg12[%get3A_258, %get3A_259] {strides = array<i32>} : memref<56x64xf32, #tpu.memory_space<vmem>>, vector<1x16xf32>,
      %get3A_261 = vector.shape_cast %get3A_260 : vector<1x16xf32> to vector<16xf32>
      %add3A_262 = arith.addf %get3A_261, %scan3A_246#1 : vector<16xf32>
      %swap3A_263 = arith.index_cast %select_n3A_239 : i32 to index
      %swap3A_264 = arith.constant 16 : index
      %swap3A_265 = tpu.vector_load %arg12[%swap3A_263, %swap3A_264] {strides = array<i32>} : memref<56x64xf32, #tpu.memory_space<vmem>>, vector<1x16xf32>,
      %swap3A_266 = vector.shape_cast %swap3A_265 : vector<1x16xf32> to vector<16xf32>
      %swap3A_267 = vector.shape_cast %add3A_262 : vector<16xf32> to vector<1x16xf32>
      tpu.vector_store %arg12[%swap3A_263, %swap3A_264], %swap3A_267 {strides = array<i32>} : memref<56x64xf32, #tpu.memory_space<vmem>>, vector<1x16xf32>,
      %get3A_268 = arith.index_cast %select_n3A_239 : i32 to index
      %get3A_269 = arith.constant 32 : index
      %get3A_270 = tpu.vector_load %arg12[%get3A_268, %get3A_269] {strides = array<i32>} : memref<56x64xf32, #tpu.memory_space<vmem>>, vector<1x16xf32>,
      %get3A_271 = vector.shape_cast %get3A_270 : vector<1x16xf32> to vector<16xf32>
      %add3A_272 = arith.addf %get3A_271, %scan3A_246#2 : vector<16xf32>
      %swap3A_273 = arith.index_cast %select_n3A_239 : i32 to index
      %swap3A_274 = arith.constant 32 : index
      %swap3A_275 = tpu.vector_load %arg12[%swap3A_273, %swap3A_274] {strides = array<i32>} : memref<56x64xf32, #tpu.memory_space<vmem>>, vector<1x16xf32>,
      %swap3A_276 = vector.shape_cast %swap3A_275 : vector<1x16xf32> to vector<16xf32>
      %swap3A_277 = vector.shape_cast %add3A_272 : vector<16xf32> to vector<1x16xf32>
      tpu.vector_store %arg12[%swap3A_273, %swap3A_274], %swap3A_277 {strides = array<i32>} : memref<56x64xf32, #tpu.memory_space<vmem>>, vector<1x16xf32>,
      %get3A_278 = arith.index_cast %select_n3A_239 : i32 to index
      %get3A_279 = arith.constant 48 : index
      %get3A_280 = tpu.vector_load %arg12[%get3A_278, %get3A_279] {strides = array<i32>} : memref<56x64xf32, #tpu.memory_space<vmem>>, vector<1x16xf32>,
      %get3A_281 = vector.shape_cast %get3A_280 : vector<1x16xf32> to vector<16xf32>
      %add3A_282 = arith.addf %get3A_281, %scan3A_246#3 : vector<16xf32>
      %swap3A_283 = arith.index_cast %select_n3A_239 : i32 to index
      %swap3A_284 = arith.constant 48 : index
      %swap3A_285 = tpu.vector_load %arg12[%swap3A_283, %swap3A_284] {strides = array<i32>} : memref<56x64xf32, #tpu.memory_space<vmem>>, vector<1x16xf32>,
      %swap3A_286 = vector.shape_cast %swap3A_285 : vector<1x16xf32> to vector<16xf32>
      %swap3A_287 = vector.shape_cast %add3A_282 : vector<16xf32> to vector<1x16xf32>
      tpu.vector_store %arg12[%swap3A_283, %swap3A_284], %swap3A_287 {strides = array<i32>} : memref<56x64xf32, #tpu.memory_space<vmem>>, vector<1x16xf32>,
      %add3A_288 = arith.constant 3 : i32
      %add3A_289 = arith.addi %add3A_38, %add3A_288 : i32
      %add3A_290 = arith.constant 4 : i32
      %add3A_291 = arith.addi %add3A_289, %add3A_290 : i32
      %lt3A_292 = arith.constant 200 : i32
      %lt3A_293 = arith.cmpi slt, %add3A_291, %lt3A_292 : i32
      %convert_element_type3A_294 = arith.extui %lt3A_293 : i1 to i32
      %cond3A_295 = arith.constant 0 : i32
      %cond3A_296 = arith.cmpi ne, %convert_element_type3A_294, %cond3A_295 : i32
      scf.if %cond3A_296 {
        %add3A_464 = arith.constant 4 : i32
        %add3A_465 = arith.addi %add3A_289, %add3A_464 : i32
        %dma_start3A_466 = arith.constant 0 : i32
        %dma_start3A_467 = tpu.memref_slice %arg6[%add3A_465, %dma_start3A_466] : memref<200x128xi32, #tpu.memory_space<vmem>> -> memref<1x128xi32, #tpu.memory_space<vmem>>
        %dma_start3A_468 = tpu.memref_squeeze %dma_start3A_467 : memref<1x128xi32, #tpu.memory_space<vmem>> -> memref<128xi32, #tpu.memory_space<vmem>>
        %dma_start3A_469 = arith.constant 0 : i32
        %dma_start3A_470 = arith.constant 0 : i32
        %dma_start3A_471 = tpu.memref_slice %arg3[%dma_start3A_469, %dma_start3A_470] : memref<1000000x128xf32, #tpu.memory_space<hbm>> -> memref<1000000x128xf32, #tpu.memory_space<hbm>>
        tpu.enqueue_indirect_dma source(%dma_start3A_471 : memref<1000000x128xf32, #tpu.memory_space<hbm>>) target(%arg9 : memref<128x128xf32, #tpu.memory_space<vmem>>) offsets(%dma_start3A_468 : memref<128xi32, #tpu.memory_space<vmem>>) semaphore(%arg15 : memref<!tpu.dma_semaphore, #tpu.memory_space<semaphore_mem>>)
      } else {
      }
      %dma_wait3A_297 = arith.constant 0 : i32
      %dma_wait3A_298 = tpu.memref_slice %arg6[%add3A_289, %dma_wait3A_297] : memref<200x128xi32, #tpu.memory_space<vmem>> -> memref<1x128xi32, #tpu.memory_space<vmem>>
      %dma_wait3A_299 = tpu.memref_squeeze %dma_wait3A_298 : memref<1x128xi32, #tpu.memory_space<vmem>> -> memref<128xi32, #tpu.memory_space<vmem>>
      %dma_wait3A_300 = arith.constant 0 : i32
      %dma_wait3A_301 = arith.constant 0 : i32
      %dma_wait3A_302 = tpu.memref_slice %arg3[%dma_wait3A_300, %dma_wait3A_301] : memref<1000000x128xf32, #tpu.memory_space<hbm>> -> memref<1000000x128xf32, #tpu.memory_space<hbm>>
      tpu.wait_indirect_dma semaphore(%arg16 : memref<!tpu.dma_semaphore, #tpu.memory_space<semaphore_mem>>) src(%dma_wait3A_302 : memref<1000000x128xf32, #tpu.memory_space<hbm>>) dst(%arg10 : memref<128x128xf32, #tpu.memory_space<vmem>>)
      %add3A_303 = arith.addi %mul3A_2, %add3A_289 : i32
      %jit3A_304 = arith.constant 128 : i32
      %div3A_305 = arith.divsi %add3A_303, %jit3A_304 : i32
      %sign3A_306 = arith.constant 0 : i32
      %sign3A_307 = arith.cmpi sgt, %add3A_303, %sign3A_306 : i32
      %sign3A_308 = arith.extui %sign3A_307 : i1 to i32
      %sign3A_309 = arith.constant 0 : i32
      %sign3A_310 = arith.cmpi slt, %add3A_303, %sign3A_309 : i32
      %sign3A_311 = arith.extui %sign3A_310 : i1 to i32
      %sign3A_312 = arith.subi %sign3A_308, %sign3A_311 : i32
      %sign3A_313 = arith.constant 0 : i32
      %sign3A_314 = arith.cmpi sgt, %jit3A_304, %sign3A_313 : i32
      %sign3A_315 = arith.extui %sign3A_314 : i1 to i32
      %sign3A_316 = arith.constant 0 : i32
      %sign3A_317 = arith.cmpi slt, %jit3A_304, %sign3A_316 : i32
      %sign3A_318 = arith.extui %sign3A_317 : i1 to i32
      %sign3A_319 = arith.subi %sign3A_315, %sign3A_318 : i32
      %ne3A_320 = arith.cmpi ne, %sign3A_312, %sign3A_319 : i32
      %rem3A_321 = arith.remsi %add3A_303, %jit3A_304 : i32
      %ne3A_322 = arith.constant 0 : i32
      %ne3A_323 = arith.cmpi ne, %rem3A_321, %ne3A_322 : i32
      %and3A_324 = arith.andi %ne3A_320, %ne3A_323 : i1
      %sub3A_325 = arith.constant 1 : i32
      %sub3A_326 = arith.subi %div3A_305, %sub3A_325 : i32
      %select_n3A_327 = arith.select %and3A_324, %sub3A_326, %div3A_305 : i32
      %broadcast_in_dim3A_328 = arith.constant 0.000000e+00 : f32
      %broadcast_in_dim3A_329 = vector.broadcast %broadcast_in_dim3A_328 : f32 to vector<16xf32>
      %scan3A_330 = arith.constant 0 : i32
      %scan3A_331 = arith.constant 8 : i32
      %scan3A_332 = arith.addi %scan3A_330, %scan3A_331 : i32
      %scan3A_333 = arith.constant 1 : i32
      %scan3A_334:4 = scf.for %scan3A_464 = %scan3A_330 to %scan3A_332 step %scan3A_333 iter_args(%scan3A_465 = %broadcast_in_dim3A_329, %scan3A_466 = %broadcast_in_dim3A_329, %scan3A_467 = %broadcast_in_dim3A_329, %scan3A_468 = %broadcast_in_dim3A_329) -> (vector<16xf32>, vector<16xf32>, vector<16xf32>, vector<16xf32>)  : i32 {
        %mul3A_469 = arith.constant 16 : i32
        %mul3A_470 = arith.muli %scan3A_464, %mul3A_469 : i32
        %add3A_471 = arith.constant 0 : i32
        %add3A_472 = arith.addi %mul3A_470, %add3A_471 : i32
        %get3A_473 = arith.index_cast %add3A_472 : i32 to index
        %get3A_474 = arith.constant 0 : index
        %get3A_475 = tpu.vector_load %arg10[%get3A_473, %get3A_474] {strides = array<i32>} : memref<128x128xf32, #tpu.memory_space<vmem>>, vector<1x16xf32>,
        %get3A_476 = vector.shape_cast %get3A_475 : vector<1x16xf32> to vector<16xf32>
        %add3A_477 = arith.addf %scan3A_465, %get3A_476 : vector<16xf32>
        %add3A_478 = arith.constant 0 : i32
        %add3A_479 = arith.addi %mul3A_470, %add3A_478 : i32
        %get3A_480 = arith.index_cast %add3A_479 : i32 to index
        %get3A_481 = arith.constant 16 : index
        %get3A_482 = tpu.vector_load %arg10[%get3A_480, %get3A_481] {strides = array<i32>} : memref<128x128xf32, #tpu.memory_space<vmem>>, vector<1x16xf32>,
        %get3A_483 = vector.shape_cast %get3A_482 : vector<1x16xf32> to vector<16xf32>
        %add3A_484 = arith.addf %scan3A_466, %get3A_483 : vector<16xf32>
        %add3A_485 = arith.constant 0 : i32
        %add3A_486 = arith.addi %mul3A_470, %add3A_485 : i32
        %get3A_487 = arith.index_cast %add3A_486 : i32 to index
        %get3A_488 = arith.constant 32 : index
        %get3A_489 = tpu.vector_load %arg10[%get3A_487, %get3A_488] {strides = array<i32>} : memref<128x128xf32, #tpu.memory_space<vmem>>, vector<1x16xf32>,
        %get3A_490 = vector.shape_cast %get3A_489 : vector<1x16xf32> to vector<16xf32>
        %add3A_491 = arith.addf %scan3A_467, %get3A_490 : vector<16xf32>
        %add3A_492 = arith.constant 0 : i32
        %add3A_493 = arith.addi %mul3A_470, %add3A_492 : i32
        %get3A_494 = arith.index_cast %add3A_493 : i32 to index
        %get3A_495 = arith.constant 48 : index
        %get3A_496 = tpu.vector_load %arg10[%get3A_494, %get3A_495] {strides = array<i32>} : memref<128x128xf32, #tpu.memory_space<vmem>>, vector<1x16xf32>,
        %get3A_497 = vector.shape_cast %get3A_496 : vector<1x16xf32> to vector<16xf32>
        %add3A_498 = arith.addf %scan3A_468, %get3A_497 : vector<16xf32>
        %add3A_499 = arith.constant 1 : i32
        %add3A_500 = arith.addi %mul3A_470, %add3A_499 : i32
        %get3A_501 = arith.index_cast %add3A_500 : i32 to index
        %get3A_502 = arith.constant 0 : index
        %get3A_503 = tpu.vector_load %arg10[%get3A_501, %get3A_502] {strides = array<i32>} : memref<128x128xf32, #tpu.memory_space<vmem>>, vector<1x16xf32>,
        %get3A_504 = vector.shape_cast %get3A_503 : vector<1x16xf32> to vector<16xf32>
        %add3A_505 = arith.addf %add3A_477, %get3A_504 : vector<16xf32>
        %add3A_506 = arith.constant 1 : i32
        %add3A_507 = arith.addi %mul3A_470, %add3A_506 : i32
        %get3A_508 = arith.index_cast %add3A_507 : i32 to index
        %get3A_509 = arith.constant 16 : index
        %get3A_510 = tpu.vector_load %arg10[%get3A_508, %get3A_509] {strides = array<i32>} : memref<128x128xf32, #tpu.memory_space<vmem>>, vector<1x16xf32>,
        %get3A_511 = vector.shape_cast %get3A_510 : vector<1x16xf32> to vector<16xf32>
        %add3A_512 = arith.addf %add3A_484, %get3A_511 : vector<16xf32>
        %add3A_513 = arith.constant 1 : i32
        %add3A_514 = arith.addi %mul3A_470, %add3A_513 : i32
        %get3A_515 = arith.index_cast %add3A_514 : i32 to index
        %get3A_516 = arith.constant 32 : index
        %get3A_517 = tpu.vector_load %arg10[%get3A_515, %get3A_516] {strides = array<i32>} : memref<128x128xf32, #tpu.memory_space<vmem>>, vector<1x16xf32>,
        %get3A_518 = vector.shape_cast %get3A_517 : vector<1x16xf32> to vector<16xf32>
        %add3A_519 = arith.addf %add3A_491, %get3A_518 : vector<16xf32>
        %add3A_520 = arith.constant 1 : i32
        %add3A_521 = arith.addi %mul3A_470, %add3A_520 : i32
        %get3A_522 = arith.index_cast %add3A_521 : i32 to index
        %get3A_523 = arith.constant 48 : index
        %get3A_524 = tpu.vector_load %arg10[%get3A_522, %get3A_523] {strides = array<i32>} : memref<128x128xf32, #tpu.memory_space<vmem>>, vector<1x16xf32>,
        %get3A_525 = vector.shape_cast %get3A_524 : vector<1x16xf32> to vector<16xf32>
        %add3A_526 = arith.addf %add3A_498, %get3A_525 : vector<16xf32>
        %add3A_527 = arith.constant 2 : i32
        %add3A_528 = arith.addi %mul3A_470, %add3A_527 : i32
        %get3A_529 = arith.index_cast %add3A_528 : i32 to index
        %get3A_530 = arith.constant 0 : index
        %get3A_531 = tpu.vector_load %arg10[%get3A_529, %get3A_530] {strides = array<i32>} : memref<128x128xf32, #tpu.memory_space<vmem>>, vector<1x16xf32>,
        %get3A_532 = vector.shape_cast %get3A_531 : vector<1x16xf32> to vector<16xf32>
        %add3A_533 = arith.addf %add3A_505, %get3A_532 : vector<16xf32>
        %add3A_534 = arith.constant 2 : i32
        %add3A_535 = arith.addi %mul3A_470, %add3A_534 : i32
        %get3A_536 = arith.index_cast %add3A_535 : i32 to index
        %get3A_537 = arith.constant 16 : index
        %get3A_538 = tpu.vector_load %arg10[%get3A_536, %get3A_537] {strides = array<i32>} : memref<128x128xf32, #tpu.memory_space<vmem>>, vector<1x16xf32>,
        %get3A_539 = vector.shape_cast %get3A_538 : vector<1x16xf32> to vector<16xf32>
        %add3A_540 = arith.addf %add3A_512, %get3A_539 : vector<16xf32>
        %add3A_541 = arith.constant 2 : i32
        %add3A_542 = arith.addi %mul3A_470, %add3A_541 : i32
        %get3A_543 = arith.index_cast %add3A_542 : i32 to index
        %get3A_544 = arith.constant 32 : index
        %get3A_545 = tpu.vector_load %arg10[%get3A_543, %get3A_544] {strides = array<i32>} : memref<128x128xf32, #tpu.memory_space<vmem>>, vector<1x16xf32>,
        %get3A_546 = vector.shape_cast %get3A_545 : vector<1x16xf32> to vector<16xf32>
        %add3A_547 = arith.addf %add3A_519, %get3A_546 : vector<16xf32>
        %add3A_548 = arith.constant 2 : i32
        %add3A_549 = arith.addi %mul3A_470, %add3A_548 : i32
        %get3A_550 = arith.index_cast %add3A_549 : i32 to index
        %get3A_551 = arith.constant 48 : index
        %get3A_552 = tpu.vector_load %arg10[%get3A_550, %get3A_551] {strides = array<i32>} : memref<128x128xf32, #tpu.memory_space<vmem>>, vector<1x16xf32>,
        %get3A_553 = vector.shape_cast %get3A_552 : vector<1x16xf32> to vector<16xf32>
        %add3A_554 = arith.addf %add3A_526, %get3A_553 : vector<16xf32>
        %add3A_555 = arith.constant 3 : i32
        %add3A_556 = arith.addi %mul3A_470, %add3A_555 : i32
        %get3A_557 = arith.index_cast %add3A_556 : i32 to index
        %get3A_558 = arith.constant 0 : index
        %get3A_559 = tpu.vector_load %arg10[%get3A_557, %get3A_558] {strides = array<i32>} : memref<128x128xf32, #tpu.memory_space<vmem>>, vector<1x16xf32>,
        %get3A_560 = vector.shape_cast %get3A_559 : vector<1x16xf32> to vector<16xf32>
        %add3A_561 = arith.addf %add3A_533, %get3A_560 : vector<16xf32>
        %add3A_562 = arith.constant 3 : i32
        %add3A_563 = arith.addi %mul3A_470, %add3A_562 : i32
        %get3A_564 = arith.index_cast %add3A_563 : i32 to index
        %get3A_565 = arith.constant 16 : index
        %get3A_566 = tpu.vector_load %arg10[%get3A_564, %get3A_565] {strides = array<i32>} : memref<128x128xf32, #tpu.memory_space<vmem>>, vector<1x16xf32>,
        %get3A_567 = vector.shape_cast %get3A_566 : vector<1x16xf32> to vector<16xf32>
        %add3A_568 = arith.addf %add3A_540, %get3A_567 : vector<16xf32>
        %add3A_569 = arith.constant 3 : i32
        %add3A_570 = arith.addi %mul3A_470, %add3A_569 : i32
        %get3A_571 = arith.index_cast %add3A_570 : i32 to index
        %get3A_572 = arith.constant 32 : index
        %get3A_573 = tpu.vector_load %arg10[%get3A_571, %get3A_572] {strides = array<i32>} : memref<128x128xf32, #tpu.memory_space<vmem>>, vector<1x16xf32>,
        %get3A_574 = vector.shape_cast %get3A_573 : vector<1x16xf32> to vector<16xf32>
        %add3A_575 = arith.addf %add3A_547, %get3A_574 : vector<16xf32>
        %add3A_576 = arith.constant 3 : i32
        %add3A_577 = arith.addi %mul3A_470, %add3A_576 : i32
        %get3A_578 = arith.index_cast %add3A_577 : i32 to index
        %get3A_579 = arith.constant 48 : index
        %get3A_580 = tpu.vector_load %arg10[%get3A_578, %get3A_579] {strides = array<i32>} : memref<128x128xf32, #tpu.memory_space<vmem>>, vector<1x16xf32>,
        %get3A_581 = vector.shape_cast %get3A_580 : vector<1x16xf32> to vector<16xf32>
        %add3A_582 = arith.addf %add3A_554, %get3A_581 : vector<16xf32>
        %add3A_583 = arith.constant 4 : i32
        %add3A_584 = arith.addi %mul3A_470, %add3A_583 : i32
        %get3A_585 = arith.index_cast %add3A_584 : i32 to index
        %get3A_586 = arith.constant 0 : index
        %get3A_587 = tpu.vector_load %arg10[%get3A_585, %get3A_586] {strides = array<i32>} : memref<128x128xf32, #tpu.memory_space<vmem>>, vector<1x16xf32>,
        %get3A_588 = vector.shape_cast %get3A_587 : vector<1x16xf32> to vector<16xf32>
        %add3A_589 = arith.addf %add3A_561, %get3A_588 : vector<16xf32>
        %add3A_590 = arith.constant 4 : i32
        %add3A_591 = arith.addi %mul3A_470, %add3A_590 : i32
        %get3A_592 = arith.index_cast %add3A_591 : i32 to index
        %get3A_593 = arith.constant 16 : index
        %get3A_594 = tpu.vector_load %arg10[%get3A_592, %get3A_593] {strides = array<i32>} : memref<128x128xf32, #tpu.memory_space<vmem>>, vector<1x16xf32>,
        %get3A_595 = vector.shape_cast %get3A_594 : vector<1x16xf32> to vector<16xf32>
        %add3A_596 = arith.addf %add3A_568, %get3A_595 : vector<16xf32>
        %add3A_597 = arith.constant 4 : i32
        %add3A_598 = arith.addi %mul3A_470, %add3A_597 : i32
        %get3A_599 = arith.index_cast %add3A_598 : i32 to index
        %get3A_600 = arith.constant 32 : index
        %get3A_601 = tpu.vector_load %arg10[%get3A_599, %get3A_600] {strides = array<i32>} : memref<128x128xf32, #tpu.memory_space<vmem>>, vector<1x16xf32>,
        %get3A_602 = vector.shape_cast %get3A_601 : vector<1x16xf32> to vector<16xf32>
        %add3A_603 = arith.addf %add3A_575, %get3A_602 : vector<16xf32>
        %add3A_604 = arith.constant 4 : i32
        %add3A_605 = arith.addi %mul3A_470, %add3A_604 : i32
        %get3A_606 = arith.index_cast %add3A_605 : i32 to index
        %get3A_607 = arith.constant 48 : index
        %get3A_608 = tpu.vector_load %arg10[%get3A_606, %get3A_607] {strides = array<i32>} : memref<128x128xf32, #tpu.memory_space<vmem>>, vector<1x16xf32>,
        %get3A_609 = vector.shape_cast %get3A_608 : vector<1x16xf32> to vector<16xf32>
        %add3A_610 = arith.addf %add3A_582, %get3A_609 : vector<16xf32>
        %add3A_611 = arith.constant 5 : i32
        %add3A_612 = arith.addi %mul3A_470, %add3A_611 : i32
        %get3A_613 = arith.index_cast %add3A_612 : i32 to index
        %get3A_614 = arith.constant 0 : index
        %get3A_615 = tpu.vector_load %arg10[%get3A_613, %get3A_614] {strides = array<i32>} : memref<128x128xf32, #tpu.memory_space<vmem>>, vector<1x16xf32>,
        %get3A_616 = vector.shape_cast %get3A_615 : vector<1x16xf32> to vector<16xf32>
        %add3A_617 = arith.addf %add3A_589, %get3A_616 : vector<16xf32>
        %add3A_618 = arith.constant 5 : i32
        %add3A_619 = arith.addi %mul3A_470, %add3A_618 : i32
        %get3A_620 = arith.index_cast %add3A_619 : i32 to index
        %get3A_621 = arith.constant 16 : index
        %get3A_622 = tpu.vector_load %arg10[%get3A_620, %get3A_621] {strides = array<i32>} : memref<128x128xf32, #tpu.memory_space<vmem>>, vector<1x16xf32>,
        %get3A_623 = vector.shape_cast %get3A_622 : vector<1x16xf32> to vector<16xf32>
        %add3A_624 = arith.addf %add3A_596, %get3A_623 : vector<16xf32>
        %add3A_625 = arith.constant 5 : i32
        %add3A_626 = arith.addi %mul3A_470, %add3A_625 : i32
        %get3A_627 = arith.index_cast %add3A_626 : i32 to index
        %get3A_628 = arith.constant 32 : index
        %get3A_629 = tpu.vector_load %arg10[%get3A_627, %get3A_628] {strides = array<i32>} : memref<128x128xf32, #tpu.memory_space<vmem>>, vector<1x16xf32>,
        %get3A_630 = vector.shape_cast %get3A_629 : vector<1x16xf32> to vector<16xf32>
        %add3A_631 = arith.addf %add3A_603, %get3A_630 : vector<16xf32>
        %add3A_632 = arith.constant 5 : i32
        %add3A_633 = arith.addi %mul3A_470, %add3A_632 : i32
        %get3A_634 = arith.index_cast %add3A_633 : i32 to index
        %get3A_635 = arith.constant 48 : index
        %get3A_636 = tpu.vector_load %arg10[%get3A_634, %get3A_635] {strides = array<i32>} : memref<128x128xf32, #tpu.memory_space<vmem>>, vector<1x16xf32>,
        %get3A_637 = vector.shape_cast %get3A_636 : vector<1x16xf32> to vector<16xf32>
        %add3A_638 = arith.addf %add3A_610, %get3A_637 : vector<16xf32>
        %add3A_639 = arith.constant 6 : i32
        %add3A_640 = arith.addi %mul3A_470, %add3A_639 : i32
        %get3A_641 = arith.index_cast %add3A_640 : i32 to index
        %get3A_642 = arith.constant 0 : index
        %get3A_643 = tpu.vector_load %arg10[%get3A_641, %get3A_642] {strides = array<i32>} : memref<128x128xf32, #tpu.memory_space<vmem>>, vector<1x16xf32>,
        %get3A_644 = vector.shape_cast %get3A_643 : vector<1x16xf32> to vector<16xf32>
        %add3A_645 = arith.addf %add3A_617, %get3A_644 : vector<16xf32>
        %add3A_646 = arith.constant 6 : i32
        %add3A_647 = arith.addi %mul3A_470, %add3A_646 : i32
        %get3A_648 = arith.index_cast %add3A_647 : i32 to index
        %get3A_649 = arith.constant 16 : index
        %get3A_650 = tpu.vector_load %arg10[%get3A_648, %get3A_649] {strides = array<i32>} : memref<128x128xf32, #tpu.memory_space<vmem>>, vector<1x16xf32>,
        %get3A_651 = vector.shape_cast %get3A_650 : vector<1x16xf32> to vector<16xf32>
        %add3A_652 = arith.addf %add3A_624, %get3A_651 : vector<16xf32>
        %add3A_653 = arith.constant 6 : i32
        %add3A_654 = arith.addi %mul3A_470, %add3A_653 : i32
        %get3A_655 = arith.index_cast %add3A_654 : i32 to index
        %get3A_656 = arith.constant 32 : index
        %get3A_657 = tpu.vector_load %arg10[%get3A_655, %get3A_656] {strides = array<i32>} : memref<128x128xf32, #tpu.memory_space<vmem>>, vector<1x16xf32>,
        %get3A_658 = vector.shape_cast %get3A_657 : vector<1x16xf32> to vector<16xf32>
        %add3A_659 = arith.addf %add3A_631, %get3A_658 : vector<16xf32>
        %add3A_660 = arith.constant 6 : i32
        %add3A_661 = arith.addi %mul3A_470, %add3A_660 : i32
        %get3A_662 = arith.index_cast %add3A_661 : i32 to index
        %get3A_663 = arith.constant 48 : index
        %get3A_664 = tpu.vector_load %arg10[%get3A_662, %get3A_663] {strides = array<i32>} : memref<128x128xf32, #tpu.memory_space<vmem>>, vector<1x16xf32>,
        %get3A_665 = vector.shape_cast %get3A_664 : vector<1x16xf32> to vector<16xf32>
        %add3A_666 = arith.addf %add3A_638, %get3A_665 : vector<16xf32>
        %add3A_667 = arith.constant 7 : i32
        %add3A_668 = arith.addi %mul3A_470, %add3A_667 : i32
        %get3A_669 = arith.index_cast %add3A_668 : i32 to index
        %get3A_670 = arith.constant 0 : index
        %get3A_671 = tpu.vector_load %arg10[%get3A_669, %get3A_670] {strides = array<i32>} : memref<128x128xf32, #tpu.memory_space<vmem>>, vector<1x16xf32>,
        %get3A_672 = vector.shape_cast %get3A_671 : vector<1x16xf32> to vector<16xf32>
        %add3A_673 = arith.addf %add3A_645, %get3A_672 : vector<16xf32>
        %add3A_674 = arith.constant 7 : i32
        %add3A_675 = arith.addi %mul3A_470, %add3A_674 : i32
        %get3A_676 = arith.index_cast %add3A_675 : i32 to index
        %get3A_677 = arith.constant 16 : index
        %get3A_678 = tpu.vector_load %arg10[%get3A_676, %get3A_677] {strides = array<i32>} : memref<128x128xf32, #tpu.memory_space<vmem>>, vector<1x16xf32>,
        %get3A_679 = vector.shape_cast %get3A_678 : vector<1x16xf32> to vector<16xf32>
        %add3A_680 = arith.addf %add3A_652, %get3A_679 : vector<16xf32>
        %add3A_681 = arith.constant 7 : i32
        %add3A_682 = arith.addi %mul3A_470, %add3A_681 : i32
        %get3A_683 = arith.index_cast %add3A_682 : i32 to index
        %get3A_684 = arith.constant 32 : index
        %get3A_685 = tpu.vector_load %arg10[%get3A_683, %get3A_684] {strides = array<i32>} : memref<128x128xf32, #tpu.memory_space<vmem>>, vector<1x16xf32>,
        %get3A_686 = vector.shape_cast %get3A_685 : vector<1x16xf32> to vector<16xf32>
        %add3A_687 = arith.addf %add3A_659, %get3A_686 : vector<16xf32>
        %add3A_688 = arith.constant 7 : i32
        %add3A_689 = arith.addi %mul3A_470, %add3A_688 : i32
        %get3A_690 = arith.index_cast %add3A_689 : i32 to index
        %get3A_691 = arith.constant 48 : index
        %get3A_692 = tpu.vector_load %arg10[%get3A_690, %get3A_691] {strides = array<i32>} : memref<128x128xf32, #tpu.memory_space<vmem>>, vector<1x16xf32>,
        %get3A_693 = vector.shape_cast %get3A_692 : vector<1x16xf32> to vector<16xf32>
        %add3A_694 = arith.addf %add3A_666, %get3A_693 : vector<16xf32>
        %add3A_695 = arith.constant 8 : i32
        %add3A_696 = arith.addi %mul3A_470, %add3A_695 : i32
        %get3A_697 = arith.index_cast %add3A_696 : i32 to index
        %get3A_698 = arith.constant 0 : index
        %get3A_699 = tpu.vector_load %arg10[%get3A_697, %get3A_698] {strides = array<i32>} : memref<128x128xf32, #tpu.memory_space<vmem>>, vector<1x16xf32>,
        %get3A_700 = vector.shape_cast %get3A_699 : vector<1x16xf32> to vector<16xf32>
        %add3A_701 = arith.addf %add3A_673, %get3A_700 : vector<16xf32>
        %add3A_702 = arith.constant 8 : i32
        %add3A_703 = arith.addi %mul3A_470, %add3A_702 : i32
        %get3A_704 = arith.index_cast %add3A_703 : i32 to index
        %get3A_705 = arith.constant 16 : index
        %get3A_706 = tpu.vector_load %arg10[%get3A_704, %get3A_705] {strides = array<i32>} : memref<128x128xf32, #tpu.memory_space<vmem>>, vector<1x16xf32>,
        %get3A_707 = vector.shape_cast %get3A_706 : vector<1x16xf32> to vector<16xf32>
        %add3A_708 = arith.addf %add3A_680, %get3A_707 : vector<16xf32>
        %add3A_709 = arith.constant 8 : i32
        %add3A_710 = arith.addi %mul3A_470, %add3A_709 : i32
        %get3A_711 = arith.index_cast %add3A_710 : i32 to index
        %get3A_712 = arith.constant 32 : index
        %get3A_713 = tpu.vector_load %arg10[%get3A_711, %get3A_712] {strides = array<i32>} : memref<128x128xf32, #tpu.memory_space<vmem>>, vector<1x16xf32>,
        %get3A_714 = vector.shape_cast %get3A_713 : vector<1x16xf32> to vector<16xf32>
        %add3A_715 = arith.addf %add3A_687, %get3A_714 : vector<16xf32>
        %add3A_716 = arith.constant 8 : i32
        %add3A_717 = arith.addi %mul3A_470, %add3A_716 : i32
        %get3A_718 = arith.index_cast %add3A_717 : i32 to index
        %get3A_719 = arith.constant 48 : index
        %get3A_720 = tpu.vector_load %arg10[%get3A_718, %get3A_719] {strides = array<i32>} : memref<128x128xf32, #tpu.memory_space<vmem>>, vector<1x16xf32>,
        %get3A_721 = vector.shape_cast %get3A_720 : vector<1x16xf32> to vector<16xf32>
        %add3A_722 = arith.addf %add3A_694, %get3A_721 : vector<16xf32>
        %add3A_723 = arith.constant 9 : i32
        %add3A_724 = arith.addi %mul3A_470, %add3A_723 : i32
        %get3A_725 = arith.index_cast %add3A_724 : i32 to index
        %get3A_726 = arith.constant 0 : index
        %get3A_727 = tpu.vector_load %arg10[%get3A_725, %get3A_726] {strides = array<i32>} : memref<128x128xf32, #tpu.memory_space<vmem>>, vector<1x16xf32>,
        %get3A_728 = vector.shape_cast %get3A_727 : vector<1x16xf32> to vector<16xf32>
        %add3A_729 = arith.addf %add3A_701, %get3A_728 : vector<16xf32>
        %add3A_730 = arith.constant 9 : i32
        %add3A_731 = arith.addi %mul3A_470, %add3A_730 : i32
        %get3A_732 = arith.index_cast %add3A_731 : i32 to index
        %get3A_733 = arith.constant 16 : index
        %get3A_734 = tpu.vector_load %arg10[%get3A_732, %get3A_733] {strides = array<i32>} : memref<128x128xf32, #tpu.memory_space<vmem>>, vector<1x16xf32>,
        %get3A_735 = vector.shape_cast %get3A_734 : vector<1x16xf32> to vector<16xf32>
        %add3A_736 = arith.addf %add3A_708, %get3A_735 : vector<16xf32>
        %add3A_737 = arith.constant 9 : i32
        %add3A_738 = arith.addi %mul3A_470, %add3A_737 : i32
        %get3A_739 = arith.index_cast %add3A_738 : i32 to index
        %get3A_740 = arith.constant 32 : index
        %get3A_741 = tpu.vector_load %arg10[%get3A_739, %get3A_740] {strides = array<i32>} : memref<128x128xf32, #tpu.memory_space<vmem>>, vector<1x16xf32>,
        %get3A_742 = vector.shape_cast %get3A_741 : vector<1x16xf32> to vector<16xf32>
        %add3A_743 = arith.addf %add3A_715, %get3A_742 : vector<16xf32>
        %add3A_744 = arith.constant 9 : i32
        %add3A_745 = arith.addi %mul3A_470, %add3A_744 : i32
        %get3A_746 = arith.index_cast %add3A_745 : i32 to index
        %get3A_747 = arith.constant 48 : index
        %get3A_748 = tpu.vector_load %arg10[%get3A_746, %get3A_747] {strides = array<i32>} : memref<128x128xf32, #tpu.memory_space<vmem>>, vector<1x16xf32>,
        %get3A_749 = vector.shape_cast %get3A_748 : vector<1x16xf32> to vector<16xf32>
        %add3A_750 = arith.addf %add3A_722, %get3A_749 : vector<16xf32>
        %add3A_751 = arith.constant 10 : i32
        %add3A_752 = arith.addi %mul3A_470, %add3A_751 : i32
        %get3A_753 = arith.index_cast %add3A_752 : i32 to index
        %get3A_754 = arith.constant 0 : index
        %get3A_755 = tpu.vector_load %arg10[%get3A_753, %get3A_754] {strides = array<i32>} : memref<128x128xf32, #tpu.memory_space<vmem>>, vector<1x16xf32>,
        %get3A_756 = vector.shape_cast %get3A_755 : vector<1x16xf32> to vector<16xf32>
        %add3A_757 = arith.addf %add3A_729, %get3A_756 : vector<16xf32>
        %add3A_758 = arith.constant 10 : i32
        %add3A_759 = arith.addi %mul3A_470, %add3A_758 : i32
        %get3A_760 = arith.index_cast %add3A_759 : i32 to index
        %get3A_761 = arith.constant 16 : index
        %get3A_762 = tpu.vector_load %arg10[%get3A_760, %get3A_761] {strides = array<i32>} : memref<128x128xf32, #tpu.memory_space<vmem>>, vector<1x16xf32>,
        %get3A_763 = vector.shape_cast %get3A_762 : vector<1x16xf32> to vector<16xf32>
        %add3A_764 = arith.addf %add3A_736, %get3A_763 : vector<16xf32>
        %add3A_765 = arith.constant 10 : i32
        %add3A_766 = arith.addi %mul3A_470, %add3A_765 : i32
        %get3A_767 = arith.index_cast %add3A_766 : i32 to index
        %get3A_768 = arith.constant 32 : index
        %get3A_769 = tpu.vector_load %arg10[%get3A_767, %get3A_768] {strides = array<i32>} : memref<128x128xf32, #tpu.memory_space<vmem>>, vector<1x16xf32>,
        %get3A_770 = vector.shape_cast %get3A_769 : vector<1x16xf32> to vector<16xf32>
        %add3A_771 = arith.addf %add3A_743, %get3A_770 : vector<16xf32>
        %add3A_772 = arith.constant 10 : i32
        %add3A_773 = arith.addi %mul3A_470, %add3A_772 : i32
        %get3A_774 = arith.index_cast %add3A_773 : i32 to index
        %get3A_775 = arith.constant 48 : index
        %get3A_776 = tpu.vector_load %arg10[%get3A_774, %get3A_775] {strides = array<i32>} : memref<128x128xf32, #tpu.memory_space<vmem>>, vector<1x16xf32>,
        %get3A_777 = vector.shape_cast %get3A_776 : vector<1x16xf32> to vector<16xf32>
        %add3A_778 = arith.addf %add3A_750, %get3A_777 : vector<16xf32>
        %add3A_779 = arith.constant 11 : i32
        %add3A_780 = arith.addi %mul3A_470, %add3A_779 : i32
        %get3A_781 = arith.index_cast %add3A_780 : i32 to index
        %get3A_782 = arith.constant 0 : index
        %get3A_783 = tpu.vector_load %arg10[%get3A_781, %get3A_782] {strides = array<i32>} : memref<128x128xf32, #tpu.memory_space<vmem>>, vector<1x16xf32>,
        %get3A_784 = vector.shape_cast %get3A_783 : vector<1x16xf32> to vector<16xf32>
        %add3A_785 = arith.addf %add3A_757, %get3A_784 : vector<16xf32>
        %add3A_786 = arith.constant 11 : i32
        %add3A_787 = arith.addi %mul3A_470, %add3A_786 : i32
        %get3A_788 = arith.index_cast %add3A_787 : i32 to index
        %get3A_789 = arith.constant 16 : index
        %get3A_790 = tpu.vector_load %arg10[%get3A_788, %get3A_789] {strides = array<i32>} : memref<128x128xf32, #tpu.memory_space<vmem>>, vector<1x16xf32>,
        %get3A_791 = vector.shape_cast %get3A_790 : vector<1x16xf32> to vector<16xf32>
        %add3A_792 = arith.addf %add3A_764, %get3A_791 : vector<16xf32>
        %add3A_793 = arith.constant 11 : i32
        %add3A_794 = arith.addi %mul3A_470, %add3A_793 : i32
        %get3A_795 = arith.index_cast %add3A_794 : i32 to index
        %get3A_796 = arith.constant 32 : index
        %get3A_797 = tpu.vector_load %arg10[%get3A_795, %get3A_796] {strides = array<i32>} : memref<128x128xf32, #tpu.memory_space<vmem>>, vector<1x16xf32>,
        %get3A_798 = vector.shape_cast %get3A_797 : vector<1x16xf32> to vector<16xf32>
        %add3A_799 = arith.addf %add3A_771, %get3A_798 : vector<16xf32>
        %add3A_800 = arith.constant 11 : i32
        %add3A_801 = arith.addi %mul3A_470, %add3A_800 : i32
        %get3A_802 = arith.index_cast %add3A_801 : i32 to index
        %get3A_803 = arith.constant 48 : index
        %get3A_804 = tpu.vector_load %arg10[%get3A_802, %get3A_803] {strides = array<i32>} : memref<128x128xf32, #tpu.memory_space<vmem>>, vector<1x16xf32>,
        %get3A_805 = vector.shape_cast %get3A_804 : vector<1x16xf32> to vector<16xf32>
        %add3A_806 = arith.addf %add3A_778, %get3A_805 : vector<16xf32>
        %add3A_807 = arith.constant 12 : i32
        %add3A_808 = arith.addi %mul3A_470, %add3A_807 : i32
        %get3A_809 = arith.index_cast %add3A_808 : i32 to index
        %get3A_810 = arith.constant 0 : index
        %get3A_811 = tpu.vector_load %arg10[%get3A_809, %get3A_810] {strides = array<i32>} : memref<128x128xf32, #tpu.memory_space<vmem>>, vector<1x16xf32>,
        %get3A_812 = vector.shape_cast %get3A_811 : vector<1x16xf32> to vector<16xf32>
        %add3A_813 = arith.addf %add3A_785, %get3A_812 : vector<16xf32>
        %add3A_814 = arith.constant 12 : i32
        %add3A_815 = arith.addi %mul3A_470, %add3A_814 : i32
        %get3A_816 = arith.index_cast %add3A_815 : i32 to index
        %get3A_817 = arith.constant 16 : index
        %get3A_818 = tpu.vector_load %arg10[%get3A_816, %get3A_817] {strides = array<i32>} : memref<128x128xf32, #tpu.memory_space<vmem>>, vector<1x16xf32>,
        %get3A_819 = vector.shape_cast %get3A_818 : vector<1x16xf32> to vector<16xf32>
        %add3A_820 = arith.addf %add3A_792, %get3A_819 : vector<16xf32>
        %add3A_821 = arith.constant 12 : i32
        %add3A_822 = arith.addi %mul3A_470, %add3A_821 : i32
        %get3A_823 = arith.index_cast %add3A_822 : i32 to index
        %get3A_824 = arith.constant 32 : index
        %get3A_825 = tpu.vector_load %arg10[%get3A_823, %get3A_824] {strides = array<i32>} : memref<128x128xf32, #tpu.memory_space<vmem>>, vector<1x16xf32>,
        %get3A_826 = vector.shape_cast %get3A_825 : vector<1x16xf32> to vector<16xf32>
        %add3A_827 = arith.addf %add3A_799, %get3A_826 : vector<16xf32>
        %add3A_828 = arith.constant 12 : i32
        %add3A_829 = arith.addi %mul3A_470, %add3A_828 : i32
        %get3A_830 = arith.index_cast %add3A_829 : i32 to index
        %get3A_831 = arith.constant 48 : index
        %get3A_832 = tpu.vector_load %arg10[%get3A_830, %get3A_831] {strides = array<i32>} : memref<128x128xf32, #tpu.memory_space<vmem>>, vector<1x16xf32>,
        %get3A_833 = vector.shape_cast %get3A_832 : vector<1x16xf32> to vector<16xf32>
        %add3A_834 = arith.addf %add3A_806, %get3A_833 : vector<16xf32>
        %add3A_835 = arith.constant 13 : i32
        %add3A_836 = arith.addi %mul3A_470, %add3A_835 : i32
        %get3A_837 = arith.index_cast %add3A_836 : i32 to index
        %get3A_838 = arith.constant 0 : index
        %get3A_839 = tpu.vector_load %arg10[%get3A_837, %get3A_838] {strides = array<i32>} : memref<128x128xf32, #tpu.memory_space<vmem>>, vector<1x16xf32>,
        %get3A_840 = vector.shape_cast %get3A_839 : vector<1x16xf32> to vector<16xf32>
        %add3A_841 = arith.addf %add3A_813, %get3A_840 : vector<16xf32>
        %add3A_842 = arith.constant 13 : i32
        %add3A_843 = arith.addi %mul3A_470, %add3A_842 : i32
        %get3A_844 = arith.index_cast %add3A_843 : i32 to index
        %get3A_845 = arith.constant 16 : index
        %get3A_846 = tpu.vector_load %arg10[%get3A_844, %get3A_845] {strides = array<i32>} : memref<128x128xf32, #tpu.memory_space<vmem>>, vector<1x16xf32>,
        %get3A_847 = vector.shape_cast %get3A_846 : vector<1x16xf32> to vector<16xf32>
        %add3A_848 = arith.addf %add3A_820, %get3A_847 : vector<16xf32>
        %add3A_849 = arith.constant 13 : i32
        %add3A_850 = arith.addi %mul3A_470, %add3A_849 : i32
        %get3A_851 = arith.index_cast %add3A_850 : i32 to index
        %get3A_852 = arith.constant 32 : index
        %get3A_853 = tpu.vector_load %arg10[%get3A_851, %get3A_852] {strides = array<i32>} : memref<128x128xf32, #tpu.memory_space<vmem>>, vector<1x16xf32>,
        %get3A_854 = vector.shape_cast %get3A_853 : vector<1x16xf32> to vector<16xf32>
        %add3A_855 = arith.addf %add3A_827, %get3A_854 : vector<16xf32>
        %add3A_856 = arith.constant 13 : i32
        %add3A_857 = arith.addi %mul3A_470, %add3A_856 : i32
        %get3A_858 = arith.index_cast %add3A_857 : i32 to index
        %get3A_859 = arith.constant 48 : index
        %get3A_860 = tpu.vector_load %arg10[%get3A_858, %get3A_859] {strides = array<i32>} : memref<128x128xf32, #tpu.memory_space<vmem>>, vector<1x16xf32>,
        %get3A_861 = vector.shape_cast %get3A_860 : vector<1x16xf32> to vector<16xf32>
        %add3A_862 = arith.addf %add3A_834, %get3A_861 : vector<16xf32>
        %add3A_863 = arith.constant 14 : i32
        %add3A_864 = arith.addi %mul3A_470, %add3A_863 : i32
        %get3A_865 = arith.index_cast %add3A_864 : i32 to index
        %get3A_866 = arith.constant 0 : index
        %get3A_867 = tpu.vector_load %arg10[%get3A_865, %get3A_866] {strides = array<i32>} : memref<128x128xf32, #tpu.memory_space<vmem>>, vector<1x16xf32>,
        %get3A_868 = vector.shape_cast %get3A_867 : vector<1x16xf32> to vector<16xf32>
        %add3A_869 = arith.addf %add3A_841, %get3A_868 : vector<16xf32>
        %add3A_870 = arith.constant 14 : i32
        %add3A_871 = arith.addi %mul3A_470, %add3A_870 : i32
        %get3A_872 = arith.index_cast %add3A_871 : i32 to index
        %get3A_873 = arith.constant 16 : index
        %get3A_874 = tpu.vector_load %arg10[%get3A_872, %get3A_873] {strides = array<i32>} : memref<128x128xf32, #tpu.memory_space<vmem>>, vector<1x16xf32>,
        %get3A_875 = vector.shape_cast %get3A_874 : vector<1x16xf32> to vector<16xf32>
        %add3A_876 = arith.addf %add3A_848, %get3A_875 : vector<16xf32>
        %add3A_877 = arith.constant 14 : i32
        %add3A_878 = arith.addi %mul3A_470, %add3A_877 : i32
        %get3A_879 = arith.index_cast %add3A_878 : i32 to index
        %get3A_880 = arith.constant 32 : index
        %get3A_881 = tpu.vector_load %arg10[%get3A_879, %get3A_880] {strides = array<i32>} : memref<128x128xf32, #tpu.memory_space<vmem>>, vector<1x16xf32>,
        %get3A_882 = vector.shape_cast %get3A_881 : vector<1x16xf32> to vector<16xf32>
        %add3A_883 = arith.addf %add3A_855, %get3A_882 : vector<16xf32>
        %add3A_884 = arith.constant 14 : i32
        %add3A_885 = arith.addi %mul3A_470, %add3A_884 : i32
        %get3A_886 = arith.index_cast %add3A_885 : i32 to index
        %get3A_887 = arith.constant 48 : index
        %get3A_888 = tpu.vector_load %arg10[%get3A_886, %get3A_887] {strides = array<i32>} : memref<128x128xf32, #tpu.memory_space<vmem>>, vector<1x16xf32>,
        %get3A_889 = vector.shape_cast %get3A_888 : vector<1x16xf32> to vector<16xf32>
        %add3A_890 = arith.addf %add3A_862, %get3A_889 : vector<16xf32>
        %add3A_891 = arith.constant 15 : i32
        %add3A_892 = arith.addi %mul3A_470, %add3A_891 : i32
        %get3A_893 = arith.index_cast %add3A_892 : i32 to index
        %get3A_894 = arith.constant 0 : index
        %get3A_895 = tpu.vector_load %arg10[%get3A_893, %get3A_894] {strides = array<i32>} : memref<128x128xf32, #tpu.memory_space<vmem>>, vector<1x16xf32>,
        %get3A_896 = vector.shape_cast %get3A_895 : vector<1x16xf32> to vector<16xf32>
        %add3A_897 = arith.addf %add3A_869, %get3A_896 : vector<16xf32>
        %add3A_898 = arith.constant 15 : i32
        %add3A_899 = arith.addi %mul3A_470, %add3A_898 : i32
        %get3A_900 = arith.index_cast %add3A_899 : i32 to index
        %get3A_901 = arith.constant 16 : index
        %get3A_902 = tpu.vector_load %arg10[%get3A_900, %get3A_901] {strides = array<i32>} : memref<128x128xf32, #tpu.memory_space<vmem>>, vector<1x16xf32>,
        %get3A_903 = vector.shape_cast %get3A_902 : vector<1x16xf32> to vector<16xf32>
        %add3A_904 = arith.addf %add3A_876, %get3A_903 : vector<16xf32>
        %add3A_905 = arith.constant 15 : i32
        %add3A_906 = arith.addi %mul3A_470, %add3A_905 : i32
        %get3A_907 = arith.index_cast %add3A_906 : i32 to index
        %get3A_908 = arith.constant 32 : index
        %get3A_909 = tpu.vector_load %arg10[%get3A_907, %get3A_908] {strides = array<i32>} : memref<128x128xf32, #tpu.memory_space<vmem>>, vector<1x16xf32>,
        %get3A_910 = vector.shape_cast %get3A_909 : vector<1x16xf32> to vector<16xf32>
        %add3A_911 = arith.addf %add3A_883, %get3A_910 : vector<16xf32>
        %add3A_912 = arith.constant 15 : i32
        %add3A_913 = arith.addi %mul3A_470, %add3A_912 : i32
        %get3A_914 = arith.index_cast %add3A_913 : i32 to index
        %get3A_915 = arith.constant 48 : index
        %get3A_916 = tpu.vector_load %arg10[%get3A_914, %get3A_915] {strides = array<i32>} : memref<128x128xf32, #tpu.memory_space<vmem>>, vector<1x16xf32>,
        %get3A_917 = vector.shape_cast %get3A_916 : vector<1x16xf32> to vector<16xf32>
        %add3A_918 = arith.addf %add3A_890, %get3A_917 : vector<16xf32>
        scf.yield %add3A_897, %add3A_904, %add3A_911, %add3A_918 : vector<16xf32>, vector<16xf32>, vector<16xf32>, vector<16xf32>
      }
      %scan3A_335 = arith.constant 8 : i32
      %get3A_336 = arith.index_cast %select_n3A_327 : i32 to index
      %get3A_337 = arith.constant 0 : index
      %get3A_338 = tpu.vector_load %arg12[%get3A_336, %get3A_337] {strides = array<i32>} : memref<56x64xf32, #tpu.memory_space<vmem>>, vector<1x16xf32>,
      %get3A_339 = vector.shape_cast %get3A_338 : vector<1x16xf32> to vector<16xf32>
      %add3A_340 = arith.addf %get3A_339, %scan3A_334#0 : vector<16xf32>
      %swap3A_341 = arith.index_cast %select_n3A_327 : i32 to index
      %swap3A_342 = arith.constant 0 : index
      %swap3A_343 = tpu.vector_load %arg12[%swap3A_341, %swap3A_342] {strides = array<i32>} : memref<56x64xf32, #tpu.memory_space<vmem>>, vector<1x16xf32>,
      %swap3A_344 = vector.shape_cast %swap3A_343 : vector<1x16xf32> to vector<16xf32>
      %swap3A_345 = vector.shape_cast %add3A_340 : vector<16xf32> to vector<1x16xf32>
      tpu.vector_store %arg12[%swap3A_341, %swap3A_342], %swap3A_345 {strides = array<i32>} : memref<56x64xf32, #tpu.memory_space<vmem>>, vector<1x16xf32>,
      %get3A_346 = arith.index_cast %select_n3A_327 : i32 to index
      %get3A_347 = arith.constant 16 : index
      %get3A_348 = tpu.vector_load %arg12[%get3A_346, %get3A_347] {strides = array<i32>} : memref<56x64xf32, #tpu.memory_space<vmem>>, vector<1x16xf32>,
      %get3A_349 = vector.shape_cast %get3A_348 : vector<1x16xf32> to vector<16xf32>
      %add3A_350 = arith.addf %get3A_349, %scan3A_334#1 : vector<16xf32>
      %swap3A_351 = arith.index_cast %select_n3A_327 : i32 to index
      %swap3A_352 = arith.constant 16 : index
      %swap3A_353 = tpu.vector_load %arg12[%swap3A_351, %swap3A_352] {strides = array<i32>} : memref<56x64xf32, #tpu.memory_space<vmem>>, vector<1x16xf32>,
      %swap3A_354 = vector.shape_cast %swap3A_353 : vector<1x16xf32> to vector<16xf32>
      %swap3A_355 = vector.shape_cast %add3A_350 : vector<16xf32> to vector<1x16xf32>
      tpu.vector_store %arg12[%swap3A_351, %swap3A_352], %swap3A_355 {strides = array<i32>} : memref<56x64xf32, #tpu.memory_space<vmem>>, vector<1x16xf32>,
      %get3A_356 = arith.index_cast %select_n3A_327 : i32 to index
      %get3A_357 = arith.constant 32 : index
      %get3A_358 = tpu.vector_load %arg12[%get3A_356, %get3A_357] {strides = array<i32>} : memref<56x64xf32, #tpu.memory_space<vmem>>, vector<1x16xf32>,
      %get3A_359 = vector.shape_cast %get3A_358 : vector<1x16xf32> to vector<16xf32>
      %add3A_360 = arith.addf %get3A_359, %scan3A_334#2 : vector<16xf32>
      %swap3A_361 = arith.index_cast %select_n3A_327 : i32 to index
      %swap3A_362 = arith.constant 32 : index
      %swap3A_363 = tpu.vector_load %arg12[%swap3A_361, %swap3A_362] {strides = array<i32>} : memref<56x64xf32, #tpu.memory_space<vmem>>, vector<1x16xf32>,
      %swap3A_364 = vector.shape_cast %swap3A_363 : vector<1x16xf32> to vector<16xf32>
      %swap3A_365 = vector.shape_cast %add3A_360 : vector<16xf32> to vector<1x16xf32>
      tpu.vector_store %arg12[%swap3A_361, %swap3A_362], %swap3A_365 {strides = array<i32>} : memref<56x64xf32, #tpu.memory_space<vmem>>, vector<1x16xf32>,
      %get3A_366 = arith.index_cast %select_n3A_327 : i32 to index
      %get3A_367 = arith.constant 48 : index
      %get3A_368 = tpu.vector_load %arg12[%get3A_366, %get3A_367] {strides = array<i32>} : memref<56x64xf32, #tpu.memory_space<vmem>>, vector<1x16xf32>,
      %get3A_369 = vector.shape_cast %get3A_368 : vector<1x16xf32> to vector<16xf32>
      %add3A_370 = arith.addf %get3A_369, %scan3A_334#3 : vector<16xf32>
      %swap3A_371 = arith.index_cast %select_n3A_327 : i32 to index
      %swap3A_372 = arith.constant 48 : index
      %swap3A_373 = tpu.vector_load %arg12[%swap3A_371, %swap3A_372] {strides = array<i32>} : memref<56x64xf32, #tpu.memory_space<vmem>>, vector<1x16xf32>,
      %swap3A_374 = vector.shape_cast %swap3A_373 : vector<1x16xf32> to vector<16xf32>
      %swap3A_375 = vector.shape_cast %add3A_370 : vector<16xf32> to vector<1x16xf32>
      tpu.vector_store %arg12[%swap3A_371, %swap3A_372], %swap3A_375 {strides = array<i32>} : memref<56x64xf32, #tpu.memory_space<vmem>>, vector<1x16xf32>,
      %add3A_376 = arith.constant 4 : i32
      %add3A_377 = arith.addi %add3A_38, %add3A_376 : i32
      %add3A_378 = arith.constant 4 : i32
      %add3A_379 = arith.addi %add3A_377, %add3A_378 : i32
      %lt3A_380 = arith.constant 200 : i32
      %lt3A_381 = arith.cmpi slt, %add3A_379, %lt3A_380 : i32
      %convert_element_type3A_382 = arith.extui %lt3A_381 : i1 to i32
      %cond3A_383 = arith.constant 0 : i32
      %cond3A_384 = arith.cmpi ne, %convert_element_type3A_382, %cond3A_383 : i32
      scf.if %cond3A_384 {
        %add3A_464 = arith.constant 4 : i32
        %add3A_465 = arith.addi %add3A_377, %add3A_464 : i32
        %dma_start3A_466 = arith.constant 0 : i32
        %dma_start3A_467 = tpu.memref_slice %arg6[%add3A_465, %dma_start3A_466] : memref<200x128xi32, #tpu.memory_space<vmem>> -> memref<1x128xi32, #tpu.memory_space<vmem>>
        %dma_start3A_468 = tpu.memref_squeeze %dma_start3A_467 : memref<1x128xi32, #tpu.memory_space<vmem>> -> memref<128xi32, #tpu.memory_space<vmem>>
        %dma_start3A_469 = arith.constant 0 : i32
        %dma_start3A_470 = arith.constant 0 : i32
        %dma_start3A_471 = tpu.memref_slice %arg3[%dma_start3A_469, %dma_start3A_470] : memref<1000000x128xf32, #tpu.memory_space<hbm>> -> memref<1000000x128xf32, #tpu.memory_space<hbm>>
        tpu.enqueue_indirect_dma source(%dma_start3A_471 : memref<1000000x128xf32, #tpu.memory_space<hbm>>) target(%arg10 : memref<128x128xf32, #tpu.memory_space<vmem>>) offsets(%dma_start3A_468 : memref<128xi32, #tpu.memory_space<vmem>>) semaphore(%arg16 : memref<!tpu.dma_semaphore, #tpu.memory_space<semaphore_mem>>)
      } else {
      }
      %dma_wait3A_385 = arith.constant 0 : i32
      %dma_wait3A_386 = tpu.memref_slice %arg6[%add3A_377, %dma_wait3A_385] : memref<200x128xi32, #tpu.memory_space<vmem>> -> memref<1x128xi32, #tpu.memory_space<vmem>>
      %dma_wait3A_387 = tpu.memref_squeeze %dma_wait3A_386 : memref<1x128xi32, #tpu.memory_space<vmem>> -> memref<128xi32, #tpu.memory_space<vmem>>
      %dma_wait3A_388 = arith.constant 0 : i32
      %dma_wait3A_389 = arith.constant 0 : i32
      %dma_wait3A_390 = tpu.memref_slice %arg3[%dma_wait3A_388, %dma_wait3A_389] : memref<1000000x128xf32, #tpu.memory_space<hbm>> -> memref<1000000x128xf32, #tpu.memory_space<hbm>>
      tpu.wait_indirect_dma semaphore(%arg17 : memref<!tpu.dma_semaphore, #tpu.memory_space<semaphore_mem>>) src(%dma_wait3A_390 : memref<1000000x128xf32, #tpu.memory_space<hbm>>) dst(%arg11 : memref<128x128xf32, #tpu.memory_space<vmem>>)
      %add3A_391 = arith.addi %mul3A_2, %add3A_377 : i32
      %jit3A_392 = arith.constant 128 : i32
      %div3A_393 = arith.divsi %add3A_391, %jit3A_392 : i32
      %sign3A_394 = arith.constant 0 : i32
      %sign3A_395 = arith.cmpi sgt, %add3A_391, %sign3A_394 : i32
      %sign3A_396 = arith.extui %sign3A_395 : i1 to i32
      %sign3A_397 = arith.constant 0 : i32
      %sign3A_398 = arith.cmpi slt, %add3A_391, %sign3A_397 : i32
      %sign3A_399 = arith.extui %sign3A_398 : i1 to i32
      %sign3A_400 = arith.subi %sign3A_396, %sign3A_399 : i32
      %sign3A_401 = arith.constant 0 : i32
      %sign3A_402 = arith.cmpi sgt, %jit3A_392, %sign3A_401 : i32
      %sign3A_403 = arith.extui %sign3A_402 : i1 to i32
      %sign3A_404 = arith.constant 0 : i32
      %sign3A_405 = arith.cmpi slt, %jit3A_392, %sign3A_404 : i32
      %sign3A_406 = arith.extui %sign3A_405 : i1 to i32
      %sign3A_407 = arith.subi %sign3A_403, %sign3A_406 : i32
      %ne3A_408 = arith.cmpi ne, %sign3A_400, %sign3A_407 : i32
      %rem3A_409 = arith.remsi %add3A_391, %jit3A_392 : i32
      %ne3A_410 = arith.constant 0 : i32
      %ne3A_411 = arith.cmpi ne, %rem3A_409, %ne3A_410 : i32
      %and3A_412 = arith.andi %ne3A_408, %ne3A_411 : i1
      %sub3A_413 = arith.constant 1 : i32
      %sub3A_414 = arith.subi %div3A_393, %sub3A_413 : i32
      %select_n3A_415 = arith.select %and3A_412, %sub3A_414, %div3A_393 : i32
      %broadcast_in_dim3A_416 = arith.constant 0.000000e+00 : f32
      %broadcast_in_dim3A_417 = vector.broadcast %broadcast_in_dim3A_416 : f32 to vector<16xf32>
      %scan3A_418 = arith.constant 0 : i32
      %scan3A_419 = arith.constant 8 : i32
      %scan3A_420 = arith.addi %scan3A_418, %scan3A_419 : i32
      %scan3A_421 = arith.constant 1 : i32
      %scan3A_422:4 = scf.for %scan3A_464 = %scan3A_418 to %scan3A_420 step %scan3A_421 iter_args(%scan3A_465 = %broadcast_in_dim3A_417, %scan3A_466 = %broadcast_in_dim3A_417, %scan3A_467 = %broadcast_in_dim3A_417, %scan3A_468 = %broadcast_in_dim3A_417) -> (vector<16xf32>, vector<16xf32>, vector<16xf32>, vector<16xf32>)  : i32 {
        %mul3A_469 = arith.constant 16 : i32
        %mul3A_470 = arith.muli %scan3A_464, %mul3A_469 : i32
        %add3A_471 = arith.constant 0 : i32
        %add3A_472 = arith.addi %mul3A_470, %add3A_471 : i32
        %get3A_473 = arith.index_cast %add3A_472 : i32 to index
        %get3A_474 = arith.constant 0 : index
        %get3A_475 = tpu.vector_load %arg11[%get3A_473, %get3A_474] {strides = array<i32>} : memref<128x128xf32, #tpu.memory_space<vmem>>, vector<1x16xf32>,
        %get3A_476 = vector.shape_cast %get3A_475 : vector<1x16xf32> to vector<16xf32>
        %add3A_477 = arith.addf %scan3A_465, %get3A_476 : vector<16xf32>
        %add3A_478 = arith.constant 0 : i32
        %add3A_479 = arith.addi %mul3A_470, %add3A_478 : i32
        %get3A_480 = arith.index_cast %add3A_479 : i32 to index
        %get3A_481 = arith.constant 16 : index
        %get3A_482 = tpu.vector_load %arg11[%get3A_480, %get3A_481] {strides = array<i32>} : memref<128x128xf32, #tpu.memory_space<vmem>>, vector<1x16xf32>,
        %get3A_483 = vector.shape_cast %get3A_482 : vector<1x16xf32> to vector<16xf32>
        %add3A_484 = arith.addf %scan3A_466, %get3A_483 : vector<16xf32>
        %add3A_485 = arith.constant 0 : i32
        %add3A_486 = arith.addi %mul3A_470, %add3A_485 : i32
        %get3A_487 = arith.index_cast %add3A_486 : i32 to index
        %get3A_488 = arith.constant 32 : index
        %get3A_489 = tpu.vector_load %arg11[%get3A_487, %get3A_488] {strides = array<i32>} : memref<128x128xf32, #tpu.memory_space<vmem>>, vector<1x16xf32>,
        %get3A_490 = vector.shape_cast %get3A_489 : vector<1x16xf32> to vector<16xf32>
        %add3A_491 = arith.addf %scan3A_467, %get3A_490 : vector<16xf32>
        %add3A_492 = arith.constant 0 : i32
        %add3A_493 = arith.addi %mul3A_470, %add3A_492 : i32
        %get3A_494 = arith.index_cast %add3A_493 : i32 to index
        %get3A_495 = arith.constant 48 : index
        %get3A_496 = tpu.vector_load %arg11[%get3A_494, %get3A_495] {strides = array<i32>} : memref<128x128xf32, #tpu.memory_space<vmem>>, vector<1x16xf32>,
        %get3A_497 = vector.shape_cast %get3A_496 : vector<1x16xf32> to vector<16xf32>
        %add3A_498 = arith.addf %scan3A_468, %get3A_497 : vector<16xf32>
        %add3A_499 = arith.constant 1 : i32
        %add3A_500 = arith.addi %mul3A_470, %add3A_499 : i32
        %get3A_501 = arith.index_cast %add3A_500 : i32 to index
        %get3A_502 = arith.constant 0 : index
        %get3A_503 = tpu.vector_load %arg11[%get3A_501, %get3A_502] {strides = array<i32>} : memref<128x128xf32, #tpu.memory_space<vmem>>, vector<1x16xf32>,
        %get3A_504 = vector.shape_cast %get3A_503 : vector<1x16xf32> to vector<16xf32>
        %add3A_505 = arith.addf %add3A_477, %get3A_504 : vector<16xf32>
        %add3A_506 = arith.constant 1 : i32
        %add3A_507 = arith.addi %mul3A_470, %add3A_506 : i32
        %get3A_508 = arith.index_cast %add3A_507 : i32 to index
        %get3A_509 = arith.constant 16 : index
        %get3A_510 = tpu.vector_load %arg11[%get3A_508, %get3A_509] {strides = array<i32>} : memref<128x128xf32, #tpu.memory_space<vmem>>, vector<1x16xf32>,
        %get3A_511 = vector.shape_cast %get3A_510 : vector<1x16xf32> to vector<16xf32>
        %add3A_512 = arith.addf %add3A_484, %get3A_511 : vector<16xf32>
        %add3A_513 = arith.constant 1 : i32
        %add3A_514 = arith.addi %mul3A_470, %add3A_513 : i32
        %get3A_515 = arith.index_cast %add3A_514 : i32 to index
        %get3A_516 = arith.constant 32 : index
        %get3A_517 = tpu.vector_load %arg11[%get3A_515, %get3A_516] {strides = array<i32>} : memref<128x128xf32, #tpu.memory_space<vmem>>, vector<1x16xf32>,
        %get3A_518 = vector.shape_cast %get3A_517 : vector<1x16xf32> to vector<16xf32>
        %add3A_519 = arith.addf %add3A_491, %get3A_518 : vector<16xf32>
        %add3A_520 = arith.constant 1 : i32
        %add3A_521 = arith.addi %mul3A_470, %add3A_520 : i32
        %get3A_522 = arith.index_cast %add3A_521 : i32 to index
        %get3A_523 = arith.constant 48 : index
        %get3A_524 = tpu.vector_load %arg11[%get3A_522, %get3A_523] {strides = array<i32>} : memref<128x128xf32, #tpu.memory_space<vmem>>, vector<1x16xf32>,
        %get3A_525 = vector.shape_cast %get3A_524 : vector<1x16xf32> to vector<16xf32>
        %add3A_526 = arith.addf %add3A_498, %get3A_525 : vector<16xf32>
        %add3A_527 = arith.constant 2 : i32
        %add3A_528 = arith.addi %mul3A_470, %add3A_527 : i32
        %get3A_529 = arith.index_cast %add3A_528 : i32 to index
        %get3A_530 = arith.constant 0 : index
        %get3A_531 = tpu.vector_load %arg11[%get3A_529, %get3A_530] {strides = array<i32>} : memref<128x128xf32, #tpu.memory_space<vmem>>, vector<1x16xf32>,
        %get3A_532 = vector.shape_cast %get3A_531 : vector<1x16xf32> to vector<16xf32>
        %add3A_533 = arith.addf %add3A_505, %get3A_532 : vector<16xf32>
        %add3A_534 = arith.constant 2 : i32
        %add3A_535 = arith.addi %mul3A_470, %add3A_534 : i32
        %get3A_536 = arith.index_cast %add3A_535 : i32 to index
        %get3A_537 = arith.constant 16 : index
        %get3A_538 = tpu.vector_load %arg11[%get3A_536, %get3A_537] {strides = array<i32>} : memref<128x128xf32, #tpu.memory_space<vmem>>, vector<1x16xf32>,
        %get3A_539 = vector.shape_cast %get3A_538 : vector<1x16xf32> to vector<16xf32>
        %add3A_540 = arith.addf %add3A_512, %get3A_539 : vector<16xf32>
        %add3A_541 = arith.constant 2 : i32
        %add3A_542 = arith.addi %mul3A_470, %add3A_541 : i32
        %get3A_543 = arith.index_cast %add3A_542 : i32 to index
        %get3A_544 = arith.constant 32 : index
        %get3A_545 = tpu.vector_load %arg11[%get3A_543, %get3A_544] {strides = array<i32>} : memref<128x128xf32, #tpu.memory_space<vmem>>, vector<1x16xf32>,
        %get3A_546 = vector.shape_cast %get3A_545 : vector<1x16xf32> to vector<16xf32>
        %add3A_547 = arith.addf %add3A_519, %get3A_546 : vector<16xf32>
        %add3A_548 = arith.constant 2 : i32
        %add3A_549 = arith.addi %mul3A_470, %add3A_548 : i32
        %get3A_550 = arith.index_cast %add3A_549 : i32 to index
        %get3A_551 = arith.constant 48 : index
        %get3A_552 = tpu.vector_load %arg11[%get3A_550, %get3A_551] {strides = array<i32>} : memref<128x128xf32, #tpu.memory_space<vmem>>, vector<1x16xf32>,
        %get3A_553 = vector.shape_cast %get3A_552 : vector<1x16xf32> to vector<16xf32>
        %add3A_554 = arith.addf %add3A_526, %get3A_553 : vector<16xf32>
        %add3A_555 = arith.constant 3 : i32
        %add3A_556 = arith.addi %mul3A_470, %add3A_555 : i32
        %get3A_557 = arith.index_cast %add3A_556 : i32 to index
        %get3A_558 = arith.constant 0 : index
        %get3A_559 = tpu.vector_load %arg11[%get3A_557, %get3A_558] {strides = array<i32>} : memref<128x128xf32, #tpu.memory_space<vmem>>, vector<1x16xf32>,
        %get3A_560 = vector.shape_cast %get3A_559 : vector<1x16xf32> to vector<16xf32>
        %add3A_561 = arith.addf %add3A_533, %get3A_560 : vector<16xf32>
        %add3A_562 = arith.constant 3 : i32
        %add3A_563 = arith.addi %mul3A_470, %add3A_562 : i32
        %get3A_564 = arith.index_cast %add3A_563 : i32 to index
        %get3A_565 = arith.constant 16 : index
        %get3A_566 = tpu.vector_load %arg11[%get3A_564, %get3A_565] {strides = array<i32>} : memref<128x128xf32, #tpu.memory_space<vmem>>, vector<1x16xf32>,
        %get3A_567 = vector.shape_cast %get3A_566 : vector<1x16xf32> to vector<16xf32>
        %add3A_568 = arith.addf %add3A_540, %get3A_567 : vector<16xf32>
        %add3A_569 = arith.constant 3 : i32
        %add3A_570 = arith.addi %mul3A_470, %add3A_569 : i32
        %get3A_571 = arith.index_cast %add3A_570 : i32 to index
        %get3A_572 = arith.constant 32 : index
        %get3A_573 = tpu.vector_load %arg11[%get3A_571, %get3A_572] {strides = array<i32>} : memref<128x128xf32, #tpu.memory_space<vmem>>, vector<1x16xf32>,
        %get3A_574 = vector.shape_cast %get3A_573 : vector<1x16xf32> to vector<16xf32>
        %add3A_575 = arith.addf %add3A_547, %get3A_574 : vector<16xf32>
        %add3A_576 = arith.constant 3 : i32
        %add3A_577 = arith.addi %mul3A_470, %add3A_576 : i32
        %get3A_578 = arith.index_cast %add3A_577 : i32 to index
        %get3A_579 = arith.constant 48 : index
        %get3A_580 = tpu.vector_load %arg11[%get3A_578, %get3A_579] {strides = array<i32>} : memref<128x128xf32, #tpu.memory_space<vmem>>, vector<1x16xf32>,
        %get3A_581 = vector.shape_cast %get3A_580 : vector<1x16xf32> to vector<16xf32>
        %add3A_582 = arith.addf %add3A_554, %get3A_581 : vector<16xf32>
        %add3A_583 = arith.constant 4 : i32
        %add3A_584 = arith.addi %mul3A_470, %add3A_583 : i32
        %get3A_585 = arith.index_cast %add3A_584 : i32 to index
        %get3A_586 = arith.constant 0 : index
        %get3A_587 = tpu.vector_load %arg11[%get3A_585, %get3A_586] {strides = array<i32>} : memref<128x128xf32, #tpu.memory_space<vmem>>, vector<1x16xf32>,
        %get3A_588 = vector.shape_cast %get3A_587 : vector<1x16xf32> to vector<16xf32>
        %add3A_589 = arith.addf %add3A_561, %get3A_588 : vector<16xf32>
        %add3A_590 = arith.constant 4 : i32
        %add3A_591 = arith.addi %mul3A_470, %add3A_590 : i32
        %get3A_592 = arith.index_cast %add3A_591 : i32 to index
        %get3A_593 = arith.constant 16 : index
        %get3A_594 = tpu.vector_load %arg11[%get3A_592, %get3A_593] {strides = array<i32>} : memref<128x128xf32, #tpu.memory_space<vmem>>, vector<1x16xf32>,
        %get3A_595 = vector.shape_cast %get3A_594 : vector<1x16xf32> to vector<16xf32>
        %add3A_596 = arith.addf %add3A_568, %get3A_595 : vector<16xf32>
        %add3A_597 = arith.constant 4 : i32
        %add3A_598 = arith.addi %mul3A_470, %add3A_597 : i32
        %get3A_599 = arith.index_cast %add3A_598 : i32 to index
        %get3A_600 = arith.constant 32 : index
        %get3A_601 = tpu.vector_load %arg11[%get3A_599, %get3A_600] {strides = array<i32>} : memref<128x128xf32, #tpu.memory_space<vmem>>, vector<1x16xf32>,
        %get3A_602 = vector.shape_cast %get3A_601 : vector<1x16xf32> to vector<16xf32>
        %add3A_603 = arith.addf %add3A_575, %get3A_602 : vector<16xf32>
        %add3A_604 = arith.constant 4 : i32
        %add3A_605 = arith.addi %mul3A_470, %add3A_604 : i32
        %get3A_606 = arith.index_cast %add3A_605 : i32 to index
        %get3A_607 = arith.constant 48 : index
        %get3A_608 = tpu.vector_load %arg11[%get3A_606, %get3A_607] {strides = array<i32>} : memref<128x128xf32, #tpu.memory_space<vmem>>, vector<1x16xf32>,
        %get3A_609 = vector.shape_cast %get3A_608 : vector<1x16xf32> to vector<16xf32>
        %add3A_610 = arith.addf %add3A_582, %get3A_609 : vector<16xf32>
        %add3A_611 = arith.constant 5 : i32
        %add3A_612 = arith.addi %mul3A_470, %add3A_611 : i32
        %get3A_613 = arith.index_cast %add3A_612 : i32 to index
        %get3A_614 = arith.constant 0 : index
        %get3A_615 = tpu.vector_load %arg11[%get3A_613, %get3A_614] {strides = array<i32>} : memref<128x128xf32, #tpu.memory_space<vmem>>, vector<1x16xf32>,
        %get3A_616 = vector.shape_cast %get3A_615 : vector<1x16xf32> to vector<16xf32>
        %add3A_617 = arith.addf %add3A_589, %get3A_616 : vector<16xf32>
        %add3A_618 = arith.constant 5 : i32
        %add3A_619 = arith.addi %mul3A_470, %add3A_618 : i32
        %get3A_620 = arith.index_cast %add3A_619 : i32 to index
        %get3A_621 = arith.constant 16 : index
        %get3A_622 = tpu.vector_load %arg11[%get3A_620, %get3A_621] {strides = array<i32>} : memref<128x128xf32, #tpu.memory_space<vmem>>, vector<1x16xf32>,
        %get3A_623 = vector.shape_cast %get3A_622 : vector<1x16xf32> to vector<16xf32>
        %add3A_624 = arith.addf %add3A_596, %get3A_623 : vector<16xf32>
        %add3A_625 = arith.constant 5 : i32
        %add3A_626 = arith.addi %mul3A_470, %add3A_625 : i32
        %get3A_627 = arith.index_cast %add3A_626 : i32 to index
        %get3A_628 = arith.constant 32 : index
        %get3A_629 = tpu.vector_load %arg11[%get3A_627, %get3A_628] {strides = array<i32>} : memref<128x128xf32, #tpu.memory_space<vmem>>, vector<1x16xf32>,
        %get3A_630 = vector.shape_cast %get3A_629 : vector<1x16xf32> to vector<16xf32>
        %add3A_631 = arith.addf %add3A_603, %get3A_630 : vector<16xf32>
        %add3A_632 = arith.constant 5 : i32
        %add3A_633 = arith.addi %mul3A_470, %add3A_632 : i32
        %get3A_634 = arith.index_cast %add3A_633 : i32 to index
        %get3A_635 = arith.constant 48 : index
        %get3A_636 = tpu.vector_load %arg11[%get3A_634, %get3A_635] {strides = array<i32>} : memref<128x128xf32, #tpu.memory_space<vmem>>, vector<1x16xf32>,
        %get3A_637 = vector.shape_cast %get3A_636 : vector<1x16xf32> to vector<16xf32>
        %add3A_638 = arith.addf %add3A_610, %get3A_637 : vector<16xf32>
        %add3A_639 = arith.constant 6 : i32
        %add3A_640 = arith.addi %mul3A_470, %add3A_639 : i32
        %get3A_641 = arith.index_cast %add3A_640 : i32 to index
        %get3A_642 = arith.constant 0 : index
        %get3A_643 = tpu.vector_load %arg11[%get3A_641, %get3A_642] {strides = array<i32>} : memref<128x128xf32, #tpu.memory_space<vmem>>, vector<1x16xf32>,
        %get3A_644 = vector.shape_cast %get3A_643 : vector<1x16xf32> to vector<16xf32>
        %add3A_645 = arith.addf %add3A_617, %get3A_644 : vector<16xf32>
        %add3A_646 = arith.constant 6 : i32
        %add3A_647 = arith.addi %mul3A_470, %add3A_646 : i32
        %get3A_648 = arith.index_cast %add3A_647 : i32 to index
        %get3A_649 = arith.constant 16 : index
        %get3A_650 = tpu.vector_load %arg11[%get3A_648, %get3A_649] {strides = array<i32>} : memref<128x128xf32, #tpu.memory_space<vmem>>, vector<1x16xf32>,
        %get3A_651 = vector.shape_cast %get3A_650 : vector<1x16xf32> to vector<16xf32>
        %add3A_652 = arith.addf %add3A_624, %get3A_651 : vector<16xf32>
        %add3A_653 = arith.constant 6 : i32
        %add3A_654 = arith.addi %mul3A_470, %add3A_653 : i32
        %get3A_655 = arith.index_cast %add3A_654 : i32 to index
        %get3A_656 = arith.constant 32 : index
        %get3A_657 = tpu.vector_load %arg11[%get3A_655, %get3A_656] {strides = array<i32>} : memref<128x128xf32, #tpu.memory_space<vmem>>, vector<1x16xf32>,
        %get3A_658 = vector.shape_cast %get3A_657 : vector<1x16xf32> to vector<16xf32>
        %add3A_659 = arith.addf %add3A_631, %get3A_658 : vector<16xf32>
        %add3A_660 = arith.constant 6 : i32
        %add3A_661 = arith.addi %mul3A_470, %add3A_660 : i32
        %get3A_662 = arith.index_cast %add3A_661 : i32 to index
        %get3A_663 = arith.constant 48 : index
        %get3A_664 = tpu.vector_load %arg11[%get3A_662, %get3A_663] {strides = array<i32>} : memref<128x128xf32, #tpu.memory_space<vmem>>, vector<1x16xf32>,
        %get3A_665 = vector.shape_cast %get3A_664 : vector<1x16xf32> to vector<16xf32>
        %add3A_666 = arith.addf %add3A_638, %get3A_665 : vector<16xf32>
        %add3A_667 = arith.constant 7 : i32
        %add3A_668 = arith.addi %mul3A_470, %add3A_667 : i32
        %get3A_669 = arith.index_cast %add3A_668 : i32 to index
        %get3A_670 = arith.constant 0 : index
        %get3A_671 = tpu.vector_load %arg11[%get3A_669, %get3A_670] {strides = array<i32>} : memref<128x128xf32, #tpu.memory_space<vmem>>, vector<1x16xf32>,
        %get3A_672 = vector.shape_cast %get3A_671 : vector<1x16xf32> to vector<16xf32>
        %add3A_673 = arith.addf %add3A_645, %get3A_672 : vector<16xf32>
        %add3A_674 = arith.constant 7 : i32
        %add3A_675 = arith.addi %mul3A_470, %add3A_674 : i32
        %get3A_676 = arith.index_cast %add3A_675 : i32 to index
        %get3A_677 = arith.constant 16 : index
        %get3A_678 = tpu.vector_load %arg11[%get3A_676, %get3A_677] {strides = array<i32>} : memref<128x128xf32, #tpu.memory_space<vmem>>, vector<1x16xf32>,
        %get3A_679 = vector.shape_cast %get3A_678 : vector<1x16xf32> to vector<16xf32>
        %add3A_680 = arith.addf %add3A_652, %get3A_679 : vector<16xf32>
        %add3A_681 = arith.constant 7 : i32
        %add3A_682 = arith.addi %mul3A_470, %add3A_681 : i32
        %get3A_683 = arith.index_cast %add3A_682 : i32 to index
        %get3A_684 = arith.constant 32 : index
        %get3A_685 = tpu.vector_load %arg11[%get3A_683, %get3A_684] {strides = array<i32>} : memref<128x128xf32, #tpu.memory_space<vmem>>, vector<1x16xf32>,
        %get3A_686 = vector.shape_cast %get3A_685 : vector<1x16xf32> to vector<16xf32>
        %add3A_687 = arith.addf %add3A_659, %get3A_686 : vector<16xf32>
        %add3A_688 = arith.constant 7 : i32
        %add3A_689 = arith.addi %mul3A_470, %add3A_688 : i32
        %get3A_690 = arith.index_cast %add3A_689 : i32 to index
        %get3A_691 = arith.constant 48 : index
        %get3A_692 = tpu.vector_load %arg11[%get3A_690, %get3A_691] {strides = array<i32>} : memref<128x128xf32, #tpu.memory_space<vmem>>, vector<1x16xf32>,
        %get3A_693 = vector.shape_cast %get3A_692 : vector<1x16xf32> to vector<16xf32>
        %add3A_694 = arith.addf %add3A_666, %get3A_693 : vector<16xf32>
        %add3A_695 = arith.constant 8 : i32
        %add3A_696 = arith.addi %mul3A_470, %add3A_695 : i32
        %get3A_697 = arith.index_cast %add3A_696 : i32 to index
        %get3A_698 = arith.constant 0 : index
        %get3A_699 = tpu.vector_load %arg11[%get3A_697, %get3A_698] {strides = array<i32>} : memref<128x128xf32, #tpu.memory_space<vmem>>, vector<1x16xf32>,
        %get3A_700 = vector.shape_cast %get3A_699 : vector<1x16xf32> to vector<16xf32>
        %add3A_701 = arith.addf %add3A_673, %get3A_700 : vector<16xf32>
        %add3A_702 = arith.constant 8 : i32
        %add3A_703 = arith.addi %mul3A_470, %add3A_702 : i32
        %get3A_704 = arith.index_cast %add3A_703 : i32 to index
        %get3A_705 = arith.constant 16 : index
        %get3A_706 = tpu.vector_load %arg11[%get3A_704, %get3A_705] {strides = array<i32>} : memref<128x128xf32, #tpu.memory_space<vmem>>, vector<1x16xf32>,
        %get3A_707 = vector.shape_cast %get3A_706 : vector<1x16xf32> to vector<16xf32>
        %add3A_708 = arith.addf %add3A_680, %get3A_707 : vector<16xf32>
        %add3A_709 = arith.constant 8 : i32
        %add3A_710 = arith.addi %mul3A_470, %add3A_709 : i32
        %get3A_711 = arith.index_cast %add3A_710 : i32 to index
        %get3A_712 = arith.constant 32 : index
        %get3A_713 = tpu.vector_load %arg11[%get3A_711, %get3A_712] {strides = array<i32>} : memref<128x128xf32, #tpu.memory_space<vmem>>, vector<1x16xf32>,
        %get3A_714 = vector.shape_cast %get3A_713 : vector<1x16xf32> to vector<16xf32>
        %add3A_715 = arith.addf %add3A_687, %get3A_714 : vector<16xf32>
        %add3A_716 = arith.constant 8 : i32
        %add3A_717 = arith.addi %mul3A_470, %add3A_716 : i32
        %get3A_718 = arith.index_cast %add3A_717 : i32 to index
        %get3A_719 = arith.constant 48 : index
        %get3A_720 = tpu.vector_load %arg11[%get3A_718, %get3A_719] {strides = array<i32>} : memref<128x128xf32, #tpu.memory_space<vmem>>, vector<1x16xf32>,
        %get3A_721 = vector.shape_cast %get3A_720 : vector<1x16xf32> to vector<16xf32>
        %add3A_722 = arith.addf %add3A_694, %get3A_721 : vector<16xf32>
        %add3A_723 = arith.constant 9 : i32
        %add3A_724 = arith.addi %mul3A_470, %add3A_723 : i32
        %get3A_725 = arith.index_cast %add3A_724 : i32 to index
        %get3A_726 = arith.constant 0 : index
        %get3A_727 = tpu.vector_load %arg11[%get3A_725, %get3A_726] {strides = array<i32>} : memref<128x128xf32, #tpu.memory_space<vmem>>, vector<1x16xf32>,
        %get3A_728 = vector.shape_cast %get3A_727 : vector<1x16xf32> to vector<16xf32>
        %add3A_729 = arith.addf %add3A_701, %get3A_728 : vector<16xf32>
        %add3A_730 = arith.constant 9 : i32
        %add3A_731 = arith.addi %mul3A_470, %add3A_730 : i32
        %get3A_732 = arith.index_cast %add3A_731 : i32 to index
        %get3A_733 = arith.constant 16 : index
        %get3A_734 = tpu.vector_load %arg11[%get3A_732, %get3A_733] {strides = array<i32>} : memref<128x128xf32, #tpu.memory_space<vmem>>, vector<1x16xf32>,
        %get3A_735 = vector.shape_cast %get3A_734 : vector<1x16xf32> to vector<16xf32>
        %add3A_736 = arith.addf %add3A_708, %get3A_735 : vector<16xf32>
        %add3A_737 = arith.constant 9 : i32
        %add3A_738 = arith.addi %mul3A_470, %add3A_737 : i32
        %get3A_739 = arith.index_cast %add3A_738 : i32 to index
        %get3A_740 = arith.constant 32 : index
        %get3A_741 = tpu.vector_load %arg11[%get3A_739, %get3A_740] {strides = array<i32>} : memref<128x128xf32, #tpu.memory_space<vmem>>, vector<1x16xf32>,
        %get3A_742 = vector.shape_cast %get3A_741 : vector<1x16xf32> to vector<16xf32>
        %add3A_743 = arith.addf %add3A_715, %get3A_742 : vector<16xf32>
        %add3A_744 = arith.constant 9 : i32
        %add3A_745 = arith.addi %mul3A_470, %add3A_744 : i32
        %get3A_746 = arith.index_cast %add3A_745 : i32 to index
        %get3A_747 = arith.constant 48 : index
        %get3A_748 = tpu.vector_load %arg11[%get3A_746, %get3A_747] {strides = array<i32>} : memref<128x128xf32, #tpu.memory_space<vmem>>, vector<1x16xf32>,
        %get3A_749 = vector.shape_cast %get3A_748 : vector<1x16xf32> to vector<16xf32>
        %add3A_750 = arith.addf %add3A_722, %get3A_749 : vector<16xf32>
        %add3A_751 = arith.constant 10 : i32
        %add3A_752 = arith.addi %mul3A_470, %add3A_751 : i32
        %get3A_753 = arith.index_cast %add3A_752 : i32 to index
        %get3A_754 = arith.constant 0 : index
        %get3A_755 = tpu.vector_load %arg11[%get3A_753, %get3A_754] {strides = array<i32>} : memref<128x128xf32, #tpu.memory_space<vmem>>, vector<1x16xf32>,
        %get3A_756 = vector.shape_cast %get3A_755 : vector<1x16xf32> to vector<16xf32>
        %add3A_757 = arith.addf %add3A_729, %get3A_756 : vector<16xf32>
        %add3A_758 = arith.constant 10 : i32
        %add3A_759 = arith.addi %mul3A_470, %add3A_758 : i32
        %get3A_760 = arith.index_cast %add3A_759 : i32 to index
        %get3A_761 = arith.constant 16 : index
        %get3A_762 = tpu.vector_load %arg11[%get3A_760, %get3A_761] {strides = array<i32>} : memref<128x128xf32, #tpu.memory_space<vmem>>, vector<1x16xf32>,
        %get3A_763 = vector.shape_cast %get3A_762 : vector<1x16xf32> to vector<16xf32>
        %add3A_764 = arith.addf %add3A_736, %get3A_763 : vector<16xf32>
        %add3A_765 = arith.constant 10 : i32
        %add3A_766 = arith.addi %mul3A_470, %add3A_765 : i32
        %get3A_767 = arith.index_cast %add3A_766 : i32 to index
        %get3A_768 = arith.constant 32 : index
        %get3A_769 = tpu.vector_load %arg11[%get3A_767, %get3A_768] {strides = array<i32>} : memref<128x128xf32, #tpu.memory_space<vmem>>, vector<1x16xf32>,
        %get3A_770 = vector.shape_cast %get3A_769 : vector<1x16xf32> to vector<16xf32>
        %add3A_771 = arith.addf %add3A_743, %get3A_770 : vector<16xf32>
        %add3A_772 = arith.constant 10 : i32
        %add3A_773 = arith.addi %mul3A_470, %add3A_772 : i32
        %get3A_774 = arith.index_cast %add3A_773 : i32 to index
        %get3A_775 = arith.constant 48 : index
        %get3A_776 = tpu.vector_load %arg11[%get3A_774, %get3A_775] {strides = array<i32>} : memref<128x128xf32, #tpu.memory_space<vmem>>, vector<1x16xf32>,
        %get3A_777 = vector.shape_cast %get3A_776 : vector<1x16xf32> to vector<16xf32>
        %add3A_778 = arith.addf %add3A_750, %get3A_777 : vector<16xf32>
        %add3A_779 = arith.constant 11 : i32
        %add3A_780 = arith.addi %mul3A_470, %add3A_779 : i32
        %get3A_781 = arith.index_cast %add3A_780 : i32 to index
        %get3A_782 = arith.constant 0 : index
        %get3A_783 = tpu.vector_load %arg11[%get3A_781, %get3A_782] {strides = array<i32>} : memref<128x128xf32, #tpu.memory_space<vmem>>, vector<1x16xf32>,
        %get3A_784 = vector.shape_cast %get3A_783 : vector<1x16xf32> to vector<16xf32>
        %add3A_785 = arith.addf %add3A_757, %get3A_784 : vector<16xf32>
        %add3A_786 = arith.constant 11 : i32
        %add3A_787 = arith.addi %mul3A_470, %add3A_786 : i32
        %get3A_788 = arith.index_cast %add3A_787 : i32 to index
        %get3A_789 = arith.constant 16 : index
        %get3A_790 = tpu.vector_load %arg11[%get3A_788, %get3A_789] {strides = array<i32>} : memref<128x128xf32, #tpu.memory_space<vmem>>, vector<1x16xf32>,
        %get3A_791 = vector.shape_cast %get3A_790 : vector<1x16xf32> to vector<16xf32>
        %add3A_792 = arith.addf %add3A_764, %get3A_791 : vector<16xf32>
        %add3A_793 = arith.constant 11 : i32
        %add3A_794 = arith.addi %mul3A_470, %add3A_793 : i32
        %get3A_795 = arith.index_cast %add3A_794 : i32 to index
        %get3A_796 = arith.constant 32 : index
        %get3A_797 = tpu.vector_load %arg11[%get3A_795, %get3A_796] {strides = array<i32>} : memref<128x128xf32, #tpu.memory_space<vmem>>, vector<1x16xf32>,
        %get3A_798 = vector.shape_cast %get3A_797 : vector<1x16xf32> to vector<16xf32>
        %add3A_799 = arith.addf %add3A_771, %get3A_798 : vector<16xf32>
        %add3A_800 = arith.constant 11 : i32
        %add3A_801 = arith.addi %mul3A_470, %add3A_800 : i32
        %get3A_802 = arith.index_cast %add3A_801 : i32 to index
        %get3A_803 = arith.constant 48 : index
        %get3A_804 = tpu.vector_load %arg11[%get3A_802, %get3A_803] {strides = array<i32>} : memref<128x128xf32, #tpu.memory_space<vmem>>, vector<1x16xf32>,
        %get3A_805 = vector.shape_cast %get3A_804 : vector<1x16xf32> to vector<16xf32>
        %add3A_806 = arith.addf %add3A_778, %get3A_805 : vector<16xf32>
        %add3A_807 = arith.constant 12 : i32
        %add3A_808 = arith.addi %mul3A_470, %add3A_807 : i32
        %get3A_809 = arith.index_cast %add3A_808 : i32 to index
        %get3A_810 = arith.constant 0 : index
        %get3A_811 = tpu.vector_load %arg11[%get3A_809, %get3A_810] {strides = array<i32>} : memref<128x128xf32, #tpu.memory_space<vmem>>, vector<1x16xf32>,
        %get3A_812 = vector.shape_cast %get3A_811 : vector<1x16xf32> to vector<16xf32>
        %add3A_813 = arith.addf %add3A_785, %get3A_812 : vector<16xf32>
        %add3A_814 = arith.constant 12 : i32
        %add3A_815 = arith.addi %mul3A_470, %add3A_814 : i32
        %get3A_816 = arith.index_cast %add3A_815 : i32 to index
        %get3A_817 = arith.constant 16 : index
        %get3A_818 = tpu.vector_load %arg11[%get3A_816, %get3A_817] {strides = array<i32>} : memref<128x128xf32, #tpu.memory_space<vmem>>, vector<1x16xf32>,
        %get3A_819 = vector.shape_cast %get3A_818 : vector<1x16xf32> to vector<16xf32>
        %add3A_820 = arith.addf %add3A_792, %get3A_819 : vector<16xf32>
        %add3A_821 = arith.constant 12 : i32
        %add3A_822 = arith.addi %mul3A_470, %add3A_821 : i32
        %get3A_823 = arith.index_cast %add3A_822 : i32 to index
        %get3A_824 = arith.constant 32 : index
        %get3A_825 = tpu.vector_load %arg11[%get3A_823, %get3A_824] {strides = array<i32>} : memref<128x128xf32, #tpu.memory_space<vmem>>, vector<1x16xf32>,
        %get3A_826 = vector.shape_cast %get3A_825 : vector<1x16xf32> to vector<16xf32>
        %add3A_827 = arith.addf %add3A_799, %get3A_826 : vector<16xf32>
        %add3A_828 = arith.constant 12 : i32
        %add3A_829 = arith.addi %mul3A_470, %add3A_828 : i32
        %get3A_830 = arith.index_cast %add3A_829 : i32 to index
        %get3A_831 = arith.constant 48 : index
        %get3A_832 = tpu.vector_load %arg11[%get3A_830, %get3A_831] {strides = array<i32>} : memref<128x128xf32, #tpu.memory_space<vmem>>, vector<1x16xf32>,
        %get3A_833 = vector.shape_cast %get3A_832 : vector<1x16xf32> to vector<16xf32>
        %add3A_834 = arith.addf %add3A_806, %get3A_833 : vector<16xf32>
        %add3A_835 = arith.constant 13 : i32
        %add3A_836 = arith.addi %mul3A_470, %add3A_835 : i32
        %get3A_837 = arith.index_cast %add3A_836 : i32 to index
        %get3A_838 = arith.constant 0 : index
        %get3A_839 = tpu.vector_load %arg11[%get3A_837, %get3A_838] {strides = array<i32>} : memref<128x128xf32, #tpu.memory_space<vmem>>, vector<1x16xf32>,
        %get3A_840 = vector.shape_cast %get3A_839 : vector<1x16xf32> to vector<16xf32>
        %add3A_841 = arith.addf %add3A_813, %get3A_840 : vector<16xf32>
        %add3A_842 = arith.constant 13 : i32
        %add3A_843 = arith.addi %mul3A_470, %add3A_842 : i32
        %get3A_844 = arith.index_cast %add3A_843 : i32 to index
        %get3A_845 = arith.constant 16 : index
        %get3A_846 = tpu.vector_load %arg11[%get3A_844, %get3A_845] {strides = array<i32>} : memref<128x128xf32, #tpu.memory_space<vmem>>, vector<1x16xf32>,
        %get3A_847 = vector.shape_cast %get3A_846 : vector<1x16xf32> to vector<16xf32>
        %add3A_848 = arith.addf %add3A_820, %get3A_847 : vector<16xf32>
        %add3A_849 = arith.constant 13 : i32
        %add3A_850 = arith.addi %mul3A_470, %add3A_849 : i32
        %get3A_851 = arith.index_cast %add3A_850 : i32 to index
        %get3A_852 = arith.constant 32 : index
        %get3A_853 = tpu.vector_load %arg11[%get3A_851, %get3A_852] {strides = array<i32>} : memref<128x128xf32, #tpu.memory_space<vmem>>, vector<1x16xf32>,
        %get3A_854 = vector.shape_cast %get3A_853 : vector<1x16xf32> to vector<16xf32>
        %add3A_855 = arith.addf %add3A_827, %get3A_854 : vector<16xf32>
        %add3A_856 = arith.constant 13 : i32
        %add3A_857 = arith.addi %mul3A_470, %add3A_856 : i32
        %get3A_858 = arith.index_cast %add3A_857 : i32 to index
        %get3A_859 = arith.constant 48 : index
        %get3A_860 = tpu.vector_load %arg11[%get3A_858, %get3A_859] {strides = array<i32>} : memref<128x128xf32, #tpu.memory_space<vmem>>, vector<1x16xf32>,
        %get3A_861 = vector.shape_cast %get3A_860 : vector<1x16xf32> to vector<16xf32>
        %add3A_862 = arith.addf %add3A_834, %get3A_861 : vector<16xf32>
        %add3A_863 = arith.constant 14 : i32
        %add3A_864 = arith.addi %mul3A_470, %add3A_863 : i32
        %get3A_865 = arith.index_cast %add3A_864 : i32 to index
        %get3A_866 = arith.constant 0 : index
        %get3A_867 = tpu.vector_load %arg11[%get3A_865, %get3A_866] {strides = array<i32>} : memref<128x128xf32, #tpu.memory_space<vmem>>, vector<1x16xf32>,
        %get3A_868 = vector.shape_cast %get3A_867 : vector<1x16xf32> to vector<16xf32>
        %add3A_869 = arith.addf %add3A_841, %get3A_868 : vector<16xf32>
        %add3A_870 = arith.constant 14 : i32
        %add3A_871 = arith.addi %mul3A_470, %add3A_870 : i32
        %get3A_872 = arith.index_cast %add3A_871 : i32 to index
        %get3A_873 = arith.constant 16 : index
        %get3A_874 = tpu.vector_load %arg11[%get3A_872, %get3A_873] {strides = array<i32>} : memref<128x128xf32, #tpu.memory_space<vmem>>, vector<1x16xf32>,
        %get3A_875 = vector.shape_cast %get3A_874 : vector<1x16xf32> to vector<16xf32>
        %add3A_876 = arith.addf %add3A_848, %get3A_875 : vector<16xf32>
        %add3A_877 = arith.constant 14 : i32
        %add3A_878 = arith.addi %mul3A_470, %add3A_877 : i32
        %get3A_879 = arith.index_cast %add3A_878 : i32 to index
        %get3A_880 = arith.constant 32 : index
        %get3A_881 = tpu.vector_load %arg11[%get3A_879, %get3A_880] {strides = array<i32>} : memref<128x128xf32, #tpu.memory_space<vmem>>, vector<1x16xf32>,
        %get3A_882 = vector.shape_cast %get3A_881 : vector<1x16xf32> to vector<16xf32>
        %add3A_883 = arith.addf %add3A_855, %get3A_882 : vector<16xf32>
        %add3A_884 = arith.constant 14 : i32
        %add3A_885 = arith.addi %mul3A_470, %add3A_884 : i32
        %get3A_886 = arith.index_cast %add3A_885 : i32 to index
        %get3A_887 = arith.constant 48 : index
        %get3A_888 = tpu.vector_load %arg11[%get3A_886, %get3A_887] {strides = array<i32>} : memref<128x128xf32, #tpu.memory_space<vmem>>, vector<1x16xf32>,
        %get3A_889 = vector.shape_cast %get3A_888 : vector<1x16xf32> to vector<16xf32>
        %add3A_890 = arith.addf %add3A_862, %get3A_889 : vector<16xf32>
        %add3A_891 = arith.constant 15 : i32
        %add3A_892 = arith.addi %mul3A_470, %add3A_891 : i32
        %get3A_893 = arith.index_cast %add3A_892 : i32 to index
        %get3A_894 = arith.constant 0 : index
        %get3A_895 = tpu.vector_load %arg11[%get3A_893, %get3A_894] {strides = array<i32>} : memref<128x128xf32, #tpu.memory_space<vmem>>, vector<1x16xf32>,
        %get3A_896 = vector.shape_cast %get3A_895 : vector<1x16xf32> to vector<16xf32>
        %add3A_897 = arith.addf %add3A_869, %get3A_896 : vector<16xf32>
        %add3A_898 = arith.constant 15 : i32
        %add3A_899 = arith.addi %mul3A_470, %add3A_898 : i32
        %get3A_900 = arith.index_cast %add3A_899 : i32 to index
        %get3A_901 = arith.constant 16 : index
        %get3A_902 = tpu.vector_load %arg11[%get3A_900, %get3A_901] {strides = array<i32>} : memref<128x128xf32, #tpu.memory_space<vmem>>, vector<1x16xf32>,
        %get3A_903 = vector.shape_cast %get3A_902 : vector<1x16xf32> to vector<16xf32>
        %add3A_904 = arith.addf %add3A_876, %get3A_903 : vector<16xf32>
        %add3A_905 = arith.constant 15 : i32
        %add3A_906 = arith.addi %mul3A_470, %add3A_905 : i32
        %get3A_907 = arith.index_cast %add3A_906 : i32 to index
        %get3A_908 = arith.constant 32 : index
        %get3A_909 = tpu.vector_load %arg11[%get3A_907, %get3A_908] {strides = array<i32>} : memref<128x128xf32, #tpu.memory_space<vmem>>, vector<1x16xf32>,
        %get3A_910 = vector.shape_cast %get3A_909 : vector<1x16xf32> to vector<16xf32>
        %add3A_911 = arith.addf %add3A_883, %get3A_910 : vector<16xf32>
        %add3A_912 = arith.constant 15 : i32
        %add3A_913 = arith.addi %mul3A_470, %add3A_912 : i32
        %get3A_914 = arith.index_cast %add3A_913 : i32 to index
        %get3A_915 = arith.constant 48 : index
        %get3A_916 = tpu.vector_load %arg11[%get3A_914, %get3A_915] {strides = array<i32>} : memref<128x128xf32, #tpu.memory_space<vmem>>, vector<1x16xf32>,
        %get3A_917 = vector.shape_cast %get3A_916 : vector<1x16xf32> to vector<16xf32>
        %add3A_918 = arith.addf %add3A_890, %get3A_917 : vector<16xf32>
        scf.yield %add3A_897, %add3A_904, %add3A_911, %add3A_918 : vector<16xf32>, vector<16xf32>, vector<16xf32>, vector<16xf32>
      }
      %scan3A_423 = arith.constant 8 : i32
      %get3A_424 = arith.index_cast %select_n3A_415 : i32 to index
      %get3A_425 = arith.constant 0 : index
      %get3A_426 = tpu.vector_load %arg12[%get3A_424, %get3A_425] {strides = array<i32>} : memref<56x64xf32, #tpu.memory_space<vmem>>, vector<1x16xf32>,
      %get3A_427 = vector.shape_cast %get3A_426 : vector<1x16xf32> to vector<16xf32>
      %add3A_428 = arith.addf %get3A_427, %scan3A_422#0 : vector<16xf32>
      %swap3A_429 = arith.index_cast %select_n3A_415 : i32 to index
      %swap3A_430 = arith.constant 0 : index
      %swap3A_431 = tpu.vector_load %arg12[%swap3A_429, %swap3A_430] {strides = array<i32>} : memref<56x64xf32, #tpu.memory_space<vmem>>, vector<1x16xf32>,
      %swap3A_432 = vector.shape_cast %swap3A_431 : vector<1x16xf32> to vector<16xf32>
      %swap3A_433 = vector.shape_cast %add3A_428 : vector<16xf32> to vector<1x16xf32>
      tpu.vector_store %arg12[%swap3A_429, %swap3A_430], %swap3A_433 {strides = array<i32>} : memref<56x64xf32, #tpu.memory_space<vmem>>, vector<1x16xf32>,
      %get3A_434 = arith.index_cast %select_n3A_415 : i32 to index
      %get3A_435 = arith.constant 16 : index
      %get3A_436 = tpu.vector_load %arg12[%get3A_434, %get3A_435] {strides = array<i32>} : memref<56x64xf32, #tpu.memory_space<vmem>>, vector<1x16xf32>,
      %get3A_437 = vector.shape_cast %get3A_436 : vector<1x16xf32> to vector<16xf32>
      %add3A_438 = arith.addf %get3A_437, %scan3A_422#1 : vector<16xf32>
      %swap3A_439 = arith.index_cast %select_n3A_415 : i32 to index
      %swap3A_440 = arith.constant 16 : index
      %swap3A_441 = tpu.vector_load %arg12[%swap3A_439, %swap3A_440] {strides = array<i32>} : memref<56x64xf32, #tpu.memory_space<vmem>>, vector<1x16xf32>,
      %swap3A_442 = vector.shape_cast %swap3A_441 : vector<1x16xf32> to vector<16xf32>
      %swap3A_443 = vector.shape_cast %add3A_438 : vector<16xf32> to vector<1x16xf32>
      tpu.vector_store %arg12[%swap3A_439, %swap3A_440], %swap3A_443 {strides = array<i32>} : memref<56x64xf32, #tpu.memory_space<vmem>>, vector<1x16xf32>,
      %get3A_444 = arith.index_cast %select_n3A_415 : i32 to index
      %get3A_445 = arith.constant 32 : index
      %get3A_446 = tpu.vector_load %arg12[%get3A_444, %get3A_445] {strides = array<i32>} : memref<56x64xf32, #tpu.memory_space<vmem>>, vector<1x16xf32>,
      %get3A_447 = vector.shape_cast %get3A_446 : vector<1x16xf32> to vector<16xf32>
      %add3A_448 = arith.addf %get3A_447, %scan3A_422#2 : vector<16xf32>
      %swap3A_449 = arith.index_cast %select_n3A_415 : i32 to index
      %swap3A_450 = arith.constant 32 : index
      %swap3A_451 = tpu.vector_load %arg12[%swap3A_449, %swap3A_450] {strides = array<i32>} : memref<56x64xf32, #tpu.memory_space<vmem>>, vector<1x16xf32>,
      %swap3A_452 = vector.shape_cast %swap3A_451 : vector<1x16xf32> to vector<16xf32>
      %swap3A_453 = vector.shape_cast %add3A_448 : vector<16xf32> to vector<1x16xf32>
      tpu.vector_store %arg12[%swap3A_449, %swap3A_450], %swap3A_453 {strides = array<i32>} : memref<56x64xf32, #tpu.memory_space<vmem>>, vector<1x16xf32>,
      %get3A_454 = arith.index_cast %select_n3A_415 : i32 to index
      %get3A_455 = arith.constant 48 : index
      %get3A_456 = tpu.vector_load %arg12[%get3A_454, %get3A_455] {strides = array<i32>} : memref<56x64xf32, #tpu.memory_space<vmem>>, vector<1x16xf32>,
      %get3A_457 = vector.shape_cast %get3A_456 : vector<1x16xf32> to vector<16xf32>
      %add3A_458 = arith.addf %get3A_457, %scan3A_422#3 : vector<16xf32>
      %swap3A_459 = arith.index_cast %select_n3A_415 : i32 to index
      %swap3A_460 = arith.constant 48 : index
      %swap3A_461 = tpu.vector_load %arg12[%swap3A_459, %swap3A_460] {strides = array<i32>} : memref<56x64xf32, #tpu.memory_space<vmem>>, vector<1x16xf32>,
      %swap3A_462 = vector.shape_cast %swap3A_461 : vector<1x16xf32> to vector<16xf32>
      %swap3A_463 = vector.shape_cast %add3A_458 : vector<16xf32> to vector<1x16xf32>
      tpu.vector_store %arg12[%swap3A_459, %swap3A_460], %swap3A_463 {strides = array<i32>} : memref<56x64xf32, #tpu.memory_space<vmem>>, vector<1x16xf32>,
    }
    %scan3A_33 = arith.constant 40 : i32
    "tpu.region"() ({
      %run_scoped3A = tpu.sem_alloc : memref<!tpu.dma_semaphore, #tpu.memory_space<semaphore_mem>>
      %dma_start3A_34 = arith.constant 0 : i32
      %dma_start3A_35 = arith.constant 0 : i32
      %dma_start3A_36 = tpu.memref_slice %arg5[%add3A, %dma_start3A_34, %dma_start3A_35] : memref<32x56x64xf32, #tpu.memory_space<hbm>> -> memref<1x56x64xf32, #tpu.memory_space<hbm>>
      %dma_start3A_37 = tpu.memref_squeeze %dma_start3A_36 : memref<1x56x64xf32, #tpu.memory_space<hbm>> -> memref<56x64xf32, #tpu.memory_space<hbm>>
      %dma_start3A_38 = arith.constant 0 : i32
      %dma_start3A_39 = arith.constant 0 : i32
      %dma_start3A_40 = tpu.memref_slice %arg5[%add3A, %dma_start3A_38, %dma_start3A_39] : memref<32x56x64xf32, #tpu.memory_space<hbm>> -> memref<1x56x64xf32, #tpu.memory_space<hbm>>
      %dma_start3A_41 = tpu.memref_squeeze %dma_start3A_40 : memref<1x56x64xf32, #tpu.memory_space<hbm>> -> memref<56x64xf32, #tpu.memory_space<hbm>>
      tpu.enqueue_dma source(%arg12 : memref<56x64xf32, #tpu.memory_space<vmem>>) target(%dma_start3A_41 : memref<56x64xf32, #tpu.memory_space<hbm>>) target_semaphore(%run_scoped3A : memref<!tpu.dma_semaphore, #tpu.memory_space<semaphore_mem>>)
      %dma_wait3A = arith.constant 0 : i32
      %dma_wait3A_42 = arith.constant 0 : i32
      %dma_wait3A_43 = tpu.memref_slice %arg5[%add3A, %dma_wait3A, %dma_wait3A_42] : memref<32x56x64xf32, #tpu.memory_space<hbm>> -> memref<1x56x64xf32, #tpu.memory_space<hbm>>
      %dma_wait3A_44 = tpu.memref_squeeze %dma_wait3A_43 : memref<1x56x64xf32, #tpu.memory_space<hbm>> -> memref<56x64xf32, #tpu.memory_space<hbm>>
      %dma_wait3A_45 = arith.constant 0 : i32
      %dma_wait3A_46 = arith.constant 0 : i32
      %dma_wait3A_47 = tpu.memref_slice %arg5[%add3A, %dma_wait3A_45, %dma_wait3A_46] : memref<32x56x64xf32, #tpu.memory_space<hbm>> -> memref<1x56x64xf32, #tpu.memory_space<hbm>>
      %dma_wait3A_48 = tpu.memref_squeeze %dma_wait3A_47 : memref<1x56x64xf32, #tpu.memory_space<hbm>> -> memref<56x64xf32, #tpu.memory_space<hbm>>
      tpu.wait_dma2 semaphore(%run_scoped3A : memref<!tpu.dma_semaphore, #tpu.memory_space<semaphore_mem>>) src(%arg12 : memref<56x64xf32, #tpu.memory_space<vmem>>) dst(%dma_wait3A_48 : memref<56x64xf32, #tpu.memory_space<hbm>>)
      tpu.yield
    }) : () -> ()
    return
  }
}

module attributes {stable_mosaic.version = 14 : i64} {
  func.func @body(%arg0: memref<32x56x64xf32, #tpu.memory_space<vmem>>, %arg1: memref<50x64xf32, #tpu.memory_space<vmem>>) attributes {dimension_semantics = [], scalar_prefetch = 0 : i64, scratch_operands = 0 : i64, tpu.core_type = #tpu.core_type<tc>} {
    %get3A = arith.constant 0 : index
    %get3A_0 = arith.constant 0 : index
    %get3A_1 = arith.constant 0 : index
    %get3A_2 = vector.load %arg0[%get3A, %get3A_0, %get3A_1] : memref<32x56x64xf32, #tpu.memory_space<vmem>>, vector<32x50x64xf32>
    %reduce_sum3A = arith.constant dense<0.000000e+00> : vector<50x64xf32>
    %reduce_sum3A_3 = vector.multi_reduction <add>, %get3A_2, %reduce_sum3A [0] : vector<32x50x64xf32> to vector<50x64xf32>
    %mul3A = arith.constant 6.10351563E-5 : f32
    %mul3A_4 = vector.broadcast %mul3A : f32 to vector<50x64xf32>
    %mul3A_5 = arith.mulf %reduce_sum3A_3, %mul3A_4 : vector<50x64xf32>
    %swap3A = arith.constant 0 : index
    %swap3A_6 = arith.constant 0 : index
    %swap3A_7 = vector.load %arg1[%swap3A, %swap3A_6] : memref<50x64xf32, #tpu.memory_space<vmem>>, vector<50x64xf32>
    tpu.vector_store %arg1[%swap3A, %swap3A_6], %mul3A_5 {strides = array<i32>} : memref<50x64xf32, #tpu.memory_space<vmem>>, vector<50x64xf32>,
    return
  }
}

</mosaic_0001>

<sc_bundles>
// kernel: kernel.4.cloned.1.call-start
scs
__scs_entry_jumppad:
0x0: {  	(pc) =	sbr.rel $0x88, $3  }
0x1: {  	(tag) =	ssettag $0x0;
	lr =	simm.s32 $0x1  }
0x2: {  	[smem:$0x3F9F] =	sst lr;
	_ =	strace $0xD0000000  }
0x3: {  	_ = 	snop  }
0x4: {  	_ = 	snop  }
0x5: {  	_ = 	snop  }
0x6: {  	_ = 	snop  }
0x7: {  	_ = 	snop  }
__scs_overlays_trampoline_lowered:
0x8: {  	[smem:$0x3FAE] =	sst s0  }
0x9: {  	[smem:$0x3FAF] =	sst s1  }
0xa: {  	[smem:$0x3FB0] =	sst s2  }
0xb: {  	[smem:$0x3FB1] =	sst s3  }
0xc: {  	[smem:$0x3FB2] =	sst s4  }
0xd: {  	[smem:$0x3FB3] =	sst s5  }
0xe: {  	[smem:$0x3FB4] =	sst s6  }
0xf: {  	[smem:$0x3FB5] =	sst s7  }
0x10: {  	[smem:$0x3FB6] =	sst s8  }
0x11: {  	[smem:$0x3FB7] =	sst s9;
	s0 =	simm.s32 @!p0 $0x0  }
0x12: {  	s1 =	sld [smem:$0x3F9D];
	s0 =	simm.s32 @p0 $0x1  }
0x13: {  	[smem:$0x3FB8] =	sst s0;
	s0 =	simm.s32 @!p1 $0x0  }
0x14: {  	s2 =	sld [smem:$0x3F9C];
	s0 =	simm.s32 @p1 $0x1  }
0x15: {  	[smem:$0x3FB9] =	sst s0;
	s0 =	simm.s32 @!p2 $0x0  }
0x16: {  	s3 =	sld [smem:$0x3FDB];
	s0 =	simm.s32 @p2 $0x1  }
0x17: {  	s4 =	simm.s32 $0x1BF5;
	[smem:$0x3FBB] =	sst s0  }
0x18: {  	s0 =	sld [smem:$0x3F9E];
	_ =	swait.ge [sflag:s4], $0x0  }
0x19: {  	s7 =	sld [smem:$0x3F9F]  }
0x1a: {  	s8 =	sadd.s32 $0xFFFFE003, lr  }
0x1b: {  	s9 =	sadd.s32 $0xFFFFFEF7, lr;
	s5 =	simm.s32 $0xFFFFFFFF;
	p2 =	slt.u32 s8, $0xFFFFF086  }
0x1c: {  	p1 =	slt.u32 s9, $0xF7A;
	s5 =	simm.s32 @!p2 $0x0  }
0x1d: {  	s5 =	simm.s32 @p1 $0x1;
	p0 =	seq.s32 s7, s2  }
0x1e: {  	s7 =	smul.u32 @!p0 $0xF7A, s2;
	p2 =	seq.s32 @!p0 s5, $0x0  }
0x1f: {  	s9 =	smul.u32 $0xF7A, s1;
	s8 =	simm.s32 @!p0 $0x1BF5;
	p2 =	por !p2, p0  }
0x20: {  	[sflag:s8] =	ssyncset.s32 @!p0 $0xFFFFF086;
	s6 =	sadd.s32 @!p0 s3, s7;
	s7 =	simm.s32 @!p0 $0x108  }
0x21: {  	s3 =	sadd.s32 s3, s9;
	s6 =	sadd.s32 @!p0 $0x88, s6;
	s7 =	simm.s32 @p2 $0x1082  }
0x22: {  	[simem:s7], [sflag:s8] =	dma.local @!p0 [hbm:s6], $0xF7A  }
0x23: {  	s9 =	sor.u32 $0xD0000000, s2;
	s6 =	simm.s32 $0x108;
	_ =	swait.ge @!p0 [sflag:s8], $0x0  }
0x24: {  	s3 =	sadd.s32 $0x88, s3;
	s6 =	simm.s32 @!p1 $0x1082;
	[sflag:s4] =	ssyncset.s32 $0xFFFFF086  }
0x25: {  	[simem:s6], [sflag:s4] =	dma.local [hbm:s3], $0xF7A  }
0x26: {  	[smem:$0x3F9F] =	sst s1;
	(tag) =	ssettag s2;
	_ =	strace s9  }
0x27: {  	s1 =	sld [smem:$0x3FAF]  }
0x28: {  	s2 =	sld [smem:$0x3FB0]  }
0x29: {  	s4 =	sld [smem:$0x3FB2]  }
0x2a: {  	p0 =	seq.s32 s5, $0x0;
	s5 =	sld [smem:$0x3FB3]  }
0x2b: {  	s6 =	sld [smem:$0x3FB4]  }
0x2c: {  	s7 =	sld [smem:$0x3FB5]  }
0x2d: {  	s3 =	simm.s32 $0x108;
	s8 =	sld [smem:$0x3FB6]  }
0x2e: {  	s3 =	simm.s32 @!p0 $0x1082;
	s9 =	sld [smem:$0x3FB7]  }
0x2f: {  	lr =	sadd.s32 s0, s3;
	s0 =	sld [smem:$0x3FAE]  }
0x30: {  	s3 =	sld [smem:$0x3FB1]  }
0x31: {  	[smem:$0x3FBA] =	sst s10  }
0x32: {  	s10 =	sld [smem:$0x3FB8];
	_ =	sdelay $0x3  }
0x33: {  	p0 =	seq.s32 s10, $0x1;
	s10 =	sld [smem:$0x3FBA];
	_ =	sdelay $0x3  }
0x34: {  	[smem:$0x3FBA] =	sst s10  }
0x35: {  	s10 =	sld [smem:$0x3FB9];
	_ =	sdelay $0x3  }
0x36: {  	p1 =	seq.s32 s10, $0x1;
	s10 =	sld [smem:$0x3FBA];
	_ =	sdelay $0x3  }
0x37: {  	[smem:$0x3FBA] =	sst s10  }
0x38: {  	s10 =	sld [smem:$0x3FBB]  }
0x39: {  	_ = 	snop;
	(pc) =	sbr.ind lr, $3  }
0x3a: {  	_ = 	snop  }
0x3b: {  	_ = 	snop  }
0x3c: {  	p2 =	seq.s32 s10, $0x1;
	s10 =	sld [smem:$0x3FBA]  }
0x3d: {  	_ =	shalt  }
0x3e: {  	_ =	shalt  }
0x3f: {  	_ =	shalt  }
0x40: {  	_ =	shalt  }
0x41: {  	_ =	shalt  }
0x42: {  	_ =	shalt  }
0x43: {  	_ =	shalt  }
0x44: {  	_ =	shalt  }
0x45: {  	_ =	shalt  }
0x46: {  	_ =	shalt  }
0x47: {  	_ =	shalt  }
0x48: {  	_ =	shalt  }
0x49: {  	_ =	shalt  }
0x4a: {  	_ =	shalt  }
0x4b: {  	_ =	shalt  }
0x4c: {  	_ =	shalt  }
0x4d: {  	_ =	shalt  }
0x4e: {  	_ =	shalt  }
0x4f: {  	_ =	shalt  }
0x50: {  	_ =	shalt  }
0x51: {  	_ =	shalt  }
0x52: {  	_ =	shalt  }
0x53: {  	_ =	shalt  }
0x54: {  	_ =	shalt  }
0x55: {  	_ =	shalt  }
0x56: {  	_ =	shalt  }
0x57: {  	_ =	shalt  }
0x58: {  	_ =	shalt  }
0x59: {  	_ =	shalt  }
0x5a: {  	_ =	shalt  }
0x5b: {  	_ =	shalt  }
0x5c: {  	_ =	shalt  }
0x5d: {  	_ =	shalt  }
0x5e: {  	_ =	shalt  }
0x5f: {  	_ =	shalt  }
0x60: {  	_ =	shalt  }
0x61: {  	_ =	shalt  }
0x62: {  	_ =	shalt  }
0x63: {  	_ =	shalt  }
0x64: {  	_ =	shalt  }
0x65: {  	_ =	shalt  }
0x66: {  	_ =	shalt  }
0x67: {  	_ =	shalt  }
0x68: {  	_ =	shalt  }
0x69: {  	_ =	shalt  }
0x6a: {  	_ =	shalt  }
0x6b: {  	_ =	shalt  }
0x6c: {  	_ =	shalt  }
0x6d: {  	_ =	shalt  }
0x6e: {  	_ =	shalt  }
0x6f: {  	_ =	shalt  }
0x70: {  	_ =	shalt  }
0x71: {  	_ =	shalt  }
0x72: {  	_ =	shalt  }
0x73: {  	_ =	shalt  }
0x74: {  	_ =	shalt  }
0x75: {  	_ =	shalt  }
0x76: {  	_ =	shalt  }
0x77: {  	_ =	shalt  }
0x78: {  	_ =	shalt  }
0x79: {  	_ =	shalt  }
0x7a: {  	_ =	shalt  }
0x7b: {  	_ =	shalt  }
0x7c: {  	_ =	shalt  }
0x7d: {  	_ =	shalt  }
0x7e: {  	_ =	shalt  }
0x7f: {  	_ =	shalt  }
0x80: {  	_ =	shalt  }
0x81: {  	_ =	shalt  }
0x82: {  	_ =	shalt  }
0x83: {  	_ =	shalt  }
0x84: {  	_ =	shalt  }
0x85: {  	_ =	shalt  }
0x86: {  	_ =	shalt  }
0x87: {  	_ =	shalt  }
.Lfunc_end0:
.L_simem_size_0:
called_computation_lowered:
.L_overlay_start_0:
0x88: {  	s2 =	sld [smem:$0x3FD9]  }
0x89: {  	s3 =	sld [smem:$0x3FFE];
	_ =	sdelay $0x1  }
0x8a: {  	s1 =	srdreg.scid  }
0x8b: {  	s0 =	sand.u32 $0x1, s1  }
0x8c: {  	s17 =	sshll.u32 s0, $0xA;
	s2 =	sadd.s32 s3, s2  }
0x8d: {  	s2 =	sadd.s32 s2, s17  }
0x8e: {  	[smem:$0x3FC6] =	sst s2  }
0x8f: {  	_ = 	snop  }
0x90: {  	s2 =	sld [smem:$0x3FD0];
	(tm) =	ssettm $0x1  }
0x91: {  	s18 =	sld [smem:$0x3FFB];
	_ =	sdelay $0x3  }
0x92: {  	_ =	strace s18  }
0x93: {  	s3 =	sld [smem:$0x3FFC];
	_ =	sdelay $0x3  }
0x94: {  	_ =	strace s3  }
0x95: {  	s3 =	sld [smem:$0x3FFD];
	_ =	sdelay $0x3  }
0x96: {  	_ =	strace s3  }
0x97: {  	_ =	strace $0x8FFFFFFF  }
0x98: {  	s19 =	sld [smem:$0x3FDB];
	_ =	sdelay $0x1  }
0x99: {  	s4 =	simm.s32 $_scs_section_size  }
0x9a: {  	s5 =	simm.s32 $_size__tile_overlayer_lowered;
	s6 =	simm.s32 $_tile_overlayer_lowered  }
0x9b: {  	s22 =	simm.s32 $0x1BFF;
	s21 =	sshll.u32 s6, $0x1;
	s3 =	sadd.s32 s4, s19  }
0x9c: {  	s7 =	simm.s32 $0x0;
	s20 =	sshll.u32 s5, $0x1;
	s5 =	sadd.s32 s21, s3  }
0x9d: {  	[timem:s7], [sflag:s22] =	dma.local [hbm:s5], s20  }
0x9e: {  	_ =	swait.ge [sflag:s22], s20  }
0x9f: {  	s4 =	ssub.s32 $0x0, s20;
	[sflag:s22] =	ssyncset.done $0x0  }
0xa0: {  	[sflag:s22] =	ssyncadd.s32 s4;
	_ =	sdelay $0x1  }
0xa1: {  	s23 =	simm.s32 $0x1B8B  }
0xa2: {  	_ =	swait.ge [sflag:s23], $0x1  }
0xa3: {  	[sflag:s23] =	ssyncset.done $0x0  }
0xa4: {  	s25 =	simm.s32 $0x1B8E;
	s24 =	sld [smem:$0x3FFE];
	[sflag:s23] =	ssyncadd.s32 $0xFFFFFFFF  }
0xa5: {  	s26 =	simm.s32 $execute0_lowered;
	[smem:$0x3FD2] =	sst s25  }
0xa6: {  	s5 =	sshll.u32 s26, $0x1;
	_ =	strace $0x80000046;
	[dreg:$0x1] =	wrdreg $0xFFFFFFFF  }
0xa7: {  	s28 =	simm.s32 $_size_execute0_lowered;
	s3 =	sadd.s32 s3, s5;
	[dreg:$0x0] =	wrdreg $0x0  }
0xa8: {  	s5 =	sshll.u32 s28, $0x1;
	[dreg:$0x2] =	wrdreg s3  }
0xa9: {  	[dreg:$0x3] =	wrdreg s5  }
0xaa: {  	[dreg:$0x4] =	wrdreg $0xC0  }
0xab: {  	_ =	task [dreg:s7], $0x5FFFF  }
0xac: {  	[dreg:$0x1] =	wrdreg $0xFFFFFFFF  }
0xad: {  	[dreg:$0x0] =	wrdreg $0x60  }
0xae: {  	[dreg:$0x2] =	wrdreg s24  }
0xaf: {  	[dreg:$0x3] =	wrdreg s2  }
0xb0: {  	[dreg:$0x4] =	wrdreg $0x9  }
0xb1: {  	_ =	task.clear_ibuf [dreg:s7], $0x5FFFF;
	_ =	strace $0x90000046  }
0xb2: {  	s29 =	simm.s32 $0x9;
	_ =	strace $0x80000048  }
0xb3: {  	_ =	swait.ge [sflag:s29], $0x1  }
0xb4: {  	[sflag:s29] =	ssyncadd.s32 $0xFFFFFFFF  }
0xb5: {  	_ =	strace $0x90000048  }
0xb6: {  	_ =	sfence  }
0xb7: {  	s30 =	sld [smem:$0x0];
	_ =	sdelay $0x2  }
0xb8: {  	s31 =	sshll.u32 s1, $0xD;
	s1 =	sshrl.u32 s1, $0x2  }
0xb9: {  	s3 =	sand.u32 $0x4000, s31;
	s1 =	sadd.s32 s1, s30  }
0xba: {  	s0 =	sor.u32 s3, s0;
	s1 =	sshll.u32 s1, $0x11  }
0xbb: {  	s0 =	sor.u32 s1, s0  }
0xbc: {  	s0 =	sadd.s32 $0x8F2B, s0  }
0xbd: {  	[sflag:s0] =	ssyncadd.remote.s32 $0x1  }
0xbe: {  	_ =	sfence.sel $0xFFFF  }
0xbf: {  	[dreg:$0x0] =	wrdreg $0xFFFFFFFF;
	(pc) =	sbr.abs _section_cstart, $3  }
0xc0: {  	[dreg:$0x1] =	wrdreg $0xFFFFFFFF  }
0xc1: {  	_ =	task.clear_ibuf [dreg:s7], $0x2FFFF;
	_ =	strace $0x9FFFFFFF  }
0xc2: {  	(tm) =	ssettm $0x7FFFFFFF  }
0xc3: {  	_ =	shalt  }
tec
execute0_lowered:
.L_overlay_start_1:
0x0: {  	(tag) =	ssettag $0x1  }
0x1: {  	s0 =	rddreg [dreg:$0x0]  }
0x2: {  	s1 =	srdreg.scid;
	s2 =	stileid.u32  }
0x3: {  	s3 =	simm.s32 $0x0;
	s12 =	simm.s32 $0x1A400;
	s13 =	simm.s32 $0x6  }
0x4: {  	s14 =	simm.s32 $0x80;
	s16 =	simm.s32 $0xA400;
	s17 =	simm.s32 $0x100  }
0x5: {  	s18 =	simm.s32 $0xE400;
	s19 =	simm.s32 $0x180;
	s20 =	simm.s32 $0x12400  }
0x6: {  	s21 =	simm.s32 $0x16400;
	s22 =	simm.s32 $0x1;
	s23 =	simm.s32 $0x2  }
0x7: {  	s24 =	simm.s32 $0x3;
	s1 =	sand.u32 $0x1, s1;
	s2 =	sshll.u32 s2, $0x1  }
0x8: {  	s25 =	simm.s32 $0x4;
	s26 =	simm.s32 $0x5;
	s2 =	sor.u32 s1, s2  }
0x9: {  	s28 =	simm.s32 $0x0;
	s1 =	ssub.s32 $0x2, s1;
	s4 =	smul.u32 $0xC80, s2  }
0xa: {  	[smem:$0x7FF] =	sst s3;
	s7 =	smul.u32 $0x380, s2;
	s8 =	sshrl.u32 s1, $0x1  }
0xb: {  	_ =	strace $0x80000047;
	s5 =	smul.u32 $0xC8, s2;
	s1 =	ssub.s32 s1, s8  }
0xc: {  	s6 =	sadd.s32 s4, s0;
	s4 =	sadd.s32 $0x19600, s0;
	s0 =	sadd.s32 s7, s0  }
0xd: {  	s7 =	sor.u32 $0x1, s5;
	s8 =	sor.u32 $0x2, s5;
	s9 =	sor.u32 $0x3, s5  }
0xe: {  	s11 =	smax.u32 s1, $0x1;
	s6 =	sadd.s32 $0x600, s6;
	s10 =	sadd.s32 $0xF5BA00, s0  }
.LBB2_1:
0xf: {  	s0 =	rddreg [dreg:$0x1]  }
0x10: {  	[tilespmem:s12], [sflag:$0x6] =	stream.linear.gather [hbm4b:s0+s3], $0x1C00, $0x38;
	[tilespmem:$0x1C000] =	vst v63  }
0x11: {  	_ =	swait.ge [sflag:s13], $0x1C00  }
0x12: {  	[sflag:s13] =	ssyncset.done $0x0  }
0x13: {  	[sflag:s13] =	ssyncadd.s32 $0xFFFFE400  }
0x14: {  	[tilespmem:s3], [sflag:$0x6] =	stream.linear.gather [hbm4b:s6+s3], $0x6400, $0x38;
	[tilespmem:$0x1C000] =	vst v63  }
0x15: {  	_ =	swait.ge [sflag:s13], $0x6400  }
0x16: {  	[sflag:s13] =	ssyncset.done $0x0  }
0x17: {  	s31 =	simm.s32 $0x6400;
	[sflag:s13] =	ssyncadd.s32 $0xFFFF9C00  }
0x18: {  	[tilespmem:s31], [sflag:$0x1] =	stream.indirect.gather [hbm4b:s4+s14], $0x80, s3, s14, $0xb8;
	[tilespmem:$0x1C000] =	vst v63  }
0x19: {  	_ = 	snop  }
0x1a: {  	[tilespmem:s16], [sflag:$0x2] =	stream.indirect.gather [hbm4b:s4+s14], $0x80, s14, s14, $0xb8;
	[tilespmem:$0x1C000] =	vst v63  }
0x1b: {  	_ = 	snop  }
0x1c: {  	[tilespmem:s18], [sflag:$0x3] =	stream.indirect.gather [hbm4b:s4+s14], $0x80, s17, s14, $0xb8;
	[tilespmem:$0x1C000] =	vst v63  }
0x1d: {  	s29 =	simm.s32 $0x0  }
0x1e: {  	[tilespmem:s20], [sflag:$0x4] =	stream.indirect.gather [hbm4b:s4+s14], $0x80, s19, s14, $0xb8;
	[tilespmem:$0x1C000] =	vst v63  }
.LBB2_2:
0x1f: {  	s31 =	smul.u32 $0x5, s29;
	_ =	sdelay $0x1  }
0x20: {  	s30 =	sadd.s32 $0x4, s31  }
0x21: {  	s0 =	sshll.u32 s30, $0x7  }
0x22: {  	s0 =	sand.u32 $0x3FFFFF80, s0  }
0x23: {  	[tilespmem:s21], [sflag:$0x5] =	stream.indirect.gather [hbm4b:s4+s14], $0x80, s0, s14, $0xb8;
	[tilespmem:$0x1C000] =	vst v63  }
0x24: {  	_ =	swait.ge [sflag:s22], $0x4000  }
0x25: {  	[sflag:s22] =	ssyncset.done $0x0  }
0x26: {  	s1 =	simm.s32 $0x0;
	[sflag:s22] =	ssyncadd.s32 $0xFFFFC000  }
0x27: {  	v0 =	vld [tilespmem:s1+$0x6B80]  }
0x28: {  	v1 =	vld [tilespmem:s1+$0x6B90]  }
0x29: {  	v2 =	vld [tilespmem:s1+$0x6B00]  }
0x2a: {  	v3 =	vld [tilespmem:s1+$0x6B10]  }
0x2b: {  	v4 =	vld [tilespmem:s1+$0x6A80]  }
0x2c: {  	v5 =	vld [tilespmem:s1+$0x6A90]  }
0x2d: {  	v6 =	vld [tilespmem:s1+$0x6A00]  }
0x2e: {  	v7 =	vld [tilespmem:s1+$0x6A10]  }
0x2f: {  	v9 =	vld [tilespmem:s1+$0x6980]  }
0x30: {  	v8 =	vld [tilespmem:s1+$0x6990]  }
0x31: {  	v11 =	vld [tilespmem:s1+$0x6900]  }
0x32: {  	v10 =	vld [tilespmem:s1+$0x6910]  }
0x33: {  	v13 =	vld [tilespmem:s1+$0x6880]  }
0x34: {  	v12 =	vld [tilespmem:s1+$0x6890]  }
0x35: {  	v15 =	vld [tilespmem:s1+$0x6800]  }
0x36: {  	v14 =	vld [tilespmem:s1+$0x6810]  }
0x37: {  	v17 =	vld [tilespmem:s1+$0x6780]  }
0x38: {  	v16 =	vld [tilespmem:s1+$0x6790]  }
0x39: {  	v19 =	vld [tilespmem:s1+$0x6700]  }
0x3a: {  	v18 =	vld [tilespmem:s1+$0x6710]  }
0x3b: {  	v21 =	vld [tilespmem:s1+$0x6680]  }
0x3c: {  	v20 =	vld [tilespmem:s1+$0x6690]  }
0x3d: {  	v23 =	vld [tilespmem:s1+$0x6600]  }
0x3e: {  	v22 =	vld [tilespmem:s1+$0x6610]  }
0x3f: {  	v26 =	vld [tilespmem:s1+$0x6580]  }
0x40: {  	v24 =	vld [tilespmem:s1+$0x6590]  }
0x41: {  	v31 =	vld [tilespmem:s1+$0x6500]  }
0x42: {  	v30 =	vld [tilespmem:s1+$0x6510]  }
0x43: {  	v33 =	vld [tilespmem:s1+$0x6480]  }
0x44: {  	v32 =	vld [tilespmem:s1+$0x6490]  }
0x45: {  	v35 =	vld [tilespmem:s1+$0x6400]  }
0x46: {  	v27 =	vimm.f32 $0.0e+00;
	v36 =	vld [tilespmem:s1+$0x6410]  }
0x47: {  	v29 =	vimm.f32 $0.0e+00;
	v28 =	vimm.f32 $0.0e+00;
	v25 =	vimm.f32 $0.0e+00;
	s0 =	simm.s32 $0x2000;
	v34 =	vld [tilespmem:s1+$0x6420]  }
.LBB2_3:
0x48: {  	p0 =	sne.s32 s0, $0xE000;
	v37 =	vld [tilespmem:s1+$0x6430]  }
0x49: {  	v38 =	vld [tilespmem:s1+$0x64A0]  }
0x4a: {  	v39 =	vld [tilespmem:s1+$0x64B0]  }
0x4b: {  	v40 =	vld [tilespmem:s1+$0x6520]  }
0x4c: {  	v27 =	vadd.f32 v35, v27;
	v29 =	vadd.f32 v36, v29;
	v35 =	vld [tilespmem:s1+$0x6530]  }
0x4d: {  	v28 =	vadd.f32 v34, v28;
	v25 =	vadd.f32 v37, v25;
	v34 =	vld [tilespmem:s1+$0x65A0]  }
0x4e: {  	v27 =	vadd.f32 v33, v27;
	v29 =	vadd.f32 v32, v29;
	v32 =	vld [tilespmem:s1+$0x65B0]  }
0x4f: {  	v28 =	vadd.f32 v38, v28;
	v25 =	vadd.f32 v39, v25;
	v33 =	vld [tilespmem:s1+$0x6620]  }
0x50: {  	v27 =	vadd.f32 v31, v27;
	v29 =	vadd.f32 v30, v29;
	v30 =	vld [tilespmem:s1+$0x6630]  }
0x51: {  	v28 =	vadd.f32 v40, v28;
	v25 =	vadd.f32 v35, v25;
	v31 =	vld [tilespmem:s1+$0x66A0]  }
0x52: {  	v26 =	vadd.f32 v26, v27;
	v24 =	vadd.f32 v24, v29;
	v27 =	vld [tilespmem:s1+$0x66B0]  }
0x53: {  	v28 =	vadd.f32 v34, v28;
	v25 =	vadd.f32 v32, v25;
	v29 =	vld [tilespmem:s1+$0x6720]  }
0x54: {  	v23 =	vadd.f32 v23, v26;
	v22 =	vadd.f32 v22, v24;
	v24 =	vld [tilespmem:s1+$0x6730]  }
0x55: {  	v26 =	vadd.f32 v33, v28;
	v25 =	vadd.f32 v30, v25;
	v28 =	vld [tilespmem:s1+$0x67A0]  }
0x56: {  	v21 =	vadd.f32 v21, v23;
	v20 =	vadd.f32 v20, v22;
	v22 =	vld [tilespmem:s1+$0x67B0]  }
0x57: {  	v23 =	vadd.f32 v31, v26;
	v25 =	vadd.f32 v27, v25;
	v26 =	vld [tilespmem:s1+$0x6820]  }
0x58: {  	v19 =	vadd.f32 v19, v21;
	v18 =	vadd.f32 v18, v20;
	v20 =	vld [tilespmem:s1+$0x6830]  }
0x59: {  	v21 =	vadd.f32 v29, v23;
	v23 =	vadd.f32 v24, v25;
	v24 =	vld [tilespmem:s1+$0x68A0]  }
0x5a: {  	v17 =	vadd.f32 v17, v19;
	v16 =	vadd.f32 v16, v18;
	v18 =	vld [tilespmem:s1+$0x68B0]  }
0x5b: {  	v19 =	vadd.f32 v28, v21;
	v21 =	vadd.f32 v22, v23;
	v22 =	vld [tilespmem:s1+$0x6920]  }
0x5c: {  	v15 =	vadd.f32 v15, v17;
	v14 =	vadd.f32 v14, v16;
	v16 =	vld [tilespmem:s1+$0x6930]  }
0x5d: {  	v17 =	vadd.f32 v26, v19;
	v19 =	vadd.f32 v20, v21;
	v20 =	vld [tilespmem:s1+$0x69A0]  }
0x5e: {  	v13 =	vadd.f32 v13, v15;
	v12 =	vadd.f32 v12, v14;
	v14 =	vld [tilespmem:s1+$0x69B0]  }
0x5f: {  	v15 =	vadd.f32 v24, v17;
	v17 =	vadd.f32 v18, v19;
	v18 =	vld [tilespmem:s1+$0x6A20]  }
0x60: {  	v11 =	vadd.f32 v11, v13;
	v10 =	vadd.f32 v10, v12;
	v12 =	vld [tilespmem:s1+$0x6A30]  }
0x61: {  	v13 =	vadd.f32 v22, v15;
	v15 =	vadd.f32 v16, v17;
	v16 =	vld [tilespmem:s1+$0x6AA0]  }
0x62: {  	v9 =	vadd.f32 v9, v11;
	v8 =	vadd.f32 v8, v10;
	v10 =	vld [tilespmem:s1+$0x6AB0]  }
0x63: {  	v11 =	vadd.f32 v20, v13;
	v13 =	vadd.f32 v14, v15;
	v14 =	vld [tilespmem:s1+$0x6B20]  }
0x64: {  	v6 =	vadd.f32 v6, v9;
	v7 =	vadd.f32 v7, v8;
	v8 =	vld [tilespmem:s1+$0x6B30]  }
0x65: {  	v9 =	vadd.f32 v18, v11;
	v11 =	vadd.f32 v12, v13;
	v12 =	vld [tilespmem:s1+$0x6BA0]  }
0x66: {  	v4 =	vadd.f32 v4, v6;
	v5 =	vadd.f32 v5, v7;
	v6 =	vld [tilespmem:s1+$0x6BB0];
	s1 =	sshra.s32 s0, $0x2  }
0x67: {  	v9 =	vadd.f32 v16, v9;
	v7 =	vld [tilespmem:s1+$0x6B80];
	v10 =	vadd.f32 v10, v11  }
0x68: {  	v4 =	vadd.f32 v2, v4;
	v5 =	vadd.f32 v3, v5;
	v11 =	vld [tilespmem:s1+$0x6B90]  }
0x69: {  	v9 =	vadd.f32 v14, v9;
	v2 =	vld [tilespmem:s1+$0x6B00];
	v8 =	vadd.f32 v8, v10  }
0x6a: {  	v27 =	vadd.f32 v0, v4;
	v29 =	vadd.f32 v1, v5;
	v3 =	vld [tilespmem:s1+$0x6B10]  }
0x6b: {  	v28 =	vadd.f32 v12, v9;
	v4 =	vld [tilespmem:s1+$0x6A80];
	v25 =	vadd.f32 v6, v8  }
0x6c: {  	v5 =	vld [tilespmem:s1+$0x6A90];
	v0 =	vmov v7  }
0x6d: {  	v6 =	vld [tilespmem:s1+$0x6A00];
	v1 =	vmov v11  }
0x6e: {  	v7 =	vld [tilespmem:s1+$0x6A10]  }
0x6f: {  	v9 =	vld [tilespmem:s1+$0x6980]  }
0x70: {  	v8 =	vld [tilespmem:s1+$0x6990]  }
0x71: {  	v11 =	vld [tilespmem:s1+$0x6900]  }
0x72: {  	v10 =	vld [tilespmem:s1+$0x6910]  }
0x73: {  	v13 =	vld [tilespmem:s1+$0x6880]  }
0x74: {  	v12 =	vld [tilespmem:s1+$0x6890]  }
0x75: {  	v15 =	vld [tilespmem:s1+$0x6800]  }
0x76: {  	v14 =	vld [tilespmem:s1+$0x6810]  }
0x77: {  	v17 =	vld [tilespmem:s1+$0x6780]  }
0x78: {  	v16 =	vld [tilespmem:s1+$0x6790]  }
0x79: {  	v19 =	vld [tilespmem:s1+$0x6700]  }
0x7a: {  	v18 =	vld [tilespmem:s1+$0x6710]  }
0x7b: {  	v21 =	vld [tilespmem:s1+$0x6680]  }
0x7c: {  	v20 =	vld [tilespmem:s1+$0x6690]  }
0x7d: {  	v23 =	vld [tilespmem:s1+$0x6600]  }
0x7e: {  	v22 =	vld [tilespmem:s1+$0x6610]  }
0x7f: {  	v26 =	vld [tilespmem:s1+$0x6580]  }
0x80: {  	v24 =	vld [tilespmem:s1+$0x6590]  }
0x81: {  	v31 =	vld [tilespmem:s1+$0x6500]  }
0x82: {  	v30 =	vld [tilespmem:s1+$0x6510]  }
.Ltmp0:
0x83: {  	v33 =	vld [tilespmem:s1+$0x6480];
	(pc) =	sbr.rel @p0 .LBB2_3-.Ltmp0, $4  }
0x84: {  	v32 =	vld [tilespmem:s1+$0x6490]  }
0x85: {  	v35 =	vld [tilespmem:s1+$0x6400]  }
0x86: {  	v36 =	vld [tilespmem:s1+$0x6410]  }
0x87: {  	s0 =	sadd.s32 $0x2000, s0;
	v34 =	vld [tilespmem:s1+$0x6420]  }
0x88: {  	v37 =	vld [tilespmem:s1+$0x6430]  }
0x89: {  	v38 =	vld [tilespmem:s1+$0x64A0]  }
0x8a: {  	v39 =	vld [tilespmem:s1+$0x64B0]  }
0x8b: {  	v40 =	vld [tilespmem:s1+$0x6520]  }
0x8c: {  	v60 =	vld [tilespmem:s1+$0x6530];
	v27 =	vadd.f32 v35, v27  }
0x8d: {  	v61 =	vld [tilespmem:s1+$0x65A0];
	v29 =	vadd.f32 v36, v29  }
0x8e: {  	v62 =	vld [tilespmem:s1+$0x65B0];
	v28 =	vadd.f32 v34, v28;
	v27 =	vadd.f32 v33, v27  }
0x8f: {  	v63 =	vld [tilespmem:s1+$0x6620];
	v25 =	vadd.f32 v37, v25;
	v29 =	vadd.f32 v32, v29  }
0x90: {  	v28 =	vadd.f32 v38, v28;
	v27 =	vadd.f32 v31, v27;
	v31 =	vld [tilespmem:s1+$0x6630]  }
0x91: {  	v25 =	vadd.f32 v39, v25;
	v29 =	vadd.f32 v30, v29;
	v30 =	vld [tilespmem:s1+$0x66A0]  }
0x92: {  	v28 =	vadd.f32 v40, v28;
	v26 =	vadd.f32 v26, v27;
	v27 =	vld [tilespmem:s1+$0x66B0]  }
0x93: {  	v25 =	vadd.f32 v60, v25;
	v24 =	vadd.f32 v24, v29;
	v29 =	vld [tilespmem:s1+$0x6720]  }
0x94: {  	v28 =	vadd.f32 v61, v28;
	v23 =	vadd.f32 v23, v26;
	v26 =	vld [tilespmem:s1+$0x6730]  }
0x95: {  	v25 =	vadd.f32 v62, v25;
	v22 =	vadd.f32 v22, v24;
	v24 =	vld [tilespmem:s1+$0x67A0]  }
0x96: {  	v28 =	vadd.f32 v63, v28;
	v21 =	vadd.f32 v21, v23;
	v23 =	vld [tilespmem:s1+$0x67B0]  }
0x97: {  	v25 =	vadd.f32 v31, v25;
	v20 =	vadd.f32 v20, v22;
	v22 =	vld [tilespmem:s1+$0x6820]  }
0x98: {  	v28 =	vadd.f32 v30, v28;
	v19 =	vadd.f32 v19, v21;
	v21 =	vld [tilespmem:s1+$0x6830]  }
0x99: {  	v25 =	vadd.f32 v27, v25;
	v18 =	vadd.f32 v18, v20;
	v20 =	vld [tilespmem:s1+$0x68A0]  }
0x9a: {  	v27 =	vadd.f32 v29, v28;
	v17 =	vadd.f32 v17, v19;
	v19 =	vld [tilespmem:s1+$0x68B0]  }
0x9b: {  	v25 =	vadd.f32 v26, v25;
	v16 =	vadd.f32 v16, v18;
	v18 =	vld [tilespmem:s1+$0x6920]  }
0x9c: {  	v24 =	vadd.f32 v24, v27;
	v15 =	vadd.f32 v15, v17;
	v17 =	vld [tilespmem:s1+$0x6930]  }
0x9d: {  	v23 =	vadd.f32 v23, v25;
	v14 =	vadd.f32 v14, v16;
	v16 =	vld [tilespmem:s1+$0x69A0]  }
0x9e: {  	v22 =	vadd.f32 v22, v24;
	v13 =	vadd.f32 v13, v15;
	v15 =	vld [tilespmem:s1+$0x69B0]  }
0x9f: {  	v21 =	vadd.f32 v21, v23;
	v12 =	vadd.f32 v12, v14;
	v14 =	vld [tilespmem:s1+$0x6A20]  }
0xa0: {  	v20 =	vadd.f32 v20, v22;
	v11 =	vadd.f32 v11, v13;
	v13 =	vld [tilespmem:s1+$0x6A30]  }
0xa1: {  	v19 =	vadd.f32 v19, v21;
	v10 =	vadd.f32 v10, v12;
	v12 =	vld [tilespmem:s1+$0x6AA0]  }
0xa2: {  	v18 =	vadd.f32 v18, v20;
	v9 =	vadd.f32 v9, v11;
	v11 =	vld [tilespmem:s1+$0x6AB0]  }
0xa3: {  	v17 =	vadd.f32 v17, v19;
	v8 =	vadd.f32 v8, v10;
	v10 =	vld [tilespmem:s1+$0x6B20]  }
0xa4: {  	v16 =	vadd.f32 v16, v18;
	v6 =	vadd.f32 v6, v9;
	v9 =	vld [tilespmem:s1+$0x6B30]  }
0xa5: {  	s0 =	sadd.s32 s5, s31;
	v15 =	vadd.f32 v15, v17;
	v7 =	vadd.f32 v7, v8;
	v8 =	vld [tilespmem:s1+$0x6BA0]  }
0xa6: {  	s0 =	sand.u32 $0x3F80, s0;
	v14 =	vadd.f32 v14, v16;
	v4 =	vadd.f32 v4, v6;
	v6 =	vld [tilespmem:s1+$0x6BB0]  }
0xa7: {  	v13 =	vadd.f32 v13, v15;
	v5 =	vadd.f32 v5, v7;
	v7 =	vld [tilespmem:s0+$0x1A400]  }
0xa8: {  	v12 =	vadd.f32 v12, v14;
	v2 =	vadd.f32 v2, v4;
	v4 =	vld [tilespmem:s0+$0x1A410]  }
0xa9: {  	v11 =	vadd.f32 v11, v13;
	v3 =	vadd.f32 v3, v5;
	v5 =	vld [tilespmem:s0+$0x1A420]  }
0xaa: {  	v10 =	vadd.f32 v10, v12;
	v0 =	vadd.f32 v0, v2;
	v2 =	vld [tilespmem:s0+$0x1A430]  }
0xab: {  	v9 =	vadd.f32 v9, v11;
	v1 =	vadd.f32 v1, v3  }
0xac: {  	v3 =	vadd.f32 v8, v10;
	v0 =	vadd.f32 v7, v0  }
0xad: {  	p0 =	seq.s32 s29, $0x27;
	v6 =	vadd.f32 v6, v9;
	v1 =	vadd.f32 v4, v1  }
0xae: {  	s1 =	smul.u32 @!p0 $0xA00, s29;
	[tilespmem:s0+$0x1A400] =	vst v0;
	v0 =	vadd.f32 v5, v3  }
0xaf: {  	[tilespmem:s0+$0x1A410] =	vst v1;
	v1 =	vadd.f32 v2, v6  }
0xb0: {  	s1 =	sshra.s32 @!p0 s1, $0x2;
	[tilespmem:s0+$0x1A420] =	vst v0  }
0xb1: {  	s2 =	simm.s32 @!p0 $0x80;
	s15 =	simm.s32 @!p0 $0x6400;
	[tilespmem:s0+$0x1A430] =	vst v1;
	s0 =	sadd.s32 @!p0 $0x280, s1  }
0xb2: {  	[tilespmem:s15], [sflag:$0x1] =	stream.indirect.gather @!p0 [hbm4b:s4+s2], $0x80, s0, s2, $0xb8;
	[tilespmem:$0x1C000] =	vst v63  }
0xb3: {  	_ =	swait.ge [sflag:s23], $0x4000  }
0xb4: {  	[sflag:s23] =	ssyncset.done $0x0  }
0xb5: {  	s0 =	simm.s32 $0x0;
	[sflag:s23] =	ssyncadd.s32 $0xFFFFC000  }
0xb6: {  	v0 =	vld [tilespmem:s0+$0xAB80]  }
0xb7: {  	v1 =	vld [tilespmem:s0+$0xAB90]  }
0xb8: {  	v2 =	vld [tilespmem:s0+$0xAB00]  }
0xb9: {  	v3 =	vld [tilespmem:s0+$0xAB10]  }
0xba: {  	v4 =	vld [tilespmem:s0+$0xAA80]  }
0xbb: {  	v5 =	vld [tilespmem:s0+$0xAA90]  }
0xbc: {  	v6 =	vld [tilespmem:s0+$0xAA00]  }
0xbd: {  	v7 =	vld [tilespmem:s0+$0xAA10]  }
0xbe: {  	v9 =	vld [tilespmem:s0+$0xA980]  }
0xbf: {  	v8 =	vld [tilespmem:s0+$0xA990]  }
0xc0: {  	v11 =	vld [tilespmem:s0+$0xA900]  }
0xc1: {  	v10 =	vld [tilespmem:s0+$0xA910]  }
0xc2: {  	v13 =	vld [tilespmem:s0+$0xA880]  }
0xc3: {  	v12 =	vld [tilespmem:s0+$0xA890]  }
0xc4: {  	v15 =	vld [tilespmem:s0+$0xA800]  }
0xc5: {  	v14 =	vld [tilespmem:s0+$0xA810]  }
0xc6: {  	v17 =	vld [tilespmem:s0+$0xA780]  }
0xc7: {  	v16 =	vld [tilespmem:s0+$0xA790]  }
0xc8: {  	v19 =	vld [tilespmem:s0+$0xA700]  }
0xc9: {  	v18 =	vld [tilespmem:s0+$0xA710]  }
0xca: {  	v21 =	vld [tilespmem:s0+$0xA680]  }
0xcb: {  	v20 =	vld [tilespmem:s0+$0xA690]  }
0xcc: {  	v23 =	vld [tilespmem:s0+$0xA600]  }
0xcd: {  	v22 =	vld [tilespmem:s0+$0xA610]  }
0xce: {  	v26 =	vld [tilespmem:s0+$0xA580]  }
0xcf: {  	v24 =	vld [tilespmem:s0+$0xA590]  }
0xd0: {  	v31 =	vld [tilespmem:s0+$0xA500]  }
0xd1: {  	v30 =	vld [tilespmem:s0+$0xA510]  }
0xd2: {  	v33 =	vld [tilespmem:s0+$0xA480]  }
0xd3: {  	v32 =	vld [tilespmem:s0+$0xA490]  }
0xd4: {  	v35 =	vld [tilespmem:s0+$0xA400]  }
0xd5: {  	v29 =	vimm.f32 $0.0e+00;
	v36 =	vld [tilespmem:s0+$0xA410]  }
0xd6: {  	v28 =	vimm.f32 $0.0e+00;
	v27 =	vimm.f32 $0.0e+00;
	v25 =	vimm.f32 $0.0e+00;
	s2 =	simm.s32 $0x2000;
	v34 =	vld [tilespmem:s0+$0xA420]  }
.LBB2_5:
0xd7: {  	p1 =	sne.s32 s2, $0xE000;
	v37 =	vld [tilespmem:s0+$0xA430]  }
0xd8: {  	v38 =	vld [tilespmem:s0+$0xA4A0]  }
0xd9: {  	v39 =	vld [tilespmem:s0+$0xA4B0]  }
0xda: {  	v40 =	vld [tilespmem:s0+$0xA520]  }
0xdb: {  	v27 =	vadd.f32 v35, v27;
	v29 =	vadd.f32 v36, v29;
	v35 =	vld [tilespmem:s0+$0xA530]  }
0xdc: {  	v28 =	vadd.f32 v34, v28;
	v25 =	vadd.f32 v37, v25;
	v34 =	vld [tilespmem:s0+$0xA5A0]  }
0xdd: {  	v27 =	vadd.f32 v33, v27;
	v29 =	vadd.f32 v32, v29;
	v32 =	vld [tilespmem:s0+$0xA5B0]  }
0xde: {  	v28 =	vadd.f32 v38, v28;
	v25 =	vadd.f32 v39, v25;
	v33 =	vld [tilespmem:s0+$0xA620]  }
0xdf: {  	v27 =	vadd.f32 v31, v27;
	v29 =	vadd.f32 v30, v29;
	v30 =	vld [tilespmem:s0+$0xA630]  }
0xe0: {  	v28 =	vadd.f32 v40, v28;
	v25 =	vadd.f32 v35, v25;
	v31 =	vld [tilespmem:s0+$0xA6A0]  }
0xe1: {  	v26 =	vadd.f32 v26, v27;
	v24 =	vadd.f32 v24, v29;
	v27 =	vld [tilespmem:s0+$0xA6B0]  }
0xe2: {  	v28 =	vadd.f32 v34, v28;
	v25 =	vadd.f32 v32, v25;
	v29 =	vld [tilespmem:s0+$0xA720]  }
0xe3: {  	v23 =	vadd.f32 v23, v26;
	v22 =	vadd.f32 v22, v24;
	v24 =	vld [tilespmem:s0+$0xA730]  }
0xe4: {  	v26 =	vadd.f32 v33, v28;
	v25 =	vadd.f32 v30, v25;
	v28 =	vld [tilespmem:s0+$0xA7A0]  }
0xe5: {  	v21 =	vadd.f32 v21, v23;
	v20 =	vadd.f32 v20, v22;
	v22 =	vld [tilespmem:s0+$0xA7B0]  }
0xe6: {  	v23 =	vadd.f32 v31, v26;
	v25 =	vadd.f32 v27, v25;
	v26 =	vld [tilespmem:s0+$0xA820]  }
0xe7: {  	v19 =	vadd.f32 v19, v21;
	v18 =	vadd.f32 v18, v20;
	v20 =	vld [tilespmem:s0+$0xA830]  }
0xe8: {  	v21 =	vadd.f32 v29, v23;
	v23 =	vadd.f32 v24, v25;
	v24 =	vld [tilespmem:s0+$0xA8A0]  }
0xe9: {  	v17 =	vadd.f32 v17, v19;
	v16 =	vadd.f32 v16, v18;
	v18 =	vld [tilespmem:s0+$0xA8B0]  }
0xea: {  	v19 =	vadd.f32 v28, v21;
	v21 =	vadd.f32 v22, v23;
	v22 =	vld [tilespmem:s0+$0xA920]  }
0xeb: {  	v15 =	vadd.f32 v15, v17;
	v14 =	vadd.f32 v14, v16;
	v16 =	vld [tilespmem:s0+$0xA930]  }
0xec: {  	v17 =	vadd.f32 v26, v19;
	v19 =	vadd.f32 v20, v21;
	v20 =	vld [tilespmem:s0+$0xA9A0]  }
0xed: {  	v13 =	vadd.f32 v13, v15;
	v12 =	vadd.f32 v12, v14;
	v14 =	vld [tilespmem:s0+$0xA9B0]  }
0xee: {  	v15 =	vadd.f32 v24, v17;
	v17 =	vadd.f32 v18, v19;
	v18 =	vld [tilespmem:s0+$0xAA20]  }
0xef: {  	v11 =	vadd.f32 v11, v13;
	v10 =	vadd.f32 v10, v12;
	v12 =	vld [tilespmem:s0+$0xAA30]  }
0xf0: {  	v13 =	vadd.f32 v22, v15;
	v15 =	vadd.f32 v16, v17;
	v16 =	vld [tilespmem:s0+$0xAAA0]  }
0xf1: {  	v9 =	vadd.f32 v9, v11;
	v8 =	vadd.f32 v8, v10;
	v10 =	vld [tilespmem:s0+$0xAAB0]  }
0xf2: {  	v11 =	vadd.f32 v20, v13;
	v13 =	vadd.f32 v14, v15;
	v14 =	vld [tilespmem:s0+$0xAB20]  }
0xf3: {  	v6 =	vadd.f32 v6, v9;
	v7 =	vadd.f32 v7, v8;
	v8 =	vld [tilespmem:s0+$0xAB30]  }
0xf4: {  	v9 =	vadd.f32 v18, v11;
	v11 =	vadd.f32 v12, v13;
	v12 =	vld [tilespmem:s0+$0xABA0]  }
0xf5: {  	v4 =	vadd.f32 v4, v6;
	v5 =	vadd.f32 v5, v7;
	v6 =	vld [tilespmem:s0+$0xABB0];
	s0 =	sshra.s32 s2, $0x2  }
0xf6: {  	v9 =	vadd.f32 v16, v9;
	v7 =	vld [tilespmem:s0+$0xAB80];
	v10 =	vadd.f32 v10, v11  }
0xf7: {  	v4 =	vadd.f32 v2, v4;
	v5 =	vadd.f32 v3, v5;
	v11 =	vld [tilespmem:s0+$0xAB90]  }
0xf8: {  	v9 =	vadd.f32 v14, v9;
	v2 =	vld [tilespmem:s0+$0xAB00];
	v8 =	vadd.f32 v8, v10  }
0xf9: {  	v27 =	vadd.f32 v0, v4;
	v29 =	vadd.f32 v1, v5;
	v3 =	vld [tilespmem:s0+$0xAB10]  }
0xfa: {  	v28 =	vadd.f32 v12, v9;
	v4 =	vld [tilespmem:s0+$0xAA80];
	v25 =	vadd.f32 v6, v8  }
0xfb: {  	v5 =	vld [tilespmem:s0+$0xAA90];
	v0 =	vmov v7  }
0xfc: {  	v6 =	vld [tilespmem:s0+$0xAA00];
	v1 =	vmov v11  }
0xfd: {  	v7 =	vld [tilespmem:s0+$0xAA10]  }
0xfe: {  	v9 =	vld [tilespmem:s0+$0xA980]  }
0xff: {  	v8 =	vld [tilespmem:s0+$0xA990]  }
0x100: {  	v11 =	vld [tilespmem:s0+$0xA900]  }
0x101: {  	v10 =	vld [tilespmem:s0+$0xA910]  }
0x102: {  	v13 =	vld [tilespmem:s0+$0xA880]  }
0x103: {  	v12 =	vld [tilespmem:s0+$0xA890]  }
0x104: {  	v15 =	vld [tilespmem:s0+$0xA800]  }
0x105: {  	v14 =	vld [tilespmem:s0+$0xA810]  }
0x106: {  	v17 =	vld [tilespmem:s0+$0xA780]  }
0x107: {  	v16 =	vld [tilespmem:s0+$0xA790]  }
0x108: {  	v19 =	vld [tilespmem:s0+$0xA700]  }
0x109: {  	v18 =	vld [tilespmem:s0+$0xA710]  }
0x10a: {  	v21 =	vld [tilespmem:s0+$0xA680]  }
0x10b: {  	v20 =	vld [tilespmem:s0+$0xA690]  }
0x10c: {  	v23 =	vld [tilespmem:s0+$0xA600]  }
0x10d: {  	v22 =	vld [tilespmem:s0+$0xA610]  }
0x10e: {  	v26 =	vld [tilespmem:s0+$0xA580]  }
0x10f: {  	v24 =	vld [tilespmem:s0+$0xA590]  }
0x110: {  	v31 =	vld [tilespmem:s0+$0xA500]  }
0x111: {  	v30 =	vld [tilespmem:s0+$0xA510]  }
.Ltmp1:
0x112: {  	v33 =	vld [tilespmem:s0+$0xA480];
	(pc) =	sbr.rel @p1 .LBB2_5-.Ltmp1, $4  }
0x113: {  	v32 =	vld [tilespmem:s0+$0xA490]  }
0x114: {  	v35 =	vld [tilespmem:s0+$0xA400]  }
0x115: {  	v36 =	vld [tilespmem:s0+$0xA410]  }
0x116: {  	s2 =	sadd.s32 $0x2000, s2;
	v34 =	vld [tilespmem:s0+$0xA420]  }
0x117: {  	v37 =	vld [tilespmem:s0+$0xA430]  }
0x118: {  	v38 =	vld [tilespmem:s0+$0xA4A0]  }
0x119: {  	v39 =	vld [tilespmem:s0+$0xA4B0]  }
0x11a: {  	v40 =	vld [tilespmem:s0+$0xA520]  }
0x11b: {  	v60 =	vld [tilespmem:s0+$0xA530];
	v27 =	vadd.f32 v35, v27  }
0x11c: {  	v61 =	vld [tilespmem:s0+$0xA5A0];
	v29 =	vadd.f32 v36, v29  }
0x11d: {  	v62 =	vld [tilespmem:s0+$0xA5B0];
	v28 =	vadd.f32 v34, v28;
	v27 =	vadd.f32 v33, v27  }
0x11e: {  	v63 =	vld [tilespmem:s0+$0xA620];
	v25 =	vadd.f32 v37, v25;
	v29 =	vadd.f32 v32, v29  }
0x11f: {  	v28 =	vadd.f32 v38, v28;
	v27 =	vadd.f32 v31, v27;
	v31 =	vld [tilespmem:s0+$0xA630]  }
0x120: {  	v25 =	vadd.f32 v39, v25;
	v29 =	vadd.f32 v30, v29;
	v30 =	vld [tilespmem:s0+$0xA6A0]  }
0x121: {  	v28 =	vadd.f32 v40, v28;
	v26 =	vadd.f32 v26, v27;
	v27 =	vld [tilespmem:s0+$0xA6B0]  }
0x122: {  	v25 =	vadd.f32 v60, v25;
	v24 =	vadd.f32 v24, v29;
	v29 =	vld [tilespmem:s0+$0xA720]  }
0x123: {  	v28 =	vadd.f32 v61, v28;
	v23 =	vadd.f32 v23, v26;
	v26 =	vld [tilespmem:s0+$0xA730]  }
0x124: {  	v25 =	vadd.f32 v62, v25;
	v22 =	vadd.f32 v22, v24;
	v24 =	vld [tilespmem:s0+$0xA7A0]  }
0x125: {  	v28 =	vadd.f32 v63, v28;
	v21 =	vadd.f32 v21, v23;
	v23 =	vld [tilespmem:s0+$0xA7B0]  }
0x126: {  	v25 =	vadd.f32 v31, v25;
	v20 =	vadd.f32 v20, v22;
	v22 =	vld [tilespmem:s0+$0xA820]  }
0x127: {  	v28 =	vadd.f32 v30, v28;
	v19 =	vadd.f32 v19, v21;
	v21 =	vld [tilespmem:s0+$0xA830]  }
0x128: {  	v25 =	vadd.f32 v27, v25;
	v18 =	vadd.f32 v18, v20;
	v20 =	vld [tilespmem:s0+$0xA8A0]  }
0x129: {  	v27 =	vadd.f32 v29, v28;
	v17 =	vadd.f32 v17, v19;
	v19 =	vld [tilespmem:s0+$0xA8B0]  }
0x12a: {  	v25 =	vadd.f32 v26, v25;
	v16 =	vadd.f32 v16, v18;
	v18 =	vld [tilespmem:s0+$0xA920]  }
0x12b: {  	v24 =	vadd.f32 v24, v27;
	v15 =	vadd.f32 v15, v17;
	v17 =	vld [tilespmem:s0+$0xA930]  }
0x12c: {  	v23 =	vadd.f32 v23, v25;
	v14 =	vadd.f32 v14, v16;
	v16 =	vld [tilespmem:s0+$0xA9A0]  }
0x12d: {  	v22 =	vadd.f32 v22, v24;
	v13 =	vadd.f32 v13, v15;
	v15 =	vld [tilespmem:s0+$0xA9B0]  }
0x12e: {  	v21 =	vadd.f32 v21, v23;
	v12 =	vadd.f32 v12, v14;
	v14 =	vld [tilespmem:s0+$0xAA20]  }
0x12f: {  	v20 =	vadd.f32 v20, v22;
	v11 =	vadd.f32 v11, v13;
	v13 =	vld [tilespmem:s0+$0xAA30]  }
0x130: {  	v19 =	vadd.f32 v19, v21;
	v10 =	vadd.f32 v10, v12;
	v12 =	vld [tilespmem:s0+$0xAAA0]  }
0x131: {  	v18 =	vadd.f32 v18, v20;
	v9 =	vadd.f32 v9, v11;
	v11 =	vld [tilespmem:s0+$0xAAB0]  }
0x132: {  	v17 =	vadd.f32 v17, v19;
	v8 =	vadd.f32 v8, v10;
	v10 =	vld [tilespmem:s0+$0xAB20]  }
0x133: {  	v16 =	vadd.f32 v16, v18;
	v6 =	vadd.f32 v6, v9;
	v9 =	vld [tilespmem:s0+$0xAB30]  }
0x134: {  	s2 =	sadd.s32 s31, s7;
	v15 =	vadd.f32 v15, v17;
	v7 =	vadd.f32 v7, v8;
	v8 =	vld [tilespmem:s0+$0xABA0]  }
0x135: {  	s15 =	sand.u32 $0x3F80, s2;
	v14 =	vadd.f32 v14, v16;
	v4 =	vadd.f32 v4, v6;
	v6 =	vld [tilespmem:s0+$0xABB0]  }
0x136: {  	v13 =	vadd.f32 v13, v15;
	v5 =	vadd.f32 v5, v7;
	v7 =	vld [tilespmem:s15+$0x1A400]  }
0x137: {  	v12 =	vadd.f32 v12, v14;
	v2 =	vadd.f32 v2, v4;
	v4 =	vld [tilespmem:s15+$0x1A410]  }
0x138: {  	v11 =	vadd.f32 v11, v13;
	v3 =	vadd.f32 v3, v5;
	v5 =	vld [tilespmem:s15+$0x1A420]  }
0x139: {  	v10 =	vadd.f32 v10, v12;
	v0 =	vadd.f32 v0, v2;
	v2 =	vld [tilespmem:s15+$0x1A430]  }
0x13a: {  	v9 =	vadd.f32 v9, v11;
	v1 =	vadd.f32 v1, v3  }
0x13b: {  	v3 =	vadd.f32 v8, v10;
	v0 =	vadd.f32 v7, v0  }
0x13c: {  	v6 =	vadd.f32 v6, v9;
	v1 =	vadd.f32 v4, v1  }
0x13d: {  	[tilespmem:s15+$0x1A400] =	vst v0;
	v0 =	vadd.f32 v5, v3  }
0x13e: {  	[tilespmem:s15+$0x1A410] =	vst v1;
	v1 =	vadd.f32 v2, v6  }
0x13f: {  	[tilespmem:s15+$0x1A420] =	vst v0  }
0x140: {  	s2 =	simm.s32 @!p0 $0x80;
	s0 =	sadd.s32 @!p0 $0x300, s1;
	[tilespmem:s15+$0x1A430] =	vst v1;
	s15 =	simm.s32 @!p0 $0xA400  }
0x141: {  	[tilespmem:s15], [sflag:$0x2] =	stream.indirect.gather @!p0 [hbm4b:s4+s2], $0x80, s0, s2, $0xb8;
	[tilespmem:$0x1C000] =	vst v63  }
0x142: {  	_ =	swait.ge [sflag:s24], $0x4000  }
0x143: {  	[sflag:s24] =	ssyncset.done $0x0  }
0x144: {  	s0 =	simm.s32 $0x0;
	[sflag:s24] =	ssyncadd.s32 $0xFFFFC000  }
0x145: {  	v0 =	vld [tilespmem:s0+$0xEB80]  }
0x146: {  	v1 =	vld [tilespmem:s0+$0xEB90]  }
0x147: {  	v2 =	vld [tilespmem:s0+$0xEB00]  }
0x148: {  	v3 =	vld [tilespmem:s0+$0xEB10]  }
0x149: {  	v4 =	vld [tilespmem:s0+$0xEA80]  }
0x14a: {  	v5 =	vld [tilespmem:s0+$0xEA90]  }
0x14b: {  	v6 =	vld [tilespmem:s0+$0xEA00]  }
0x14c: {  	v7 =	vld [tilespmem:s0+$0xEA10]  }
0x14d: {  	v9 =	vld [tilespmem:s0+$0xE980]  }
0x14e: {  	v8 =	vld [tilespmem:s0+$0xE990]  }
0x14f: {  	v11 =	vld [tilespmem:s0+$0xE900]  }
0x150: {  	v10 =	vld [tilespmem:s0+$0xE910]  }
0x151: {  	v13 =	vld [tilespmem:s0+$0xE880]  }
0x152: {  	v12 =	vld [tilespmem:s0+$0xE890]  }
0x153: {  	v15 =	vld [tilespmem:s0+$0xE800]  }
0x154: {  	v14 =	vld [tilespmem:s0+$0xE810]  }
0x155: {  	v17 =	vld [tilespmem:s0+$0xE780]  }
0x156: {  	v16 =	vld [tilespmem:s0+$0xE790]  }
0x157: {  	v19 =	vld [tilespmem:s0+$0xE700]  }
0x158: {  	v18 =	vld [tilespmem:s0+$0xE710]  }
0x159: {  	v21 =	vld [tilespmem:s0+$0xE680]  }
0x15a: {  	v20 =	vld [tilespmem:s0+$0xE690]  }
0x15b: {  	v23 =	vld [tilespmem:s0+$0xE600]  }
0x15c: {  	v22 =	vld [tilespmem:s0+$0xE610]  }
0x15d: {  	v26 =	vld [tilespmem:s0+$0xE580]  }
0x15e: {  	v24 =	vld [tilespmem:s0+$0xE590]  }
0x15f: {  	v31 =	vld [tilespmem:s0+$0xE500]  }
0x160: {  	v30 =	vld [tilespmem:s0+$0xE510]  }
0x161: {  	v33 =	vld [tilespmem:s0+$0xE480]  }
0x162: {  	v32 =	vld [tilespmem:s0+$0xE490]  }
0x163: {  	v35 =	vld [tilespmem:s0+$0xE400]  }
0x164: {  	v29 =	vimm.f32 $0.0e+00;
	v36 =	vld [tilespmem:s0+$0xE410]  }
0x165: {  	v28 =	vimm.f32 $0.0e+00;
	v27 =	vimm.f32 $0.0e+00;
	v25 =	vimm.f32 $0.0e+00;
	s2 =	simm.s32 $0x2000;
	v34 =	vld [tilespmem:s0+$0xE420]  }
.LBB2_7:
0x166: {  	p1 =	sne.s32 s2, $0xE000;
	v37 =	vld [tilespmem:s0+$0xE430]  }
0x167: {  	v38 =	vld [tilespmem:s0+$0xE4A0]  }
0x168: {  	v39 =	vld [tilespmem:s0+$0xE4B0]  }
0x169: {  	v40 =	vld [tilespmem:s0+$0xE520]  }
0x16a: {  	v27 =	vadd.f32 v35, v27;
	v29 =	vadd.f32 v36, v29;
	v35 =	vld [tilespmem:s0+$0xE530]  }
0x16b: {  	v28 =	vadd.f32 v34, v28;
	v25 =	vadd.f32 v37, v25;
	v34 =	vld [tilespmem:s0+$0xE5A0]  }
0x16c: {  	v27 =	vadd.f32 v33, v27;
	v29 =	vadd.f32 v32, v29;
	v32 =	vld [tilespmem:s0+$0xE5B0]  }
0x16d: {  	v28 =	vadd.f32 v38, v28;
	v25 =	vadd.f32 v39, v25;
	v33 =	vld [tilespmem:s0+$0xE620]  }
0x16e: {  	v27 =	vadd.f32 v31, v27;
	v29 =	vadd.f32 v30, v29;
	v30 =	vld [tilespmem:s0+$0xE630]  }
0x16f: {  	v28 =	vadd.f32 v40, v28;
	v25 =	vadd.f32 v35, v25;
	v31 =	vld [tilespmem:s0+$0xE6A0]  }
0x170: {  	v26 =	vadd.f32 v26, v27;
	v24 =	vadd.f32 v24, v29;
	v27 =	vld [tilespmem:s0+$0xE6B0]  }
0x171: {  	v28 =	vadd.f32 v34, v28;
	v25 =	vadd.f32 v32, v25;
	v29 =	vld [tilespmem:s0+$0xE720]  }
0x172: {  	v23 =	vadd.f32 v23, v26;
	v22 =	vadd.f32 v22, v24;
	v24 =	vld [tilespmem:s0+$0xE730]  }
0x173: {  	v26 =	vadd.f32 v33, v28;
	v25 =	vadd.f32 v30, v25;
	v28 =	vld [tilespmem:s0+$0xE7A0]  }
0x174: {  	v21 =	vadd.f32 v21, v23;
	v20 =	vadd.f32 v20, v22;
	v22 =	vld [tilespmem:s0+$0xE7B0]  }
0x175: {  	v23 =	vadd.f32 v31, v26;
	v25 =	vadd.f32 v27, v25;
	v26 =	vld [tilespmem:s0+$0xE820]  }
0x176: {  	v19 =	vadd.f32 v19, v21;
	v18 =	vadd.f32 v18, v20;
	v20 =	vld [tilespmem:s0+$0xE830]  }
0x177: {  	v21 =	vadd.f32 v29, v23;
	v23 =	vadd.f32 v24, v25;
	v24 =	vld [tilespmem:s0+$0xE8A0]  }
0x178: {  	v17 =	vadd.f32 v17, v19;
	v16 =	vadd.f32 v16, v18;
	v18 =	vld [tilespmem:s0+$0xE8B0]  }
0x179: {  	v19 =	vadd.f32 v28, v21;
	v21 =	vadd.f32 v22, v23;
	v22 =	vld [tilespmem:s0+$0xE920]  }
0x17a: {  	v15 =	vadd.f32 v15, v17;
	v14 =	vadd.f32 v14, v16;
	v16 =	vld [tilespmem:s0+$0xE930]  }
0x17b: {  	v17 =	vadd.f32 v26, v19;
	v19 =	vadd.f32 v20, v21;
	v20 =	vld [tilespmem:s0+$0xE9A0]  }
0x17c: {  	v13 =	vadd.f32 v13, v15;
	v12 =	vadd.f32 v12, v14;
	v14 =	vld [tilespmem:s0+$0xE9B0]  }
0x17d: {  	v15 =	vadd.f32 v24, v17;
	v17 =	vadd.f32 v18, v19;
	v18 =	vld [tilespmem:s0+$0xEA20]  }
0x17e: {  	v11 =	vadd.f32 v11, v13;
	v10 =	vadd.f32 v10, v12;
	v12 =	vld [tilespmem:s0+$0xEA30]  }
0x17f: {  	v13 =	vadd.f32 v22, v15;
	v15 =	vadd.f32 v16, v17;
	v16 =	vld [tilespmem:s0+$0xEAA0]  }
0x180: {  	v9 =	vadd.f32 v9, v11;
	v8 =	vadd.f32 v8, v10;
	v10 =	vld [tilespmem:s0+$0xEAB0]  }
0x181: {  	v11 =	vadd.f32 v20, v13;
	v13 =	vadd.f32 v14, v15;
	v14 =	vld [tilespmem:s0+$0xEB20]  }
0x182: {  	v6 =	vadd.f32 v6, v9;
	v7 =	vadd.f32 v7, v8;
	v8 =	vld [tilespmem:s0+$0xEB30]  }
0x183: {  	v9 =	vadd.f32 v18, v11;
	v11 =	vadd.f32 v12, v13;
	v12 =	vld [tilespmem:s0+$0xEBA0]  }
0x184: {  	v4 =	vadd.f32 v4, v6;
	v5 =	vadd.f32 v5, v7;
	v6 =	vld [tilespmem:s0+$0xEBB0];
	s0 =	sshra.s32 s2, $0x2  }
0x185: {  	v9 =	vadd.f32 v16, v9;
	v7 =	vld [tilespmem:s0+$0xEB80];
	v10 =	vadd.f32 v10, v11  }
0x186: {  	v4 =	vadd.f32 v2, v4;
	v5 =	vadd.f32 v3, v5;
	v11 =	vld [tilespmem:s0+$0xEB90]  }
0x187: {  	v9 =	vadd.f32 v14, v9;
	v2 =	vld [tilespmem:s0+$0xEB00];
	v8 =	vadd.f32 v8, v10  }
0x188: {  	v27 =	vadd.f32 v0, v4;
	v29 =	vadd.f32 v1, v5;
	v3 =	vld [tilespmem:s0+$0xEB10]  }
0x189: {  	v28 =	vadd.f32 v12, v9;
	v4 =	vld [tilespmem:s0+$0xEA80];
	v25 =	vadd.f32 v6, v8  }
0x18a: {  	v5 =	vld [tilespmem:s0+$0xEA90];
	v0 =	vmov v7  }
0x18b: {  	v6 =	vld [tilespmem:s0+$0xEA00];
	v1 =	vmov v11  }
0x18c: {  	v7 =	vld [tilespmem:s0+$0xEA10]  }
0x18d: {  	v9 =	vld [tilespmem:s0+$0xE980]  }
0x18e: {  	v8 =	vld [tilespmem:s0+$0xE990]  }
0x18f: {  	v11 =	vld [tilespmem:s0+$0xE900]  }
0x190: {  	v10 =	vld [tilespmem:s0+$0xE910]  }
0x191: {  	v13 =	vld [tilespmem:s0+$0xE880]  }
0x192: {  	v12 =	vld [tilespmem:s0+$0xE890]  }
0x193: {  	v15 =	vld [tilespmem:s0+$0xE800]  }
0x194: {  	v14 =	vld [tilespmem:s0+$0xE810]  }
0x195: {  	v17 =	vld [tilespmem:s0+$0xE780]  }
0x196: {  	v16 =	vld [tilespmem:s0+$0xE790]  }
0x197: {  	v19 =	vld [tilespmem:s0+$0xE700]  }
0x198: {  	v18 =	vld [tilespmem:s0+$0xE710]  }
0x199: {  	v21 =	vld [tilespmem:s0+$0xE680]  }
0x19a: {  	v20 =	vld [tilespmem:s0+$0xE690]  }
0x19b: {  	v23 =	vld [tilespmem:s0+$0xE600]  }
0x19c: {  	v22 =	vld [tilespmem:s0+$0xE610]  }
0x19d: {  	v26 =	vld [tilespmem:s0+$0xE580]  }
0x19e: {  	v24 =	vld [tilespmem:s0+$0xE590]  }
0x19f: {  	v31 =	vld [tilespmem:s0+$0xE500]  }
0x1a0: {  	v30 =	vld [tilespmem:s0+$0xE510]  }
.Ltmp2:
0x1a1: {  	v33 =	vld [tilespmem:s0+$0xE480];
	(pc) =	sbr.rel @p1 .LBB2_7-.Ltmp2, $4  }
0x1a2: {  	v32 =	vld [tilespmem:s0+$0xE490]  }
0x1a3: {  	v35 =	vld [tilespmem:s0+$0xE400]  }
0x1a4: {  	v36 =	vld [tilespmem:s0+$0xE410]  }
0x1a5: {  	s2 =	sadd.s32 $0x2000, s2;
	v34 =	vld [tilespmem:s0+$0xE420]  }
0x1a6: {  	v37 =	vld [tilespmem:s0+$0xE430]  }
0x1a7: {  	v38 =	vld [tilespmem:s0+$0xE4A0]  }
0x1a8: {  	v39 =	vld [tilespmem:s0+$0xE4B0]  }
0x1a9: {  	v40 =	vld [tilespmem:s0+$0xE520]  }
0x1aa: {  	v60 =	vld [tilespmem:s0+$0xE530];
	v27 =	vadd.f32 v35, v27  }
0x1ab: {  	v61 =	vld [tilespmem:s0+$0xE5A0];
	v29 =	vadd.f32 v36, v29  }
0x1ac: {  	v62 =	vld [tilespmem:s0+$0xE5B0];
	v28 =	vadd.f32 v34, v28;
	v27 =	vadd.f32 v33, v27  }
0x1ad: {  	v63 =	vld [tilespmem:s0+$0xE620];
	v25 =	vadd.f32 v37, v25;
	v29 =	vadd.f32 v32, v29  }
0x1ae: {  	v28 =	vadd.f32 v38, v28;
	v27 =	vadd.f32 v31, v27;
	v31 =	vld [tilespmem:s0+$0xE630]  }
0x1af: {  	v25 =	vadd.f32 v39, v25;
	v29 =	vadd.f32 v30, v29;
	v30 =	vld [tilespmem:s0+$0xE6A0]  }
0x1b0: {  	v28 =	vadd.f32 v40, v28;
	v26 =	vadd.f32 v26, v27;
	v27 =	vld [tilespmem:s0+$0xE6B0]  }
0x1b1: {  	v25 =	vadd.f32 v60, v25;
	v24 =	vadd.f32 v24, v29;
	v29 =	vld [tilespmem:s0+$0xE720]  }
0x1b2: {  	v28 =	vadd.f32 v61, v28;
	v23 =	vadd.f32 v23, v26;
	v26 =	vld [tilespmem:s0+$0xE730]  }
0x1b3: {  	v25 =	vadd.f32 v62, v25;
	v22 =	vadd.f32 v22, v24;
	v24 =	vld [tilespmem:s0+$0xE7A0]  }
0x1b4: {  	v28 =	vadd.f32 v63, v28;
	v21 =	vadd.f32 v21, v23;
	v23 =	vld [tilespmem:s0+$0xE7B0]  }
0x1b5: {  	v25 =	vadd.f32 v31, v25;
	v20 =	vadd.f32 v20, v22;
	v22 =	vld [tilespmem:s0+$0xE820]  }
0x1b6: {  	v28 =	vadd.f32 v30, v28;
	v19 =	vadd.f32 v19, v21;
	v21 =	vld [tilespmem:s0+$0xE830]  }
0x1b7: {  	v25 =	vadd.f32 v27, v25;
	v18 =	vadd.f32 v18, v20;
	v20 =	vld [tilespmem:s0+$0xE8A0]  }
0x1b8: {  	v27 =	vadd.f32 v29, v28;
	v17 =	vadd.f32 v17, v19;
	v19 =	vld [tilespmem:s0+$0xE8B0]  }
0x1b9: {  	v25 =	vadd.f32 v26, v25;
	v16 =	vadd.f32 v16, v18;
	v18 =	vld [tilespmem:s0+$0xE920]  }
0x1ba: {  	v24 =	vadd.f32 v24, v27;
	v15 =	vadd.f32 v15, v17;
	v17 =	vld [tilespmem:s0+$0xE930]  }
0x1bb: {  	v23 =	vadd.f32 v23, v25;
	v14 =	vadd.f32 v14, v16;
	v16 =	vld [tilespmem:s0+$0xE9A0]  }
0x1bc: {  	v22 =	vadd.f32 v22, v24;
	v13 =	vadd.f32 v13, v15;
	v15 =	vld [tilespmem:s0+$0xE9B0]  }
0x1bd: {  	v21 =	vadd.f32 v21, v23;
	v12 =	vadd.f32 v12, v14;
	v14 =	vld [tilespmem:s0+$0xEA20]  }
0x1be: {  	v20 =	vadd.f32 v20, v22;
	v11 =	vadd.f32 v11, v13;
	v13 =	vld [tilespmem:s0+$0xEA30]  }
0x1bf: {  	v19 =	vadd.f32 v19, v21;
	v10 =	vadd.f32 v10, v12;
	v12 =	vld [tilespmem:s0+$0xEAA0]  }
0x1c0: {  	v18 =	vadd.f32 v18, v20;
	v9 =	vadd.f32 v9, v11;
	v11 =	vld [tilespmem:s0+$0xEAB0]  }
0x1c1: {  	v17 =	vadd.f32 v17, v19;
	v8 =	vadd.f32 v8, v10;
	v10 =	vld [tilespmem:s0+$0xEB20]  }
0x1c2: {  	v16 =	vadd.f32 v16, v18;
	v6 =	vadd.f32 v6, v9;
	v9 =	vld [tilespmem:s0+$0xEB30]  }
0x1c3: {  	s2 =	sadd.s32 s31, s8;
	v15 =	vadd.f32 v15, v17;
	v7 =	vadd.f32 v7, v8;
	v8 =	vld [tilespmem:s0+$0xEBA0]  }
0x1c4: {  	s15 =	sand.u32 $0x3F80, s2;
	v14 =	vadd.f32 v14, v16;
	v4 =	vadd.f32 v4, v6;
	v6 =	vld [tilespmem:s0+$0xEBB0]  }
0x1c5: {  	v13 =	vadd.f32 v13, v15;
	v5 =	vadd.f32 v5, v7;
	v7 =	vld [tilespmem:s15+$0x1A400]  }
0x1c6: {  	v12 =	vadd.f32 v12, v14;
	v2 =	vadd.f32 v2, v4;
	v4 =	vld [tilespmem:s15+$0x1A410]  }
0x1c7: {  	v11 =	vadd.f32 v11, v13;
	v3 =	vadd.f32 v3, v5;
	v5 =	vld [tilespmem:s15+$0x1A420]  }
0x1c8: {  	v10 =	vadd.f32 v10, v12;
	v0 =	vadd.f32 v0, v2;
	v2 =	vld [tilespmem:s15+$0x1A430]  }
0x1c9: {  	v9 =	vadd.f32 v9, v11;
	v1 =	vadd.f32 v1, v3  }
0x1ca: {  	v3 =	vadd.f32 v8, v10;
	v0 =	vadd.f32 v7, v0  }
0x1cb: {  	v6 =	vadd.f32 v6, v9;
	v1 =	vadd.f32 v4, v1  }
0x1cc: {  	[tilespmem:s15+$0x1A400] =	vst v0;
	v0 =	vadd.f32 v5, v3  }
0x1cd: {  	[tilespmem:s15+$0x1A410] =	vst v1;
	v1 =	vadd.f32 v2, v6  }
0x1ce: {  	[tilespmem:s15+$0x1A420] =	vst v0  }
0x1cf: {  	s2 =	simm.s32 @!p0 $0x80;
	s0 =	sadd.s32 @!p0 $0x380, s1;
	[tilespmem:s15+$0x1A430] =	vst v1;
	s15 =	simm.s32 @!p0 $0xE400  }
0x1d0: {  	[tilespmem:s15], [sflag:$0x3] =	stream.indirect.gather @!p0 [hbm4b:s4+s2], $0x80, s0, s2, $0xb8;
	[tilespmem:$0x1C000] =	vst v63  }
0x1d1: {  	_ =	swait.ge [sflag:s25], $0x4000  }
0x1d2: {  	[sflag:s25] =	ssyncset.done $0x0  }
0x1d3: {  	s0 =	simm.s32 $0x0;
	[sflag:s25] =	ssyncadd.s32 $0xFFFFC000  }
0x1d4: {  	v0 =	vld [tilespmem:s0+$0x12B80]  }
0x1d5: {  	v1 =	vld [tilespmem:s0+$0x12B90]  }
0x1d6: {  	v2 =	vld [tilespmem:s0+$0x12B00]  }
0x1d7: {  	v3 =	vld [tilespmem:s0+$0x12B10]  }
0x1d8: {  	v4 =	vld [tilespmem:s0+$0x12A80]  }
0x1d9: {  	v5 =	vld [tilespmem:s0+$0x12A90]  }
0x1da: {  	v6 =	vld [tilespmem:s0+$0x12A00]  }
0x1db: {  	v7 =	vld [tilespmem:s0+$0x12A10]  }
0x1dc: {  	v9 =	vld [tilespmem:s0+$0x12980]  }
0x1dd: {  	v8 =	vld [tilespmem:s0+$0x12990]  }
0x1de: {  	v11 =	vld [tilespmem:s0+$0x12900]  }
0x1df: {  	v10 =	vld [tilespmem:s0+$0x12910]  }
0x1e0: {  	v13 =	vld [tilespmem:s0+$0x12880]  }
0x1e1: {  	v12 =	vld [tilespmem:s0+$0x12890]  }
0x1e2: {  	v15 =	vld [tilespmem:s0+$0x12800]  }
0x1e3: {  	v14 =	vld [tilespmem:s0+$0x12810]  }
0x1e4: {  	v17 =	vld [tilespmem:s0+$0x12780]  }
0x1e5: {  	v16 =	vld [tilespmem:s0+$0x12790]  }
0x1e6: {  	v19 =	vld [tilespmem:s0+$0x12700]  }
0x1e7: {  	v18 =	vld [tilespmem:s0+$0x12710]  }
0x1e8: {  	v21 =	vld [tilespmem:s0+$0x12680]  }
0x1e9: {  	v20 =	vld [tilespmem:s0+$0x12690]  }
0x1ea: {  	v23 =	vld [tilespmem:s0+$0x12600]  }
0x1eb: {  	v22 =	vld [tilespmem:s0+$0x12610]  }
0x1ec: {  	v26 =	vld [tilespmem:s0+$0x12580]  }
0x1ed: {  	v24 =	vld [tilespmem:s0+$0x12590]  }
0x1ee: {  	v31 =	vld [tilespmem:s0+$0x12500]  }
0x1ef: {  	v30 =	vld [tilespmem:s0+$0x12510]  }
0x1f0: {  	v33 =	vld [tilespmem:s0+$0x12480]  }
0x1f1: {  	v32 =	vld [tilespmem:s0+$0x12490]  }
0x1f2: {  	v35 =	vld [tilespmem:s0+$0x12400]  }
0x1f3: {  	v29 =	vimm.f32 $0.0e+00;
	v36 =	vld [tilespmem:s0+$0x12410]  }
0x1f4: {  	v28 =	vimm.f32 $0.0e+00;
	v27 =	vimm.f32 $0.0e+00;
	v25 =	vimm.f32 $0.0e+00;
	s2 =	simm.s32 $0x2000;
	v34 =	vld [tilespmem:s0+$0x12420]  }
.LBB2_9:
0x1f5: {  	p1 =	sne.s32 s2, $0xE000;
	v37 =	vld [tilespmem:s0+$0x12430]  }
0x1f6: {  	v38 =	vld [tilespmem:s0+$0x124A0]  }
0x1f7: {  	v39 =	vld [tilespmem:s0+$0x124B0]  }
0x1f8: {  	v40 =	vld [tilespmem:s0+$0x12520]  }
0x1f9: {  	v27 =	vadd.f32 v35, v27;
	v29 =	vadd.f32 v36, v29;
	v35 =	vld [tilespmem:s0+$0x12530]  }
0x1fa: {  	v28 =	vadd.f32 v34, v28;
	v25 =	vadd.f32 v37, v25;
	v34 =	vld [tilespmem:s0+$0x125A0]  }
0x1fb: {  	v27 =	vadd.f32 v33, v27;
	v29 =	vadd.f32 v32, v29;
	v32 =	vld [tilespmem:s0+$0x125B0]  }
0x1fc: {  	v28 =	vadd.f32 v38, v28;
	v25 =	vadd.f32 v39, v25;
	v33 =	vld [tilespmem:s0+$0x12620]  }
0x1fd: {  	v27 =	vadd.f32 v31, v27;
	v29 =	vadd.f32 v30, v29;
	v30 =	vld [tilespmem:s0+$0x12630]  }
0x1fe: {  	v28 =	vadd.f32 v40, v28;
	v25 =	vadd.f32 v35, v25;
	v31 =	vld [tilespmem:s0+$0x126A0]  }
0x1ff: {  	v26 =	vadd.f32 v26, v27;
	v24 =	vadd.f32 v24, v29;
	v27 =	vld [tilespmem:s0+$0x126B0]  }
0x200: {  	v28 =	vadd.f32 v34, v28;
	v25 =	vadd.f32 v32, v25;
	v29 =	vld [tilespmem:s0+$0x12720]  }
0x201: {  	v23 =	vadd.f32 v23, v26;
	v22 =	vadd.f32 v22, v24;
	v24 =	vld [tilespmem:s0+$0x12730]  }
0x202: {  	v26 =	vadd.f32 v33, v28;
	v25 =	vadd.f32 v30, v25;
	v28 =	vld [tilespmem:s0+$0x127A0]  }
0x203: {  	v21 =	vadd.f32 v21, v23;
	v20 =	vadd.f32 v20, v22;
	v22 =	vld [tilespmem:s0+$0x127B0]  }
0x204: {  	v23 =	vadd.f32 v31, v26;
	v25 =	vadd.f32 v27, v25;
	v26 =	vld [tilespmem:s0+$0x12820]  }
0x205: {  	v19 =	vadd.f32 v19, v21;
	v18 =	vadd.f32 v18, v20;
	v20 =	vld [tilespmem:s0+$0x12830]  }
0x206: {  	v21 =	vadd.f32 v29, v23;
	v23 =	vadd.f32 v24, v25;
	v24 =	vld [tilespmem:s0+$0x128A0]  }
0x207: {  	v17 =	vadd.f32 v17, v19;
	v16 =	vadd.f32 v16, v18;
	v18 =	vld [tilespmem:s0+$0x128B0]  }
0x208: {  	v19 =	vadd.f32 v28, v21;
	v21 =	vadd.f32 v22, v23;
	v22 =	vld [tilespmem:s0+$0x12920]  }
0x209: {  	v15 =	vadd.f32 v15, v17;
	v14 =	vadd.f32 v14, v16;
	v16 =	vld [tilespmem:s0+$0x12930]  }
0x20a: {  	v17 =	vadd.f32 v26, v19;
	v19 =	vadd.f32 v20, v21;
	v20 =	vld [tilespmem:s0+$0x129A0]  }
0x20b: {  	v13 =	vadd.f32 v13, v15;
	v12 =	vadd.f32 v12, v14;
	v14 =	vld [tilespmem:s0+$0x129B0]  }
0x20c: {  	v15 =	vadd.f32 v24, v17;
	v17 =	vadd.f32 v18, v19;
	v18 =	vld [tilespmem:s0+$0x12A20]  }
0x20d: {  	v11 =	vadd.f32 v11, v13;
	v10 =	vadd.f32 v10, v12;
	v12 =	vld [tilespmem:s0+$0x12A30]  }
0x20e: {  	v13 =	vadd.f32 v22, v15;
	v15 =	vadd.f32 v16, v17;
	v16 =	vld [tilespmem:s0+$0x12AA0]  }
0x20f: {  	v9 =	vadd.f32 v9, v11;
	v8 =	vadd.f32 v8, v10;
	v10 =	vld [tilespmem:s0+$0x12AB0]  }
0x210: {  	v11 =	vadd.f32 v20, v13;
	v13 =	vadd.f32 v14, v15;
	v14 =	vld [tilespmem:s0+$0x12B20]  }
0x211: {  	v6 =	vadd.f32 v6, v9;
	v7 =	vadd.f32 v7, v8;
	v8 =	vld [tilespmem:s0+$0x12B30]  }
0x212: {  	v9 =	vadd.f32 v18, v11;
	v11 =	vadd.f32 v12, v13;
	v12 =	vld [tilespmem:s0+$0x12BA0]  }
0x213: {  	v4 =	vadd.f32 v4, v6;
	v5 =	vadd.f32 v5, v7;
	v6 =	vld [tilespmem:s0+$0x12BB0];
	s0 =	sshra.s32 s2, $0x2  }
0x214: {  	v9 =	vadd.f32 v16, v9;
	v7 =	vld [tilespmem:s0+$0x12B80];
	v10 =	vadd.f32 v10, v11  }
0x215: {  	v4 =	vadd.f32 v2, v4;
	v5 =	vadd.f32 v3, v5;
	v11 =	vld [tilespmem:s0+$0x12B90]  }
0x216: {  	v9 =	vadd.f32 v14, v9;
	v2 =	vld [tilespmem:s0+$0x12B00];
	v8 =	vadd.f32 v8, v10  }
0x217: {  	v27 =	vadd.f32 v0, v4;
	v29 =	vadd.f32 v1, v5;
	v3 =	vld [tilespmem:s0+$0x12B10]  }
0x218: {  	v28 =	vadd.f32 v12, v9;
	v4 =	vld [tilespmem:s0+$0x12A80];
	v25 =	vadd.f32 v6, v8  }
0x219: {  	v5 =	vld [tilespmem:s0+$0x12A90];
	v0 =	vmov v7  }
0x21a: {  	v6 =	vld [tilespmem:s0+$0x12A00];
	v1 =	vmov v11  }
0x21b: {  	v7 =	vld [tilespmem:s0+$0x12A10]  }
0x21c: {  	v9 =	vld [tilespmem:s0+$0x12980]  }
0x21d: {  	v8 =	vld [tilespmem:s0+$0x12990]  }
0x21e: {  	v11 =	vld [tilespmem:s0+$0x12900]  }
0x21f: {  	v10 =	vld [tilespmem:s0+$0x12910]  }
0x220: {  	v13 =	vld [tilespmem:s0+$0x12880]  }
0x221: {  	v12 =	vld [tilespmem:s0+$0x12890]  }
0x222: {  	v15 =	vld [tilespmem:s0+$0x12800]  }
0x223: {  	v14 =	vld [tilespmem:s0+$0x12810]  }
0x224: {  	v17 =	vld [tilespmem:s0+$0x12780]  }
0x225: {  	v16 =	vld [tilespmem:s0+$0x12790]  }
0x226: {  	v19 =	vld [tilespmem:s0+$0x12700]  }
0x227: {  	v18 =	vld [tilespmem:s0+$0x12710]  }
0x228: {  	v21 =	vld [tilespmem:s0+$0x12680]  }
0x229: {  	v20 =	vld [tilespmem:s0+$0x12690]  }
0x22a: {  	v23 =	vld [tilespmem:s0+$0x12600]  }
0x22b: {  	v22 =	vld [tilespmem:s0+$0x12610]  }
0x22c: {  	v26 =	vld [tilespmem:s0+$0x12580]  }
0x22d: {  	v24 =	vld [tilespmem:s0+$0x12590]  }
0x22e: {  	v31 =	vld [tilespmem:s0+$0x12500]  }
0x22f: {  	v30 =	vld [tilespmem:s0+$0x12510]  }
.Ltmp3:
0x230: {  	v33 =	vld [tilespmem:s0+$0x12480];
	(pc) =	sbr.rel @p1 .LBB2_9-.Ltmp3, $4  }
0x231: {  	v32 =	vld [tilespmem:s0+$0x12490]  }
0x232: {  	v35 =	vld [tilespmem:s0+$0x12400]  }
0x233: {  	v36 =	vld [tilespmem:s0+$0x12410]  }
0x234: {  	s2 =	sadd.s32 $0x2000, s2;
	v34 =	vld [tilespmem:s0+$0x12420]  }
0x235: {  	v37 =	vld [tilespmem:s0+$0x12430]  }
0x236: {  	v38 =	vld [tilespmem:s0+$0x124A0]  }
0x237: {  	v39 =	vld [tilespmem:s0+$0x124B0]  }
0x238: {  	v40 =	vld [tilespmem:s0+$0x12520]  }
0x239: {  	v60 =	vld [tilespmem:s0+$0x12530];
	v27 =	vadd.f32 v35, v27  }
0x23a: {  	v61 =	vld [tilespmem:s0+$0x125A0];
	v29 =	vadd.f32 v36, v29  }
0x23b: {  	v62 =	vld [tilespmem:s0+$0x125B0];
	v28 =	vadd.f32 v34, v28;
	v27 =	vadd.f32 v33, v27  }
0x23c: {  	v63 =	vld [tilespmem:s0+$0x12620];
	v25 =	vadd.f32 v37, v25;
	v29 =	vadd.f32 v32, v29  }
0x23d: {  	v28 =	vadd.f32 v38, v28;
	v27 =	vadd.f32 v31, v27;
	v31 =	vld [tilespmem:s0+$0x12630]  }
0x23e: {  	v25 =	vadd.f32 v39, v25;
	v29 =	vadd.f32 v30, v29;
	v30 =	vld [tilespmem:s0+$0x126A0]  }
0x23f: {  	v28 =	vadd.f32 v40, v28;
	v26 =	vadd.f32 v26, v27;
	v27 =	vld [tilespmem:s0+$0x126B0]  }
0x240: {  	v25 =	vadd.f32 v60, v25;
	v24 =	vadd.f32 v24, v29;
	v29 =	vld [tilespmem:s0+$0x12720]  }
0x241: {  	v28 =	vadd.f32 v61, v28;
	v23 =	vadd.f32 v23, v26;
	v26 =	vld [tilespmem:s0+$0x12730]  }
0x242: {  	v25 =	vadd.f32 v62, v25;
	v22 =	vadd.f32 v22, v24;
	v24 =	vld [tilespmem:s0+$0x127A0]  }
0x243: {  	v28 =	vadd.f32 v63, v28;
	v21 =	vadd.f32 v21, v23;
	v23 =	vld [tilespmem:s0+$0x127B0]  }
0x244: {  	v25 =	vadd.f32 v31, v25;
	v20 =	vadd.f32 v20, v22;
	v22 =	vld [tilespmem:s0+$0x12820]  }
0x245: {  	v28 =	vadd.f32 v30, v28;
	v19 =	vadd.f32 v19, v21;
	v21 =	vld [tilespmem:s0+$0x12830]  }
0x246: {  	v25 =	vadd.f32 v27, v25;
	v18 =	vadd.f32 v18, v20;
	v20 =	vld [tilespmem:s0+$0x128A0]  }
0x247: {  	v27 =	vadd.f32 v29, v28;
	v17 =	vadd.f32 v17, v19;
	v19 =	vld [tilespmem:s0+$0x128B0]  }
0x248: {  	v25 =	vadd.f32 v26, v25;
	v16 =	vadd.f32 v16, v18;
	v18 =	vld [tilespmem:s0+$0x12920]  }
0x249: {  	v24 =	vadd.f32 v24, v27;
	v15 =	vadd.f32 v15, v17;
	v17 =	vld [tilespmem:s0+$0x12930]  }
0x24a: {  	v23 =	vadd.f32 v23, v25;
	v14 =	vadd.f32 v14, v16;
	v16 =	vld [tilespmem:s0+$0x129A0]  }
0x24b: {  	v22 =	vadd.f32 v22, v24;
	v13 =	vadd.f32 v13, v15;
	v15 =	vld [tilespmem:s0+$0x129B0]  }
0x24c: {  	v21 =	vadd.f32 v21, v23;
	v12 =	vadd.f32 v12, v14;
	v14 =	vld [tilespmem:s0+$0x12A20]  }
0x24d: {  	v20 =	vadd.f32 v20, v22;
	v11 =	vadd.f32 v11, v13;
	v13 =	vld [tilespmem:s0+$0x12A30]  }
0x24e: {  	v19 =	vadd.f32 v19, v21;
	v10 =	vadd.f32 v10, v12;
	v12 =	vld [tilespmem:s0+$0x12AA0]  }
0x24f: {  	v18 =	vadd.f32 v18, v20;
	v9 =	vadd.f32 v9, v11;
	v11 =	vld [tilespmem:s0+$0x12AB0]  }
0x250: {  	v17 =	vadd.f32 v17, v19;
	v8 =	vadd.f32 v8, v10;
	v10 =	vld [tilespmem:s0+$0x12B20]  }
0x251: {  	v16 =	vadd.f32 v16, v18;
	v6 =	vadd.f32 v6, v9;
	v9 =	vld [tilespmem:s0+$0x12B30]  }
0x252: {  	s2 =	sadd.s32 s31, s9;
	v15 =	vadd.f32 v15, v17;
	v7 =	vadd.f32 v7, v8;
	v8 =	vld [tilespmem:s0+$0x12BA0]  }
0x253: {  	s31 =	sand.u32 $0x3F80, s2;
	v14 =	vadd.f32 v14, v16;
	v4 =	vadd.f32 v4, v6;
	v6 =	vld [tilespmem:s0+$0x12BB0]  }
0x254: {  	v13 =	vadd.f32 v13, v15;
	v5 =	vadd.f32 v5, v7;
	v7 =	vld [tilespmem:s31+$0x1A400]  }
0x255: {  	v12 =	vadd.f32 v12, v14;
	v2 =	vadd.f32 v2, v4;
	v4 =	vld [tilespmem:s31+$0x1A410]  }
0x256: {  	v11 =	vadd.f32 v11, v13;
	v3 =	vadd.f32 v3, v5;
	v5 =	vld [tilespmem:s31+$0x1A420]  }
0x257: {  	v10 =	vadd.f32 v10, v12;
	v0 =	vadd.f32 v0, v2;
	v2 =	vld [tilespmem:s31+$0x1A430]  }
0x258: {  	v9 =	vadd.f32 v9, v11;
	v1 =	vadd.f32 v1, v3  }
0x259: {  	v3 =	vadd.f32 v8, v10;
	v0 =	vadd.f32 v7, v0  }
0x25a: {  	v6 =	vadd.f32 v6, v9;
	v1 =	vadd.f32 v4, v1  }
0x25b: {  	[tilespmem:s31+$0x1A400] =	vst v0;
	v0 =	vadd.f32 v5, v3  }
0x25c: {  	[tilespmem:s31+$0x1A410] =	vst v1;
	v1 =	vadd.f32 v2, v6  }
0x25d: {  	[tilespmem:s31+$0x1A420] =	vst v0  }
0x25e: {  	s2 =	simm.s32 @!p0 $0x12400;
	s0 =	sadd.s32 @!p0 $0x400, s1;
	s1 =	simm.s32 @!p0 $0x80;
	[tilespmem:s31+$0x1A430] =	vst v1  }
0x25f: {  	[tilespmem:s2], [sflag:$0x4] =	stream.indirect.gather @!p0 [hbm4b:s4+s1], $0x80, s0, s1, $0xb8;
	[tilespmem:$0x1C000] =	vst v63  }
0x260: {  	_ =	swait.ge [sflag:s26], $0x4000  }
0x261: {  	[sflag:s26] =	ssyncset.done $0x0  }
0x262: {  	s0 =	simm.s32 $0x0;
	[sflag:s26] =	ssyncadd.s32 $0xFFFFC000  }
0x263: {  	v0 =	vld [tilespmem:s0+$0x16B80]  }
0x264: {  	v1 =	vld [tilespmem:s0+$0x16B90]  }
0x265: {  	v2 =	vld [tilespmem:s0+$0x16B00]  }
0x266: {  	v3 =	vld [tilespmem:s0+$0x16B10]  }
0x267: {  	v4 =	vld [tilespmem:s0+$0x16A80]  }
0x268: {  	v5 =	vld [tilespmem:s0+$0x16A90]  }
0x269: {  	v6 =	vld [tilespmem:s0+$0x16A00]  }
0x26a: {  	v7 =	vld [tilespmem:s0+$0x16A10]  }
0x26b: {  	v9 =	vld [tilespmem:s0+$0x16980]  }
0x26c: {  	v8 =	vld [tilespmem:s0+$0x16990]  }
0x26d: {  	v11 =	vld [tilespmem:s0+$0x16900]  }
0x26e: {  	v10 =	vld [tilespmem:s0+$0x16910]  }
0x26f: {  	v13 =	vld [tilespmem:s0+$0x16880]  }
0x270: {  	v12 =	vld [tilespmem:s0+$0x16890]  }
0x271: {  	v15 =	vld [tilespmem:s0+$0x16800]  }
0x272: {  	v14 =	vld [tilespmem:s0+$0x16810]  }
0x273: {  	v17 =	vld [tilespmem:s0+$0x16780]  }
0x274: {  	v16 =	vld [tilespmem:s0+$0x16790]  }
0x275: {  	v19 =	vld [tilespmem:s0+$0x16700]  }
0x276: {  	v18 =	vld [tilespmem:s0+$0x16710]  }
0x277: {  	v21 =	vld [tilespmem:s0+$0x16680]  }
0x278: {  	v20 =	vld [tilespmem:s0+$0x16690]  }
0x279: {  	v23 =	vld [tilespmem:s0+$0x16600]  }
0x27a: {  	v22 =	vld [tilespmem:s0+$0x16610]  }
0x27b: {  	v26 =	vld [tilespmem:s0+$0x16580]  }
0x27c: {  	v24 =	vld [tilespmem:s0+$0x16590]  }
0x27d: {  	v31 =	vld [tilespmem:s0+$0x16500]  }
0x27e: {  	v30 =	vld [tilespmem:s0+$0x16510]  }
0x27f: {  	v33 =	vld [tilespmem:s0+$0x16480]  }
0x280: {  	v32 =	vld [tilespmem:s0+$0x16490]  }
0x281: {  	v35 =	vld [tilespmem:s0+$0x16400]  }
0x282: {  	v29 =	vimm.f32 $0.0e+00;
	v36 =	vld [tilespmem:s0+$0x16410]  }
0x283: {  	v28 =	vimm.f32 $0.0e+00;
	v27 =	vimm.f32 $0.0e+00;
	v25 =	vimm.f32 $0.0e+00;
	s1 =	simm.s32 $0x2000;
	v34 =	vld [tilespmem:s0+$0x16420]  }
.LBB2_11:
0x284: {  	p0 =	sne.s32 s1, $0xE000;
	v37 =	vld [tilespmem:s0+$0x16430]  }
0x285: {  	v38 =	vld [tilespmem:s0+$0x164A0]  }
0x286: {  	v39 =	vld [tilespmem:s0+$0x164B0]  }
0x287: {  	v40 =	vld [tilespmem:s0+$0x16520]  }
0x288: {  	v27 =	vadd.f32 v35, v27;
	v29 =	vadd.f32 v36, v29;
	v35 =	vld [tilespmem:s0+$0x16530]  }
0x289: {  	v28 =	vadd.f32 v34, v28;
	v25 =	vadd.f32 v37, v25;
	v34 =	vld [tilespmem:s0+$0x165A0]  }
0x28a: {  	v27 =	vadd.f32 v33, v27;
	v29 =	vadd.f32 v32, v29;
	v32 =	vld [tilespmem:s0+$0x165B0]  }
0x28b: {  	v28 =	vadd.f32 v38, v28;
	v25 =	vadd.f32 v39, v25;
	v33 =	vld [tilespmem:s0+$0x16620]  }
0x28c: {  	v27 =	vadd.f32 v31, v27;
	v29 =	vadd.f32 v30, v29;
	v30 =	vld [tilespmem:s0+$0x16630]  }
0x28d: {  	v28 =	vadd.f32 v40, v28;
	v25 =	vadd.f32 v35, v25;
	v31 =	vld [tilespmem:s0+$0x166A0]  }
0x28e: {  	v26 =	vadd.f32 v26, v27;
	v24 =	vadd.f32 v24, v29;
	v27 =	vld [tilespmem:s0+$0x166B0]  }
0x28f: {  	v28 =	vadd.f32 v34, v28;
	v25 =	vadd.f32 v32, v25;
	v29 =	vld [tilespmem:s0+$0x16720]  }
0x290: {  	v23 =	vadd.f32 v23, v26;
	v22 =	vadd.f32 v22, v24;
	v24 =	vld [tilespmem:s0+$0x16730]  }
0x291: {  	v26 =	vadd.f32 v33, v28;
	v25 =	vadd.f32 v30, v25;
	v28 =	vld [tilespmem:s0+$0x167A0]  }
0x292: {  	v21 =	vadd.f32 v21, v23;
	v20 =	vadd.f32 v20, v22;
	v22 =	vld [tilespmem:s0+$0x167B0]  }
0x293: {  	v23 =	vadd.f32 v31, v26;
	v25 =	vadd.f32 v27, v25;
	v26 =	vld [tilespmem:s0+$0x16820]  }
0x294: {  	v19 =	vadd.f32 v19, v21;
	v18 =	vadd.f32 v18, v20;
	v20 =	vld [tilespmem:s0+$0x16830]  }
0x295: {  	v21 =	vadd.f32 v29, v23;
	v23 =	vadd.f32 v24, v25;
	v24 =	vld [tilespmem:s0+$0x168A0]  }
0x296: {  	v17 =	vadd.f32 v17, v19;
	v16 =	vadd.f32 v16, v18;
	v18 =	vld [tilespmem:s0+$0x168B0]  }
0x297: {  	v19 =	vadd.f32 v28, v21;
	v21 =	vadd.f32 v22, v23;
	v22 =	vld [tilespmem:s0+$0x16920]  }
0x298: {  	v15 =	vadd.f32 v15, v17;
	v14 =	vadd.f32 v14, v16;
	v16 =	vld [tilespmem:s0+$0x16930]  }
0x299: {  	v17 =	vadd.f32 v26, v19;
	v19 =	vadd.f32 v20, v21;
	v20 =	vld [tilespmem:s0+$0x169A0]  }
0x29a: {  	v13 =	vadd.f32 v13, v15;
	v12 =	vadd.f32 v12, v14;
	v14 =	vld [tilespmem:s0+$0x169B0]  }
0x29b: {  	v15 =	vadd.f32 v24, v17;
	v17 =	vadd.f32 v18, v19;
	v18 =	vld [tilespmem:s0+$0x16A20]  }
0x29c: {  	v11 =	vadd.f32 v11, v13;
	v10 =	vadd.f32 v10, v12;
	v12 =	vld [tilespmem:s0+$0x16A30]  }
0x29d: {  	v13 =	vadd.f32 v22, v15;
	v15 =	vadd.f32 v16, v17;
	v16 =	vld [tilespmem:s0+$0x16AA0]  }
0x29e: {  	v9 =	vadd.f32 v9, v11;
	v8 =	vadd.f32 v8, v10;
	v10 =	vld [tilespmem:s0+$0x16AB0]  }
0x29f: {  	v11 =	vadd.f32 v20, v13;
	v13 =	vadd.f32 v14, v15;
	v14 =	vld [tilespmem:s0+$0x16B20]  }
0x2a0: {  	v6 =	vadd.f32 v6, v9;
	v7 =	vadd.f32 v7, v8;
	v8 =	vld [tilespmem:s0+$0x16B30]  }
0x2a1: {  	v9 =	vadd.f32 v18, v11;
	v11 =	vadd.f32 v12, v13;
	v12 =	vld [tilespmem:s0+$0x16BA0]  }
0x2a2: {  	v4 =	vadd.f32 v4, v6;
	v5 =	vadd.f32 v5, v7;
	v6 =	vld [tilespmem:s0+$0x16BB0];
	s0 =	sshra.s32 s1, $0x2  }
0x2a3: {  	v9 =	vadd.f32 v16, v9;
	v7 =	vld [tilespmem:s0+$0x16B80];
	v10 =	vadd.f32 v10, v11  }
0x2a4: {  	v4 =	vadd.f32 v2, v4;
	v5 =	vadd.f32 v3, v5;
	v11 =	vld [tilespmem:s0+$0x16B90]  }
0x2a5: {  	v9 =	vadd.f32 v14, v9;
	v2 =	vld [tilespmem:s0+$0x16B00];
	v8 =	vadd.f32 v8, v10  }
0x2a6: {  	v27 =	vadd.f32 v0, v4;
	v29 =	vadd.f32 v1, v5;
	v3 =	vld [tilespmem:s0+$0x16B10]  }
0x2a7: {  	v28 =	vadd.f32 v12, v9;
	v4 =	vld [tilespmem:s0+$0x16A80];
	v25 =	vadd.f32 v6, v8  }
0x2a8: {  	v5 =	vld [tilespmem:s0+$0x16A90];
	v0 =	vmov v7  }
0x2a9: {  	v6 =	vld [tilespmem:s0+$0x16A00];
	v1 =	vmov v11  }
0x2aa: {  	v7 =	vld [tilespmem:s0+$0x16A10]  }
0x2ab: {  	v9 =	vld [tilespmem:s0+$0x16980]  }
0x2ac: {  	v8 =	vld [tilespmem:s0+$0x16990]  }
0x2ad: {  	v11 =	vld [tilespmem:s0+$0x16900]  }
0x2ae: {  	v10 =	vld [tilespmem:s0+$0x16910]  }
0x2af: {  	v13 =	vld [tilespmem:s0+$0x16880]  }
0x2b0: {  	v12 =	vld [tilespmem:s0+$0x16890]  }
0x2b1: {  	v15 =	vld [tilespmem:s0+$0x16800]  }
0x2b2: {  	v14 =	vld [tilespmem:s0+$0x16810]  }
0x2b3: {  	v17 =	vld [tilespmem:s0+$0x16780]  }
0x2b4: {  	v16 =	vld [tilespmem:s0+$0x16790]  }
0x2b5: {  	v19 =	vld [tilespmem:s0+$0x16700]  }
0x2b6: {  	v18 =	vld [tilespmem:s0+$0x16710]  }
0x2b7: {  	v21 =	vld [tilespmem:s0+$0x16680]  }
0x2b8: {  	v20 =	vld [tilespmem:s0+$0x16690]  }
0x2b9: {  	v23 =	vld [tilespmem:s0+$0x16600]  }
0x2ba: {  	v22 =	vld [tilespmem:s0+$0x16610]  }
0x2bb: {  	v26 =	vld [tilespmem:s0+$0x16580]  }
0x2bc: {  	v24 =	vld [tilespmem:s0+$0x16590]  }
0x2bd: {  	v31 =	vld [tilespmem:s0+$0x16500]  }
0x2be: {  	v30 =	vld [tilespmem:s0+$0x16510]  }
.Ltmp4:
0x2bf: {  	v33 =	vld [tilespmem:s0+$0x16480];
	(pc) =	sbr.rel @p0 .LBB2_11-.Ltmp4, $4  }
0x2c0: {  	v32 =	vld [tilespmem:s0+$0x16490]  }
0x2c1: {  	v35 =	vld [tilespmem:s0+$0x16400]  }
0x2c2: {  	v36 =	vld [tilespmem:s0+$0x16410]  }
0x2c3: {  	s1 =	sadd.s32 $0x2000, s1;
	v34 =	vld [tilespmem:s0+$0x16420]  }
0x2c4: {  	v37 =	vld [tilespmem:s0+$0x16430]  }
0x2c5: {  	v38 =	vld [tilespmem:s0+$0x164A0]  }
0x2c6: {  	v39 =	vld [tilespmem:s0+$0x164B0]  }
0x2c7: {  	v40 =	vld [tilespmem:s0+$0x16520]  }
0x2c8: {  	v58 =	vld [tilespmem:s0+$0x16530];
	v27 =	vadd.f32 v35, v27  }
0x2c9: {  	v59 =	vld [tilespmem:s0+$0x165A0];
	v29 =	vadd.f32 v36, v29  }
0x2ca: {  	v60 =	vld [tilespmem:s0+$0x165B0];
	v28 =	vadd.f32 v34, v28;
	v27 =	vadd.f32 v33, v27  }
0x2cb: {  	v61 =	vld [tilespmem:s0+$0x16620];
	v25 =	vadd.f32 v37, v25;
	v29 =	vadd.f32 v32, v29  }
0x2cc: {  	v62 =	vld [tilespmem:s0+$0x16630];
	v28 =	vadd.f32 v38, v28;
	v27 =	vadd.f32 v31, v27  }
0x2cd: {  	v63 =	vld [tilespmem:s0+$0x166A0];
	v25 =	vadd.f32 v39, v25;
	v29 =	vadd.f32 v30, v29  }
0x2ce: {  	v41 =	vld [tilespmem:s0+$0x16830];
	v28 =	vadd.f32 v40, v28;
	v26 =	vadd.f32 v26, v27  }
0x2cf: {  	v42 =	vld [tilespmem:s0+$0x168A0];
	v25 =	vadd.f32 v58, v25;
	v24 =	vadd.f32 v24, v29  }
0x2d0: {  	v34 =	vld [tilespmem:s0+$0x166B0];
	v28 =	vadd.f32 v59, v28;
	v23 =	vadd.f32 v23, v26  }
0x2d1: {  	v35 =	vld [tilespmem:s0+$0x16720];
	v25 =	vadd.f32 v60, v25;
	v22 =	vadd.f32 v22, v24  }
0x2d2: {  	v37 =	vld [tilespmem:s0+$0x16730];
	v28 =	vadd.f32 v61, v28;
	v21 =	vadd.f32 v21, v23  }
0x2d3: {  	v38 =	vld [tilespmem:s0+$0x167A0];
	v25 =	vadd.f32 v62, v25;
	v20 =	vadd.f32 v20, v22  }
0x2d4: {  	v39 =	vld [tilespmem:s0+$0x167B0];
	v28 =	vadd.f32 v63, v28;
	v19 =	vadd.f32 v19, v21  }
0x2d5: {  	v40 =	vld [tilespmem:s0+$0x16820];
	v25 =	vadd.f32 v34, v25;
	v18 =	vadd.f32 v18, v20  }
0x2d6: {  	v44 =	vld [tilespmem:s0+$0x168B0];
	v43 =	vadd.f32 v35, v28;
	v17 =	vadd.f32 v17, v19  }
0x2d7: {  	v45 =	vld [tilespmem:s0+$0x16920];
	v25 =	vadd.f32 v37, v25;
	v16 =	vadd.f32 v16, v18  }
0x2d8: {  	v46 =	vld [tilespmem:s0+$0x16930];
	v24 =	vadd.f32 v38, v43;
	v15 =	vadd.f32 v15, v17  }
0x2d9: {  	v47 =	vld [tilespmem:s0+$0x169A0];
	v23 =	vadd.f32 v39, v25;
	v14 =	vadd.f32 v14, v16  }
0x2da: {  	v48 =	vld [tilespmem:s0+$0x169B0];
	v22 =	vadd.f32 v40, v24;
	v13 =	vadd.f32 v13, v15  }
0x2db: {  	v49 =	vld [tilespmem:s0+$0x16A20];
	v21 =	vadd.f32 v41, v23;
	v12 =	vadd.f32 v12, v14  }
0x2dc: {  	v50 =	vld [tilespmem:s0+$0x16A30];
	v20 =	vadd.f32 v42, v22;
	v11 =	vadd.f32 v11, v13  }
0x2dd: {  	v51 =	vld [tilespmem:s0+$0x16AA0];
	v19 =	vadd.f32 v44, v21;
	v10 =	vadd.f32 v10, v12  }
0x2de: {  	v52 =	vld [tilespmem:s0+$0x16AB0];
	v18 =	vadd.f32 v45, v20;
	v9 =	vadd.f32 v9, v11  }
0x2df: {  	v53 =	vld [tilespmem:s0+$0x16B20];
	v17 =	vadd.f32 v46, v19;
	v8 =	vadd.f32 v8, v10  }
0x2e0: {  	v54 =	vld [tilespmem:s0+$0x16B30];
	v16 =	vadd.f32 v47, v18;
	v6 =	vadd.f32 v6, v9  }
0x2e1: {  	v55 =	vld [tilespmem:s0+$0x16BA0];
	s1 =	sadd.s32 s5, s30;
	v15 =	vadd.f32 v48, v17;
	v7 =	vadd.f32 v7, v8  }
0x2e2: {  	v56 =	vld [tilespmem:s0+$0x16BB0];
	s31 =	sand.u32 $0x3F80, s1;
	v14 =	vadd.f32 v49, v16;
	v4 =	vadd.f32 v4, v6  }
0x2e3: {  	v57 =	vld [tilespmem:s31+$0x1A400];
	v13 =	vadd.f32 v50, v15;
	v5 =	vadd.f32 v5, v7  }
0x2e4: {  	v58 =	vld [tilespmem:s31+$0x1A410];
	v12 =	vadd.f32 v51, v14;
	v2 =	vadd.f32 v2, v4  }
0x2e5: {  	v59 =	vld [tilespmem:s31+$0x1A420];
	v11 =	vadd.f32 v52, v13;
	v3 =	vadd.f32 v3, v5  }
0x2e6: {  	v60 =	vld [tilespmem:s31+$0x1A430];
	v10 =	vadd.f32 v53, v12;
	v0 =	vadd.f32 v0, v2  }
0x2e7: {  	s29 =	sadd.s32 $0x1, s29;
	v9 =	vadd.f32 v54, v11;
	v1 =	vadd.f32 v1, v3  }
0x2e8: {  	p0 =	sne.s32 s29, $0x28;
	v61 =	vadd.f32 v55, v10;
	v0 =	vadd.f32 v57, v0  }
.Ltmp5:
0x2e9: {  	v6 =	vadd.f32 v56, v9;
	v1 =	vadd.f32 v58, v1;
	(pc) =	sbr.rel @p0 .LBB2_2-.Ltmp5, $4  }
0x2ea: {  	[tilespmem:s31+$0x1A400] =	vst v0;
	v62 =	vadd.f32 v59, v61  }
0x2eb: {  	[tilespmem:s31+$0x1A410] =	vst v1;
	v63 =	vadd.f32 v60, v6  }
0x2ec: {  	[tilespmem:s31+$0x1A420] =	vst v62  }
0x2ed: {  	[tilespmem:s31+$0x1A430] =	vst v63  }
0x2ee: {  	s28 =	sadd.s32 $0x1, s28  }
0x2ef: {  	p0 =	sne.s32 s28, s11  }
.Ltmp6:
0x2f0: {  	_ = 	snop;
	(pc) =	sbr.rel @p0 .LBB2_1-.Ltmp6, $4  }
0x2f1: {  	[hbm4b:s10+s3] =	stream.linear.scatter [tilespmem:s12], [sflag:$0x6], $0x1C00, $0x38;
	[tilespmem:$0x1C000] =	vst v63  }
0x2f2: {  	_ =	swait.ge [sflag:s13], $0x1C00  }
0x2f3: {  	[sflag:s13] =	ssyncset.done $0x0  }
0x2f4: {  	[sflag:s13] =	ssyncadd.s32 $0xFFFFE400  }
0x2f5: {  	_ =	sfence.sel $0x180000  }
0x2f6: {  	[bflag:$0x0] =	sbarrier.arrive $0xFFFF  }
0x2f7: {  	_ =	strace $0x90000047  }
0x2f8: {  	s0 =	stileid.u32;
	[bflag:$0x2] =	sbarrier.arrive $0xFFFF  }
0x2f9: {  	p0 =	sne.s32 s0, $0x0;
	s0 =	rddreg [dreg:$0x2]  }
0x2fa: {  	s0 =	sadd.s32 @!p0 $0x100000, s0  }
0x2fb: {  	[sflag:s0] =	ssyncadd.tile.s32 @!p0 $0x1;
	_ =	shalt  }
.Lfunc_end2:
_tile_overlayer_lowered:
.L_overlay_start_2:
0x2fc: {  	(tag) =	ssettag $0x2  }
0x2fd: {  	s0 =	rddreg [dreg:$0x0];
	s2 =	stileid.u32  }
0x2fe: {  	s1 =	rddreg [dreg:$0x1];
	p0 =	sne.s32 s2, $0x0  }
0x2ff: {  	s3 =	rddreg [dreg:$0x2];
	[bflag:$0x3] =	sbarrier.arrive $0xFFFF;
	s2 =	simm.s32 @!p0 $0x1C06  }
0x300: {  	[timem:s3], [sflag:s2] =	dma.local @!p0 [hbm:s0], s1  }
0x301: {  	s0 =	simm.s32 @!p0 $0x6  }
0x302: {  	_ =	swait.ge @!p0 [sflag:s0], s1  }
0x303: {  	s1 =	ssub.s32 @!p0 $0x0, s1;
	[sflag:s0] =	ssyncset.done @!p0 $0x0  }
0x304: {  	[sflag:s0] =	ssyncadd.s32 @!p0 s1  }
0x305: {  	[bflag:$0x3] =	sbarrier.arrive $0xFFFF  }
0x306: {  	_ =	shalt  }

</sc_bundles>
